<compile_context>
chip_gen: v7x
topology: tpu7x:2x2x1
jax: 0.10.2.dev20260603
libtpu: 0.0.44.dev20260713+nightly
codegen_flags: <defaults>
</compile_context>

<pallas_src>
import functools

import jax
import jax.numpy as jnp
from jax import lax
from jax.experimental import pallas as pl
from jax.experimental.pallas import tpu as pltpu
from jax.experimental.pallas import tpu_sc as plsc

NC = 2
NS = 16
NW = NC * NS
L = 16
NCHUNK = 3

_SC_PARAMS = pltpu.CompilerParams(
    needs_layout_passes=False, use_tc_tiling_on_sc=False)


def _pad1(x, n, val):
    return jnp.pad(x, (0, n - x.shape[0]), constant_values=val)


def _trig(ang2d):
    def body(a_ref, c_ref, s_ref):
        a = a_ref[...]
        c_ref[...] = jnp.cos(a)
        s_ref[...] = jnp.sin(a)

    return pl.pallas_call(
        body,
        out_shape=[jax.ShapeDtypeStruct(ang2d.shape, jnp.float32)] * 2,
    )(ang2d)


def _mesh():
    return plsc.VectorSubcoreMesh(
        core_axis_name="c", subcore_axis_name="s",
        num_cores=NC, num_subcores=NS)


@functools.lru_cache(maxsize=None)
def _table_kernel(N, N_pad, CN):
    CNL = N - (NW - 1) * CN
    assert 0 < CNL <= CN and CNL % 8 == 0

    @functools.partial(
        pl.kernel,
        out_type=jax.ShapeDtypeStruct((N_pad, 8), jnp.float32),
        mesh=_mesh(),
        compiler_params=_SC_PARAMS,
        scratch_types=[
            pltpu.VMEM((CN,), jnp.float32),
            pltpu.VMEM((CN,), jnp.float32),
            pltpu.VMEM((CN,), jnp.float32),
            pltpu.VMEM((CN,), jnp.float32),
            pltpu.VMEM((CN, 8), jnp.float32),
        ],
    )
    def table_k(hi, ki, uxi, uyi, out, hv, kv, uxv, uyv, tbl):
        wid = lax.axis_index("s") * NC + lax.axis_index("c")
        base = wid * CN
        last = wid == NW - 1

        @pl.when(jnp.logical_not(last))
        def _():
            pltpu.sync_copy(hi.at[pl.ds(base, CN)], hv)
            pltpu.sync_copy(ki.at[pl.ds(base, CN)], kv)
            pltpu.sync_copy(uxi.at[pl.ds(base, CN)], uxv)
            pltpu.sync_copy(uyi.at[pl.ds(base, CN)], uyv)

        @pl.when(last)
        def _():
            pltpu.sync_copy(hi.at[pl.ds(base, CNL)], hv.at[pl.ds(0, CNL)])
            pltpu.sync_copy(ki.at[pl.ds(base, CNL)], kv.at[pl.ds(0, CNL)])
            pltpu.sync_copy(uxi.at[pl.ds(base, CNL)], uxv.at[pl.ds(0, CNL)])
            pltpu.sync_copy(uyi.at[pl.ds(base, CNL)], uyv.at[pl.ds(0, CNL)])

        zero = jnp.zeros((L,), jnp.int32)

        def body(j, carry):
            lanes = j * L + lax.iota(jnp.int32, L)
            sl = pl.ds(j * L, L)
            plsc.store_scatter(tbl, [lanes, zero], hv[sl])
            plsc.store_scatter(tbl, [lanes, zero + 1], kv[sl])
            plsc.store_scatter(tbl, [lanes, zero + 2], uxv[sl])
            plsc.store_scatter(tbl, [lanes, zero + 3], uyv[sl])
            return carry

        lax.fori_loop(0, CN // L, body, 0)
        pltpu.sync_copy(tbl, out.at[pl.ds(base, CN)])

    return table_k


@functools.lru_cache(maxsize=None)
def _link_kernel(E_pad, CL):
    CH = CL // NCHUNK

    @functools.partial(
        pl.kernel,
        out_type=jax.ShapeDtypeStruct((E_pad, 8), jnp.float32),
        mesh=_mesh(),
        compiler_params=_SC_PARAMS,
        scratch_types=[
            pltpu.VMEM((CH,), jnp.int32),
            pltpu.VMEM((CH,), jnp.int32),
            pltpu.VMEM((CH,), jnp.int32),
            pltpu.VMEM((CH,), jnp.int32),
            pltpu.VMEM((CH, 8), jnp.float32),
            pltpu.VMEM((CH, 8), jnp.float32),
            pltpu.VMEM((CH, 8), jnp.float32),
            pltpu.VMEM((CH, 8), jnp.float32),
            pltpu.VMEM((CH,), jnp.float32),
            pltpu.VMEM((CH,), jnp.float32),
            pltpu.VMEM((CH,), jnp.float32),
            pltpu.VMEM((CH, 8), jnp.float32),
            pltpu.SemaphoreType.DMA,
            pltpu.SemaphoreType.DMA,
        ],
    )
    def link_k(table, headi, taili, cosa, sina, leng, qgout,
               hd0, hd1, tl0, tl1, hr0, hr1, tr0, tr1,
               cosv, sinv, lenv, qg, s1, s2):
        wid = lax.axis_index("s") * NC + lax.axis_index("c")
        zero = jnp.zeros((L,), jnp.int32)
        one = zero + 1
        two = zero + 2
        three = zero + 3
        hds = [hd0, hd1]
        tls = [tl0, tl1]
        hrs = [hr0, hr1]
        trs = [tr0, tr1]
        sems = [s1, s2]

        def issue(ch, slot):
            base = wid * CL + ch * CH
            pltpu.sync_copy(headi.at[pl.ds(base, CH)], hds[slot])
            pltpu.sync_copy(taili.at[pl.ds(base, CH)], tls[slot])
            return (pltpu.async_copy(table.at[hds[slot]], hrs[slot],
                                     sems[slot]),
                    pltpu.async_copy(table.at[tls[slot]], trs[slot],
                                     sems[slot]))

        pend = [None, None]
        pend[0] = issue(0, 0)
        for ch in range(NCHUNK):
            slot = ch % 2
            if ch + 1 < NCHUNK:
                pend[(ch + 1) % 2] = issue(ch + 1, (ch + 1) % 2)
            base = wid * CL + ch * CH
            pltpu.sync_copy(cosa.at[pl.ds(base, CH)], cosv)
            pltpu.sync_copy(sina.at[pl.ds(base, CH)], sinv)
            pltpu.sync_copy(leng.at[pl.ds(base, CH)], lenv)
            pend[slot][0].wait()
            pend[slot][1].wait()
            hrows = hrs[slot]
            trows = trs[slot]

            def body(j, carry):
                lanes = j * L + lax.iota(jnp.int32, L)
                hh = plsc.load_gather(hrows, [lanes, zero])
                kh = plsc.load_gather(hrows, [lanes, one])
                uxh = plsc.load_gather(hrows, [lanes, two])
                uyh = plsc.load_gather(hrows, [lanes, three])
                ht = plsc.load_gather(trows, [lanes, zero])
                kt = plsc.load_gather(trows, [lanes, one])
                uxt = plsc.load_gather(trows, [lanes, two])
                uyt = plsc.load_gather(trows, [lanes, three])
                co = cosv[pl.ds(j * L, L)]
                si = sinv[pl.ds(j * L, L)]
                le = lenv[pl.ds(j * L, L)]
                grad = (hh - ht) / le
                kon = jnp.where(ht > hh, kt, kh)
                vec = 0.5 * (uxh + uxt) * co + 0.5 * (uyh + uyt) * si
                plsc.store_scatter(qg, [lanes, zero], vec - kon * grad)
                plsc.store_scatter(qg, [lanes, one], grad)
                return carry

            lax.fori_loop(0, CH // L, body, 0)
            pltpu.sync_copy(qg, qgout.at[pl.ds(base, CH)])

    return link_k


@functools.lru_cache(maxsize=None)
def _node_kernel(N, N_pad, CN):
    NH = 4
    CNH = CN // NH
    CNH4 = 4 * CNH
    CNL = N - (NW - 1) * CN
    assert 0 < CNL <= CN and CNL % 8 == 0

    @functools.partial(
        pl.kernel,
        out_type=jax.ShapeDtypeStruct((N,), jnp.float32),
        mesh=_mesh(),
        compiler_params=_SC_PARAMS,
        scratch_types=[
            pltpu.VMEM((4, CN), jnp.int32),
            pltpu.VMEM((CNH4,), jnp.int32),
            pltpu.VMEM((CNH4,), jnp.int32),
            pltpu.VMEM((CNH4, 8), jnp.float32),
            pltpu.VMEM((CNH4, 8), jnp.float32),
            pltpu.VMEM((CN,), jnp.int32),
            pltpu.VMEM((CN,), jnp.float32),
            pltpu.VMEM((CN,), jnp.float32),
            pltpu.SemaphoreType.DMA,
            pltpu.SemaphoreType.DMA,
        ],
    )
    def node_k(qgtab, comb2, stat, area, out,
               l2d, lv0, lv1, rows0, rows1, statusv, areav, outv, s1, s2):
        wid = lax.axis_index("s") * NC + lax.axis_index("c")
        base = wid * CN
        pltpu.sync_copy(comb2.at[:, pl.ds(base, CN)], l2d)
        pltpu.sync_copy(stat.at[pl.ds(base, CN)], statusv)
        pltpu.sync_copy(area.at[pl.ds(base, CN)], areav)
        zero = jnp.zeros((L,), jnp.int32)
        one = zero + 1
        lvs = [lv0, lv1]
        rws = [rows0, rows1]
        sems = [s1, s2]

        def flatten(h, lv):
            def flat_body(j, carry):
                for s in range(4):
                    v = l2d[s, pl.ds(h * CNH + j * L, L)]
                    lv[pl.ds(s * CNH + j * L, L)] = jnp.right_shift(v, 2)
                return carry

            lax.fori_loop(0, CNH // L, flat_body, 0)

        def compute(h, rows):
            def body(j, carry):
                lanes = j * L + lax.iota(jnp.int32, L)
                sl = pl.ds(h * CNH + j * L, L)
                acc = jnp.zeros((L,), jnp.float32)
                gsum = jnp.zeros((L,), jnp.float32)
                for s in range(4):
                    r = lanes + s * CNH
                    q = plsc.load_gather(rows, [r, zero])
                    g = plsc.load_gather(rows, [r, one])
                    d = ((l2d[s, sl] & 3) - 1).astype(jnp.float32)
                    acc = acc + d * q
                    gsum = gsum + g
                div = jnp.where(statusv[sl] == 0, acc / areav[sl], 0.0)
                outv[sl] = div + gsum * 0.25
                return carry

            lax.fori_loop(0, CNH // L, body, 0)

        flatten(0, lvs[0])
        cps = [None, None]
        cps[0] = pltpu.async_copy(qgtab.at[lvs[0]], rws[0], sems[0])
        for h in range(NH):
            cur, nxt = h % 2, (h + 1) % 2
            if h + 1 < NH:
                flatten(h + 1, lvs[nxt])
                cps[nxt] = pltpu.async_copy(
                    qgtab.at[lvs[nxt]], rws[nxt], sems[nxt])
            cps[cur].wait()
            compute(h, rws[cur])

        last = wid == NW - 1

        @pl.when(jnp.logical_not(last))
        def _():
            pltpu.sync_copy(outv, out.at[pl.ds(base, CN)])

        @pl.when(last)
        def _():
            pltpu.sync_copy(outv.at[pl.ds(0, CNL)], out.at[pl.ds(base, CNL)])

    return node_k


def kernel(h, k, ux, uy, node_at_link_head, node_at_link_tail, links_at_node,
           link_dirs_at_node, length_of_link, angle_of_link,
           cell_area_at_node, status_at_node):
    N = h.shape[0]
    E = length_of_link.shape[0]
    CL = -(-E // (NW * L * NCHUNK)) * L * NCHUNK
    E_pad = NW * CL
    CN = -(-N // (NW * L)) * L
    N_pad = NW * CN
    i32, f32 = jnp.int32, jnp.float32

    headp = _pad1(node_at_link_head.astype(i32), E_pad, 0)
    tailp = _pad1(node_at_link_tail.astype(i32), E_pad, 0)
    lenp = _pad1(length_of_link.astype(f32), E_pad, 1.0)
    angp = _pad1(angle_of_link.astype(f32), E_pad, 0.0)
    cosa2, sina2 = _trig(angp.reshape(E_pad // 128, 128))
    cosa = cosa2.reshape(E_pad)
    sina = sina2.reshape(E_pad)
    comb = links_at_node.astype(i32) * 4 + (link_dirs_at_node.astype(i32) + 1)
    comb2 = jnp.pad(comb.T, ((0, 0), (0, N_pad - N)))
    statp = _pad1(status_at_node.astype(i32), N_pad, 1)
    areap = _pad1(cell_area_at_node.astype(f32), N_pad, 1.0)

    table = _table_kernel(N, N_pad, CN)(
        h.astype(f32), k.astype(f32), ux.astype(f32), uy.astype(f32))
    qgtab = _link_kernel(E_pad, CL)(table, headp, tailp, cosa, sina, lenp)
    return _node_kernel(N, N_pad, CN)(qgtab, comb2, statp, areap)

# --- scband reference (transcript-rebuilt; emitter-appended) ---
"""Pipeline reference for scband-static-grid-6811818132156 (READ-ONLY COPY).

The authoritative reference and input builder live on the scoring server;
editing this copy changes nothing except your own understanding.
"""

import jax, jax.numpy as jnp
import numpy as np

N = 100000
E = 199350


def setup_inputs(seed: int = 0) -> dict:
    key = jax.random.key(seed)
    ks = jax.random.split(key, 12)
    h = jax.random.uniform(ks[0], (N,), jnp.float32)
    k = jax.random.uniform(ks[1], (N,), jnp.float32, 0.1, 1.0)
    ux = jax.random.normal(ks[2], (N,), jnp.float32)
    uy = jax.random.normal(ks[3], (N,), jnp.float32)
    node_at_link_head = jax.random.randint(ks[4], (E,), 0, N, jnp.int64)
    node_at_link_tail = jax.random.randint(ks[5], (E,), 0, N, jnp.int64)
    links_at_node = jax.random.randint(ks[6], (N, 4), 0, E, jnp.int64)
    # link directions in {-1, 0, 1} (declared randint fill_max=3, shifted by -1)
    link_dirs_at_node = jax.random.randint(ks[7], (N, 4), -1, 2, jnp.int32)
    length_of_link = jax.random.uniform(ks[8], (E,), jnp.float32, 0.5, 1.5)
    angle_of_link = jax.random.uniform(ks[9], (E,), jnp.float32, 0.0, 2.0 * np.pi)
    cell_area_at_node = jax.random.uniform(ks[10], (N,), jnp.float32, 0.5, 1.5)
    status_at_node = jax.random.randint(ks[11], (N,), 0, 2, jnp.int32)
    return {
        "h": h, "k": k, "ux": ux, "uy": uy,
        "node_at_link_head": node_at_link_head,
        "node_at_link_tail": node_at_link_tail,
        "links_at_node": links_at_node,
        "link_dirs_at_node": link_dirs_at_node,
        "length_of_link": length_of_link,
        "angle_of_link": angle_of_link,
        "cell_area_at_node": cell_area_at_node,
        "status_at_node": status_at_node,
    }


def reference(h, k, ux, uy, node_at_link_head, node_at_link_tail, links_at_node,
              link_dirs_at_node, length_of_link, angle_of_link,
              cell_area_at_node, status_at_node):
    head = node_at_link_head
    tail = node_at_link_tail
    dirs = link_dirs_at_node.astype(jnp.float32)

    # map_vectors_to_links (uses map_mean_of_link_nodes_to_link internally)
    ux_at_link = 0.5 * (ux[head] + ux[tail])
    uy_at_link = 0.5 * (uy[head] + uy[tail])
    magnitude = jnp.sqrt(ux_at_link ** 2 + uy_at_link ** 2)
    vector_angle = jnp.arctan2(uy_at_link, ux_at_link)
    vec_on_link = magnitude * jnp.cos(vector_angle - angle_of_link)

    # map_value_at_max_node_to_link (upwind diffusivity k controlled by h)
    ctrl_heads = h[head]
    ctrl_tails = h[tail]
    k_on_link = jnp.where(ctrl_tails > ctrl_heads, k[tail], k[head])

    # calc_grad_at_link
    grad = jnp.divide(h[head] - h[tail], length_of_link)

    # link flux: advective + diffusive
    q = -k_on_link * grad + vec_on_link

    # calc_flux_div_at_node (uses sum_at_nodes)
    summed = jnp.sum(dirs * q[links_at_node], axis=1)
    div = jnp.where(status_at_node == 0, jnp.divide(summed, cell_area_at_node), 0.0)

    # calc_slope_at_node (uses map_mean_of_links_to_node of grad)
    slope = jnp.mean(grad[links_at_node], axis=1)

    return div + slope

if __name__ == "__main__":
    import jax
    _d = setup_inputs()
    print(jax.jit(kernel)(*tuple(_d.values())))

</pallas_src>

<mosaic_0001>
#map = affine_map<(d0, d1) -> (0, 0)>
#map1 = affine_map<(d0, d1) -> (0)>
module attributes {stable_mosaic.version = 14 : i64} {
  func.func @node_k(%arg0: i32, %arg1: i32, %arg2: memref<199680x8xf32, #tpu.memory_space<hbm>>, %arg3: memref<4x100352xi32, #tpu.memory_space<hbm>>, %arg4: memref<100352xi32, #tpu.memory_space<hbm>>, %arg5: memref<100352xf32, #tpu.memory_space<hbm>>, %arg6: memref<100000xf32, #tpu.memory_space<hbm>>, %arg7: memref<4x3136xi32, #tpu.memory_space<vmem>>, %arg8: memref<3136xi32, #tpu.memory_space<vmem>>, %arg9: memref<3136xi32, #tpu.memory_space<vmem>>, %arg10: memref<3136x8xf32, #tpu.memory_space<vmem>>, %arg11: memref<3136x8xf32, #tpu.memory_space<vmem>>, %arg12: memref<3136xi32, #tpu.memory_space<vmem>>, %arg13: memref<3136xf32, #tpu.memory_space<vmem>>, %arg14: memref<3136xf32, #tpu.memory_space<vmem>>, %arg15: memref<!tpu.dma_semaphore, #tpu.memory_space<semaphore_mem>>, %arg16: memref<!tpu.dma_semaphore, #tpu.memory_space<semaphore_mem>>) attributes {dimension_semantics = [#tpu.dimension_semantics<core_parallel>, #tpu.dimension_semantics<subcore_parallel>], iteration_bounds = array<i64: 2, 16>, scalar_prefetch = 0 : i64, scratch_operands = 10 : i64, tpu.core_type = #tpu.core_type<sc_vector_subcore>, window_params = [{transform_indices = #map}, {transform_indices = #map}, {transform_indices = #map1}, {transform_indices = #map1}, {transform_indices = #map1}]} {
    %mul3A = arith.constant 2 : i32
    %mul3A_0 = arith.muli %arg1, %mul3A : i32
    %add3A = arith.addi %mul3A_0, %arg0 : i32
    %mul3A_1 = arith.constant 3136 : i32
    %mul3A_2 = arith.muli %add3A, %mul3A_1 : i32
    "tpu.region"() ({
      %run_scoped3A = tpu.sem_alloc : memref<!tpu.dma_semaphore, #tpu.memory_space<semaphore_mem>>
      %dma_start3A_82 = arith.constant 0 : i32
      %dma_start3A_83 = tpu.memref_slice %arg3[%dma_start3A_82, %mul3A_2] : memref<4x100352xi32, #tpu.memory_space<hbm>> -> memref<4x3136xi32, #tpu.memory_space<hbm>>
      %dma_start3A_84 = arith.constant 0 : i32
      %dma_start3A_85 = tpu.memref_slice %arg3[%dma_start3A_84, %mul3A_2] : memref<4x100352xi32, #tpu.memory_space<hbm>> -> memref<4x3136xi32, #tpu.memory_space<hbm>>
      tpu.enqueue_dma source(%dma_start3A_85 : memref<4x3136xi32, #tpu.memory_space<hbm>>) target(%arg7 : memref<4x3136xi32, #tpu.memory_space<vmem>>) target_semaphore(%run_scoped3A : memref<!tpu.dma_semaphore, #tpu.memory_space<semaphore_mem>>)
      %dma_wait3A_86 = arith.constant 0 : i32
      %dma_wait3A_87 = tpu.memref_slice %arg3[%dma_wait3A_86, %mul3A_2] : memref<4x100352xi32, #tpu.memory_space<hbm>> -> memref<4x3136xi32, #tpu.memory_space<hbm>>
      %dma_wait3A_88 = arith.constant 0 : i32
      %dma_wait3A_89 = tpu.memref_slice %arg3[%dma_wait3A_88, %mul3A_2] : memref<4x100352xi32, #tpu.memory_space<hbm>> -> memref<4x3136xi32, #tpu.memory_space<hbm>>
      tpu.wait_dma2 semaphore(%run_scoped3A : memref<!tpu.dma_semaphore, #tpu.memory_space<semaphore_mem>>) src(%dma_wait3A_89 : memref<4x3136xi32, #tpu.memory_space<hbm>>) dst(%arg7 : memref<4x3136xi32, #tpu.memory_space<vmem>>)
      tpu.yield
    }) : () -> ()
    "tpu.region"() ({
      %run_scoped3A = tpu.sem_alloc : memref<!tpu.dma_semaphore, #tpu.memory_space<semaphore_mem>>
      %dma_start3A_82 = tpu.memref_slice %arg4[%mul3A_2] : memref<100352xi32, #tpu.memory_space<hbm>> -> memref<3136xi32, #tpu.memory_space<hbm>>
      %dma_start3A_83 = tpu.memref_slice %arg4[%mul3A_2] : memref<100352xi32, #tpu.memory_space<hbm>> -> memref<3136xi32, #tpu.memory_space<hbm>>
      tpu.enqueue_dma source(%dma_start3A_83 : memref<3136xi32, #tpu.memory_space<hbm>>) target(%arg12 : memref<3136xi32, #tpu.memory_space<vmem>>) target_semaphore(%run_scoped3A : memref<!tpu.dma_semaphore, #tpu.memory_space<semaphore_mem>>)
      %dma_wait3A_84 = tpu.memref_slice %arg4[%mul3A_2] : memref<100352xi32, #tpu.memory_space<hbm>> -> memref<3136xi32, #tpu.memory_space<hbm>>
      %dma_wait3A_85 = tpu.memref_slice %arg4[%mul3A_2] : memref<100352xi32, #tpu.memory_space<hbm>> -> memref<3136xi32, #tpu.memory_space<hbm>>
      tpu.wait_dma2 semaphore(%run_scoped3A : memref<!tpu.dma_semaphore, #tpu.memory_space<semaphore_mem>>) src(%dma_wait3A_85 : memref<3136xi32, #tpu.memory_space<hbm>>) dst(%arg12 : memref<3136xi32, #tpu.memory_space<vmem>>)
      tpu.yield
    }) : () -> ()
    "tpu.region"() ({
      %run_scoped3A = tpu.sem_alloc : memref<!tpu.dma_semaphore, #tpu.memory_space<semaphore_mem>>
      %dma_start3A_82 = tpu.memref_slice %arg5[%mul3A_2] : memref<100352xf32, #tpu.memory_space<hbm>> -> memref<3136xf32, #tpu.memory_space<hbm>>
      %dma_start3A_83 = tpu.memref_slice %arg5[%mul3A_2] : memref<100352xf32, #tpu.memory_space<hbm>> -> memref<3136xf32, #tpu.memory_space<hbm>>
      tpu.enqueue_dma source(%dma_start3A_83 : memref<3136xf32, #tpu.memory_space<hbm>>) target(%arg13 : memref<3136xf32, #tpu.memory_space<vmem>>) target_semaphore(%run_scoped3A : memref<!tpu.dma_semaphore, #tpu.memory_space<semaphore_mem>>)
      %dma_wait3A_84 = tpu.memref_slice %arg5[%mul3A_2] : memref<100352xf32, #tpu.memory_space<hbm>> -> memref<3136xf32, #tpu.memory_space<hbm>>
      %dma_wait3A_85 = tpu.memref_slice %arg5[%mul3A_2] : memref<100352xf32, #tpu.memory_space<hbm>> -> memref<3136xf32, #tpu.memory_space<hbm>>
      tpu.wait_dma2 semaphore(%run_scoped3A : memref<!tpu.dma_semaphore, #tpu.memory_space<semaphore_mem>>) src(%dma_wait3A_85 : memref<3136xf32, #tpu.memory_space<hbm>>) dst(%arg13 : memref<3136xf32, #tpu.memory_space<vmem>>)
      tpu.yield
    }) : () -> ()
    %broadcast_in_dim3A = arith.constant 0 : i32
    %broadcast_in_dim3A_3 = vector.broadcast %broadcast_in_dim3A : i32 to vector<16xi32>
    %add3A_4 = arith.constant 1 : i32
    %add3A_5 = vector.broadcast %add3A_4 : i32 to vector<16xi32>
    %add3A_6 = arith.addi %broadcast_in_dim3A_3, %add3A_5 : vector<16xi32>
    %scan3A = arith.constant 0 : i32
    %scan3A_7 = arith.constant 0 : i32
    %scan3A_8 = arith.constant 49 : i32
    %scan3A_9 = arith.addi %scan3A_7, %scan3A_8 : i32
    %scan3A_10 = arith.constant 1 : i32
    scf.for %scan3A_82 = %scan3A_7 to %scan3A_9 step %scan3A_10  : i32 {
      %mul3A_83 = arith.constant 16 : i32
      %mul3A_84 = arith.muli %scan3A_82, %mul3A_83 : i32
      %add3A_85 = arith.constant 0 : i32
      %add3A_86 = arith.addi %add3A_85, %mul3A_84 : i32
      %get3A = arith.constant 0 : i32
      %get3A_87 = arith.index_cast %get3A : i32 to index
      %get3A_88 = arith.index_cast %add3A_86 : i32 to index
      %get3A_89 = tpu.vector_load %arg7[%get3A_87, %get3A_88] {strides = array<i32>} : memref<4x3136xi32, #tpu.memory_space<vmem>>, vector<16xi32>,
      %shift_right_arithmetic3A = arith.constant 2 : i32
      %shift_right_arithmetic3A_90 = vector.broadcast %shift_right_arithmetic3A : i32 to vector<16xi32>
      %shift_right_arithmetic3A_91 = arith.shrsi %get3A_89, %shift_right_arithmetic3A_90 : vector<16xi32>
      %mul3A_92 = arith.constant 16 : i32
      %mul3A_93 = arith.muli %scan3A_82, %mul3A_92 : i32
      %add3A_94 = arith.constant 0 : i32
      %add3A_95 = arith.addi %add3A_94, %mul3A_93 : i32
      %swap3A = arith.index_cast %add3A_95 : i32 to index
      %swap3A_96 = tpu.vector_load %arg8[%swap3A] {strides = array<i32>} : memref<3136xi32, #tpu.memory_space<vmem>>, vector<16xi32>,
      tpu.vector_store %arg8[%swap3A], %shift_right_arithmetic3A_91 {strides = array<i32>} : memref<3136xi32, #tpu.memory_space<vmem>>, vector<16xi32>,
      %mul3A_97 = arith.constant 16 : i32
      %mul3A_98 = arith.muli %scan3A_82, %mul3A_97 : i32
      %add3A_99 = arith.constant 0 : i32
      %add3A_100 = arith.addi %add3A_99, %mul3A_98 : i32
      %get3A_101 = arith.constant 1 : i32
      %get3A_102 = arith.index_cast %get3A_101 : i32 to index
      %get3A_103 = arith.index_cast %add3A_100 : i32 to index
      %get3A_104 = tpu.vector_load %arg7[%get3A_102, %get3A_103] {strides = array<i32>} : memref<4x3136xi32, #tpu.memory_space<vmem>>, vector<16xi32>,
      %shift_right_arithmetic3A_105 = arith.constant 2 : i32
      %shift_right_arithmetic3A_106 = vector.broadcast %shift_right_arithmetic3A_105 : i32 to vector<16xi32>
      %shift_right_arithmetic3A_107 = arith.shrsi %get3A_104, %shift_right_arithmetic3A_106 : vector<16xi32>
      %mul3A_108 = arith.constant 16 : i32
      %mul3A_109 = arith.muli %scan3A_82, %mul3A_108 : i32
      %add3A_110 = arith.constant 784 : i32
      %add3A_111 = arith.addi %add3A_110, %mul3A_109 : i32
      %swap3A_112 = arith.index_cast %add3A_111 : i32 to index
      %swap3A_113 = tpu.vector_load %arg8[%swap3A_112] {strides = array<i32>} : memref<3136xi32, #tpu.memory_space<vmem>>, vector<16xi32>,
      tpu.vector_store %arg8[%swap3A_112], %shift_right_arithmetic3A_107 {strides = array<i32>} : memref<3136xi32, #tpu.memory_space<vmem>>, vector<16xi32>,
      %mul3A_114 = arith.constant 16 : i32
      %mul3A_115 = arith.muli %scan3A_82, %mul3A_114 : i32
      %add3A_116 = arith.constant 0 : i32
      %add3A_117 = arith.addi %add3A_116, %mul3A_115 : i32
      %get3A_118 = arith.constant 2 : i32
      %get3A_119 = arith.index_cast %get3A_118 : i32 to index
      %get3A_120 = arith.index_cast %add3A_117 : i32 to index
      %get3A_121 = tpu.vector_load %arg7[%get3A_119, %get3A_120] {strides = array<i32>} : memref<4x3136xi32, #tpu.memory_space<vmem>>, vector<16xi32>,
      %shift_right_arithmetic3A_122 = arith.constant 2 : i32
      %shift_right_arithmetic3A_123 = vector.broadcast %shift_right_arithmetic3A_122 : i32 to vector<16xi32>
      %shift_right_arithmetic3A_124 = arith.shrsi %get3A_121, %shift_right_arithmetic3A_123 : vector<16xi32>
      %mul3A_125 = arith.constant 16 : i32
      %mul3A_126 = arith.muli %scan3A_82, %mul3A_125 : i32
      %add3A_127 = arith.constant 1568 : i32
      %add3A_128 = arith.addi %add3A_127, %mul3A_126 : i32
      %swap3A_129 = arith.index_cast %add3A_128 : i32 to index
      %swap3A_130 = tpu.vector_load %arg8[%swap3A_129] {strides = array<i32>} : memref<3136xi32, #tpu.memory_space<vmem>>, vector<16xi32>,
      tpu.vector_store %arg8[%swap3A_129], %shift_right_arithmetic3A_124 {strides = array<i32>} : memref<3136xi32, #tpu.memory_space<vmem>>, vector<16xi32>,
      %mul3A_131 = arith.constant 16 : i32
      %mul3A_132 = arith.muli %scan3A_82, %mul3A_131 : i32
      %add3A_133 = arith.constant 0 : i32
      %add3A_134 = arith.addi %add3A_133, %mul3A_132 : i32
      %get3A_135 = arith.constant 3 : i32
      %get3A_136 = arith.index_cast %get3A_135 : i32 to index
      %get3A_137 = arith.index_cast %add3A_134 : i32 to index
      %get3A_138 = tpu.vector_load %arg7[%get3A_136, %get3A_137] {strides = array<i32>} : memref<4x3136xi32, #tpu.memory_space<vmem>>, vector<16xi32>,
      %shift_right_arithmetic3A_139 = arith.constant 2 : i32
      %shift_right_arithmetic3A_140 = vector.broadcast %shift_right_arithmetic3A_139 : i32 to vector<16xi32>
      %shift_right_arithmetic3A_141 = arith.shrsi %get3A_138, %shift_right_arithmetic3A_140 : vector<16xi32>
      %mul3A_142 = arith.constant 16 : i32
      %mul3A_143 = arith.muli %scan3A_82, %mul3A_142 : i32
      %add3A_144 = arith.constant 2352 : i32
      %add3A_145 = arith.addi %add3A_144, %mul3A_143 : i32
      %swap3A_146 = arith.index_cast %add3A_145 : i32 to index
      %swap3A_147 = tpu.vector_load %arg8[%swap3A_146] {strides = array<i32>} : memref<3136xi32, #tpu.memory_space<vmem>>, vector<16xi32>,
      tpu.vector_store %arg8[%swap3A_146], %shift_right_arithmetic3A_141 {strides = array<i32>} : memref<3136xi32, #tpu.memory_space<vmem>>, vector<16xi32>,
    }
    %scan3A_11 = arith.constant 49 : i32
    %dma_start3A = arith.constant 0 : i32
    %dma_start3A_12 = arith.constant 0 : i32
    %dma_start3A_13 = tpu.memref_slice %arg2[%dma_start3A, %dma_start3A_12] : memref<199680x8xf32, #tpu.memory_space<hbm>> -> memref<199680x8xf32, #tpu.memory_space<hbm>>
    tpu.enqueue_indirect_dma source(%dma_start3A_13 : memref<199680x8xf32, #tpu.memory_space<hbm>>) target(%arg10 : memref<3136x8xf32, #tpu.memory_space<vmem>>) offsets(%arg8 : memref<3136xi32, #tpu.memory_space<vmem>>) semaphore(%arg15 : memref<!tpu.dma_semaphore, #tpu.memory_space<semaphore_mem>>)
    %scan3A_14 = arith.constant 0 : i32
    %scan3A_15 = arith.constant 0 : i32
    %scan3A_16 = arith.constant 49 : i32
    %scan3A_17 = arith.addi %scan3A_15, %scan3A_16 : i32
    %scan3A_18 = arith.constant 1 : i32
    scf.for %scan3A_82 = %scan3A_15 to %scan3A_17 step %scan3A_18  : i32 {
      %mul3A_83 = arith.constant 16 : i32
      %mul3A_84 = arith.muli %scan3A_82, %mul3A_83 : i32
      %add3A_85 = arith.constant 784 : i32
      %add3A_86 = arith.addi %add3A_85, %mul3A_84 : i32
      %get3A = arith.constant 0 : i32
      %get3A_87 = arith.index_cast %get3A : i32 to index
      %get3A_88 = arith.index_cast %add3A_86 : i32 to index
      %get3A_89 = tpu.vector_load %arg7[%get3A_87, %get3A_88] {strides = array<i32>} : memref<4x3136xi32, #tpu.memory_space<vmem>>, vector<16xi32>,
      %shift_right_arithmetic3A = arith.constant 2 : i32
      %shift_right_arithmetic3A_90 = vector.broadcast %shift_right_arithmetic3A : i32 to vector<16xi32>
      %shift_right_arithmetic3A_91 = arith.shrsi %get3A_89, %shift_right_arithmetic3A_90 : vector<16xi32>
      %mul3A_92 = arith.constant 16 : i32
      %mul3A_93 = arith.muli %scan3A_82, %mul3A_92 : i32
      %add3A_94 = arith.constant 0 : i32
      %add3A_95 = arith.addi %add3A_94, %mul3A_93 : i32
      %swap3A = arith.index_cast %add3A_95 : i32 to index
      %swap3A_96 = tpu.vector_load %arg9[%swap3A] {strides = array<i32>} : memref<3136xi32, #tpu.memory_space<vmem>>, vector<16xi32>,
      tpu.vector_store %arg9[%swap3A], %shift_right_arithmetic3A_91 {strides = array<i32>} : memref<3136xi32, #tpu.memory_space<vmem>>, vector<16xi32>,
      %mul3A_97 = arith.constant 16 : i32
      %mul3A_98 = arith.muli %scan3A_82, %mul3A_97 : i32
      %add3A_99 = arith.constant 784 : i32
      %add3A_100 = arith.addi %add3A_99, %mul3A_98 : i32
      %get3A_101 = arith.constant 1 : i32
      %get3A_102 = arith.index_cast %get3A_101 : i32 to index
      %get3A_103 = arith.index_cast %add3A_100 : i32 to index
      %get3A_104 = tpu.vector_load %arg7[%get3A_102, %get3A_103] {strides = array<i32>} : memref<4x3136xi32, #tpu.memory_space<vmem>>, vector<16xi32>,
      %shift_right_arithmetic3A_105 = arith.constant 2 : i32
      %shift_right_arithmetic3A_106 = vector.broadcast %shift_right_arithmetic3A_105 : i32 to vector<16xi32>
      %shift_right_arithmetic3A_107 = arith.shrsi %get3A_104, %shift_right_arithmetic3A_106 : vector<16xi32>
      %mul3A_108 = arith.constant 16 : i32
      %mul3A_109 = arith.muli %scan3A_82, %mul3A_108 : i32
      %add3A_110 = arith.constant 784 : i32
      %add3A_111 = arith.addi %add3A_110, %mul3A_109 : i32
      %swap3A_112 = arith.index_cast %add3A_111 : i32 to index
      %swap3A_113 = tpu.vector_load %arg9[%swap3A_112] {strides = array<i32>} : memref<3136xi32, #tpu.memory_space<vmem>>, vector<16xi32>,
      tpu.vector_store %arg9[%swap3A_112], %shift_right_arithmetic3A_107 {strides = array<i32>} : memref<3136xi32, #tpu.memory_space<vmem>>, vector<16xi32>,
      %mul3A_114 = arith.constant 16 : i32
      %mul3A_115 = arith.muli %scan3A_82, %mul3A_114 : i32
      %add3A_116 = arith.constant 784 : i32
      %add3A_117 = arith.addi %add3A_116, %mul3A_115 : i32
      %get3A_118 = arith.constant 2 : i32
      %get3A_119 = arith.index_cast %get3A_118 : i32 to index
      %get3A_120 = arith.index_cast %add3A_117 : i32 to index
      %get3A_121 = tpu.vector_load %arg7[%get3A_119, %get3A_120] {strides = array<i32>} : memref<4x3136xi32, #tpu.memory_space<vmem>>, vector<16xi32>,
      %shift_right_arithmetic3A_122 = arith.constant 2 : i32
      %shift_right_arithmetic3A_123 = vector.broadcast %shift_right_arithmetic3A_122 : i32 to vector<16xi32>
      %shift_right_arithmetic3A_124 = arith.shrsi %get3A_121, %shift_right_arithmetic3A_123 : vector<16xi32>
      %mul3A_125 = arith.constant 16 : i32
      %mul3A_126 = arith.muli %scan3A_82, %mul3A_125 : i32
      %add3A_127 = arith.constant 1568 : i32
      %add3A_128 = arith.addi %add3A_127, %mul3A_126 : i32
      %swap3A_129 = arith.index_cast %add3A_128 : i32 to index
      %swap3A_130 = tpu.vector_load %arg9[%swap3A_129] {strides = array<i32>} : memref<3136xi32, #tpu.memory_space<vmem>>, vector<16xi32>,
      tpu.vector_store %arg9[%swap3A_129], %shift_right_arithmetic3A_124 {strides = array<i32>} : memref<3136xi32, #tpu.memory_space<vmem>>, vector<16xi32>,
      %mul3A_131 = arith.constant 16 : i32
      %mul3A_132 = arith.muli %scan3A_82, %mul3A_131 : i32
      %add3A_133 = arith.constant 784 : i32
      %add3A_134 = arith.addi %add3A_133, %mul3A_132 : i32
      %get3A_135 = arith.constant 3 : i32
      %get3A_136 = arith.index_cast %get3A_135 : i32 to index
      %get3A_137 = arith.index_cast %add3A_134 : i32 to index
      %get3A_138 = tpu.vector_load %arg7[%get3A_136, %get3A_137] {strides = array<i32>} : memref<4x3136xi32, #tpu.memory_space<vmem>>, vector<16xi32>,
      %shift_right_arithmetic3A_139 = arith.constant 2 : i32
      %shift_right_arithmetic3A_140 = vector.broadcast %shift_right_arithmetic3A_139 : i32 to vector<16xi32>
      %shift_right_arithmetic3A_141 = arith.shrsi %get3A_138, %shift_right_arithmetic3A_140 : vector<16xi32>
      %mul3A_142 = arith.constant 16 : i32
      %mul3A_143 = arith.muli %scan3A_82, %mul3A_142 : i32
      %add3A_144 = arith.constant 2352 : i32
      %add3A_145 = arith.addi %add3A_144, %mul3A_143 : i32
      %swap3A_146 = arith.index_cast %add3A_145 : i32 to index
      %swap3A_147 = tpu.vector_load %arg9[%swap3A_146] {strides = array<i32>} : memref<3136xi32, #tpu.memory_space<vmem>>, vector<16xi32>,
      tpu.vector_store %arg9[%swap3A_146], %shift_right_arithmetic3A_141 {strides = array<i32>} : memref<3136xi32, #tpu.memory_space<vmem>>, vector<16xi32>,
    }
    %scan3A_19 = arith.constant 49 : i32
    %dma_start3A_20 = arith.constant 0 : i32
    %dma_start3A_21 = arith.constant 0 : i32
    %dma_start3A_22 = tpu.memref_slice %arg2[%dma_start3A_20, %dma_start3A_21] : memref<199680x8xf32, #tpu.memory_space<hbm>> -> memref<199680x8xf32, #tpu.memory_space<hbm>>
    tpu.enqueue_indirect_dma source(%dma_start3A_22 : memref<199680x8xf32, #tpu.memory_space<hbm>>) target(%arg11 : memref<3136x8xf32, #tpu.memory_space<vmem>>) offsets(%arg9 : memref<3136xi32, #tpu.memory_space<vmem>>) semaphore(%arg16 : memref<!tpu.dma_semaphore, #tpu.memory_space<semaphore_mem>>)
    %dma_wait3A = arith.constant 0 : i32
    %dma_wait3A_23 = arith.constant 0 : i32
    %dma_wait3A_24 = tpu.memref_slice %arg2[%dma_wait3A, %dma_wait3A_23] : memref<199680x8xf32, #tpu.memory_space<hbm>> -> memref<199680x8xf32, #tpu.memory_space<hbm>>
    tpu.wait_indirect_dma semaphore(%arg15 : memref<!tpu.dma_semaphore, #tpu.memory_space<semaphore_mem>>) src(%dma_wait3A_24 : memref<199680x8xf32, #tpu.memory_space<hbm>>) dst(%arg10 : memref<3136x8xf32, #tpu.memory_space<vmem>>)
    %scan3A_25 = arith.constant 0 : i32
    %scan3A_26 = arith.constant 0 : i32
    %scan3A_27 = arith.constant 49 : i32
    %scan3A_28 = arith.addi %scan3A_26, %scan3A_27 : i32
    %scan3A_29 = arith.constant 1 : i32
    scf.for %scan3A_82 = %scan3A_26 to %scan3A_28 step %scan3A_29  : i32 {
      %mul3A_83 = arith.constant 16 : i32
      %mul3A_84 = arith.muli %scan3A_82, %mul3A_83 : i32
      %iota3A = tpu.iota {dimensions = array<i32: 0>} : vector<16xi32>
      %add3A_85 = vector.broadcast %mul3A_84 : i32 to vector<16xi32>
      %add3A_86 = arith.addi %add3A_85, %iota3A : vector<16xi32>
      %mul3A_87 = arith.constant 16 : i32
      %mul3A_88 = arith.muli %scan3A_82, %mul3A_87 : i32
      %add3A_89 = arith.constant 0 : i32
      %add3A_90 = arith.addi %add3A_89, %mul3A_88 : i32
      %broadcast_in_dim3A_91 = arith.constant 0.000000e+00 : f32
      %broadcast_in_dim3A_92 = vector.broadcast %broadcast_in_dim3A_91 : f32 to vector<16xf32>
      %broadcast_in_dim3A_93 = arith.constant 0.000000e+00 : f32
      %broadcast_in_dim3A_94 = vector.broadcast %broadcast_in_dim3A_93 : f32 to vector<16xf32>
      %add3A_95 = arith.constant 0 : i32
      %add3A_96 = vector.broadcast %add3A_95 : i32 to vector<16xi32>
      %add3A_97 = arith.addi %add3A_86, %add3A_96 : vector<16xi32>
      %gather3A = tpu.vector_load_idx %arg10[%add3A_97, %broadcast_in_dim3A_3] : memref<3136x8xf32, #tpu.memory_space<vmem>>[vector<16xi32>, vector<16xi32>], vector<16xf32>,
      %gather3A_98 = tpu.vector_load_idx %arg10[%add3A_97, %add3A_6] : memref<3136x8xf32, #tpu.memory_space<vmem>>[vector<16xi32>, vector<16xi32>], vector<16xf32>,
      %get3A = arith.constant 0 : i32
      %get3A_99 = arith.index_cast %get3A : i32 to index
      %get3A_100 = arith.index_cast %add3A_90 : i32 to index
      %get3A_101 = tpu.vector_load %arg7[%get3A_99, %get3A_100] {strides = array<i32>} : memref<4x3136xi32, #tpu.memory_space<vmem>>, vector<16xi32>,
      %and3A = arith.constant 3 : i32
      %and3A_102 = vector.broadcast %and3A : i32 to vector<16xi32>
      %and3A_103 = arith.andi %get3A_101, %and3A_102 : vector<16xi32>
      %sub3A = arith.constant 1 : i32
      %sub3A_104 = vector.broadcast %sub3A : i32 to vector<16xi32>
      %sub3A_105 = arith.subi %and3A_103, %sub3A_104 : vector<16xi32>
      %convert_element_type3A_106 = arith.sitofp %sub3A_105 : vector<16xi32> to vector<16xf32>
      %mul3A_107 = arith.mulf %convert_element_type3A_106, %gather3A : vector<16xf32>
      %add3A_108 = arith.addf %broadcast_in_dim3A_92, %mul3A_107 : vector<16xf32>
      %add3A_109 = arith.addf %broadcast_in_dim3A_94, %gather3A_98 : vector<16xf32>
      %add3A_110 = arith.constant 784 : i32
      %add3A_111 = vector.broadcast %add3A_110 : i32 to vector<16xi32>
      %add3A_112 = arith.addi %add3A_86, %add3A_111 : vector<16xi32>
      %gather3A_113 = tpu.vector_load_idx %arg10[%add3A_112, %broadcast_in_dim3A_3] : memref<3136x8xf32, #tpu.memory_space<vmem>>[vector<16xi32>, vector<16xi32>], vector<16xf32>,
      %gather3A_114 = tpu.vector_load_idx %arg10[%add3A_112, %add3A_6] : memref<3136x8xf32, #tpu.memory_space<vmem>>[vector<16xi32>, vector<16xi32>], vector<16xf32>,
      %get3A_115 = arith.constant 1 : i32
      %get3A_116 = arith.index_cast %get3A_115 : i32 to index
      %get3A_117 = arith.index_cast %add3A_90 : i32 to index
      %get3A_118 = tpu.vector_load %arg7[%get3A_116, %get3A_117] {strides = array<i32>} : memref<4x3136xi32, #tpu.memory_space<vmem>>, vector<16xi32>,
      %and3A_119 = arith.constant 3 : i32
      %and3A_120 = vector.broadcast %and3A_119 : i32 to vector<16xi32>
      %and3A_121 = arith.andi %get3A_118, %and3A_120 : vector<16xi32>
      %sub3A_122 = arith.constant 1 : i32
      %sub3A_123 = vector.broadcast %sub3A_122 : i32 to vector<16xi32>
      %sub3A_124 = arith.subi %and3A_121, %sub3A_123 : vector<16xi32>
      %convert_element_type3A_125 = arith.sitofp %sub3A_124 : vector<16xi32> to vector<16xf32>
      %mul3A_126 = arith.mulf %convert_element_type3A_125, %gather3A_113 : vector<16xf32>
      %add3A_127 = arith.addf %add3A_108, %mul3A_126 : vector<16xf32>
      %add3A_128 = arith.addf %add3A_109, %gather3A_114 : vector<16xf32>
      %add3A_129 = arith.constant 1568 : i32
      %add3A_130 = vector.broadcast %add3A_129 : i32 to vector<16xi32>
      %add3A_131 = arith.addi %add3A_86, %add3A_130 : vector<16xi32>
      %gather3A_132 = tpu.vector_load_idx %arg10[%add3A_131, %broadcast_in_dim3A_3] : memref<3136x8xf32, #tpu.memory_space<vmem>>[vector<16xi32>, vector<16xi32>], vector<16xf32>,
      %gather3A_133 = tpu.vector_load_idx %arg10[%add3A_131, %add3A_6] : memref<3136x8xf32, #tpu.memory_space<vmem>>[vector<16xi32>, vector<16xi32>], vector<16xf32>,
      %get3A_134 = arith.constant 2 : i32
      %get3A_135 = arith.index_cast %get3A_134 : i32 to index
      %get3A_136 = arith.index_cast %add3A_90 : i32 to index
      %get3A_137 = tpu.vector_load %arg7[%get3A_135, %get3A_136] {strides = array<i32>} : memref<4x3136xi32, #tpu.memory_space<vmem>>, vector<16xi32>,
      %and3A_138 = arith.constant 3 : i32
      %and3A_139 = vector.broadcast %and3A_138 : i32 to vector<16xi32>
      %and3A_140 = arith.andi %get3A_137, %and3A_139 : vector<16xi32>
      %sub3A_141 = arith.constant 1 : i32
      %sub3A_142 = vector.broadcast %sub3A_141 : i32 to vector<16xi32>
      %sub3A_143 = arith.subi %and3A_140, %sub3A_142 : vector<16xi32>
      %convert_element_type3A_144 = arith.sitofp %sub3A_143 : vector<16xi32> to vector<16xf32>
      %mul3A_145 = arith.mulf %convert_element_type3A_144, %gather3A_132 : vector<16xf32>
      %add3A_146 = arith.addf %add3A_127, %mul3A_145 : vector<16xf32>
      %add3A_147 = arith.addf %add3A_128, %gather3A_133 : vector<16xf32>
      %add3A_148 = arith.constant 2352 : i32
      %add3A_149 = vector.broadcast %add3A_148 : i32 to vector<16xi32>
      %add3A_150 = arith.addi %add3A_86, %add3A_149 : vector<16xi32>
      %gather3A_151 = tpu.vector_load_idx %arg10[%add3A_150, %broadcast_in_dim3A_3] : memref<3136x8xf32, #tpu.memory_space<vmem>>[vector<16xi32>, vector<16xi32>], vector<16xf32>,
      %gather3A_152 = tpu.vector_load_idx %arg10[%add3A_150, %add3A_6] : memref<3136x8xf32, #tpu.memory_space<vmem>>[vector<16xi32>, vector<16xi32>], vector<16xf32>,
      %get3A_153 = arith.constant 3 : i32
      %get3A_154 = arith.index_cast %get3A_153 : i32 to index
      %get3A_155 = arith.index_cast %add3A_90 : i32 to index
      %get3A_156 = tpu.vector_load %arg7[%get3A_154, %get3A_155] {strides = array<i32>} : memref<4x3136xi32, #tpu.memory_space<vmem>>, vector<16xi32>,
      %and3A_157 = arith.constant 3 : i32
      %and3A_158 = vector.broadcast %and3A_157 : i32 to vector<16xi32>
      %and3A_159 = arith.andi %get3A_156, %and3A_158 : vector<16xi32>
      %sub3A_160 = arith.constant 1 : i32
      %sub3A_161 = vector.broadcast %sub3A_160 : i32 to vector<16xi32>
      %sub3A_162 = arith.subi %and3A_159, %sub3A_161 : vector<16xi32>
      %convert_element_type3A_163 = arith.sitofp %sub3A_162 : vector<16xi32> to vector<16xf32>
      %mul3A_164 = arith.mulf %convert_element_type3A_163, %gather3A_151 : vector<16xf32>
      %add3A_165 = arith.addf %add3A_146, %mul3A_164 : vector<16xf32>
      %add3A_166 = arith.addf %add3A_147, %gather3A_152 : vector<16xf32>
      %get3A_167 = arith.index_cast %add3A_90 : i32 to index
      %get3A_168 = tpu.vector_load %arg12[%get3A_167] {strides = array<i32>} : memref<3136xi32, #tpu.memory_space<vmem>>, vector<16xi32>,
      %eq3A_169 = arith.constant 0 : i32
      %eq3A_170 = vector.broadcast %eq3A_169 : i32 to vector<16xi32>
      %eq3A_171 = arith.cmpi eq, %get3A_168, %eq3A_170 : vector<16xi32>
      %get3A_172 = arith.index_cast %add3A_90 : i32 to index
      %get3A_173 = tpu.vector_load %arg13[%get3A_172] {strides = array<i32>} : memref<3136xf32, #tpu.memory_space<vmem>>, vector<16xf32>,
      %div3A = arith.divf %add3A_165, %get3A_173 : vector<16xf32>
      %jit3A = arith.constant 0.000000e+00 : f32
      %broadcast_in_dim3A_174 = vector.broadcast %jit3A : f32 to vector<16xf32>
      %select_n3A = arith.select %eq3A_171, %div3A, %broadcast_in_dim3A_174 : vector<16xi1>, vector<16xf32>
      %mul3A_175 = arith.constant 2.500000e-01 : f32
      %mul3A_176 = vector.broadcast %mul3A_175 : f32 to vector<16xf32>
      %mul3A_177 = arith.mulf %add3A_166, %mul3A_176 : vector<16xf32>
      %add3A_178 = arith.addf %select_n3A, %mul3A_177 : vector<16xf32>
      %swap3A = arith.index_cast %add3A_90 : i32 to index
      %swap3A_179 = tpu.vector_load %arg14[%swap3A] {strides = array<i32>} : memref<3136xf32, #tpu.memory_space<vmem>>, vector<16xf32>,
      tpu.vector_store %arg14[%swap3A], %add3A_178 {strides = array<i32>} : memref<3136xf32, #tpu.memory_space<vmem>>, vector<16xf32>,
    }
    %scan3A_30 = arith.constant 49 : i32
    %scan3A_31 = arith.constant 0 : i32
    %scan3A_32 = arith.constant 0 : i32
    %scan3A_33 = arith.constant 49 : i32
    %scan3A_34 = arith.addi %scan3A_32, %scan3A_33 : i32
    %scan3A_35 = arith.constant 1 : i32
    scf.for %scan3A_82 = %scan3A_32 to %scan3A_34 step %scan3A_35  : i32 {
      %mul3A_83 = arith.constant 16 : i32
      %mul3A_84 = arith.muli %scan3A_82, %mul3A_83 : i32
      %add3A_85 = arith.constant 1568 : i32
      %add3A_86 = arith.addi %add3A_85, %mul3A_84 : i32
      %get3A = arith.constant 0 : i32
      %get3A_87 = arith.index_cast %get3A : i32 to index
      %get3A_88 = arith.index_cast %add3A_86 : i32 to index
      %get3A_89 = tpu.vector_load %arg7[%get3A_87, %get3A_88] {strides = array<i32>} : memref<4x3136xi32, #tpu.memory_space<vmem>>, vector<16xi32>,
      %shift_right_arithmetic3A = arith.constant 2 : i32
      %shift_right_arithmetic3A_90 = vector.broadcast %shift_right_arithmetic3A : i32 to vector<16xi32>
      %shift_right_arithmetic3A_91 = arith.shrsi %get3A_89, %shift_right_arithmetic3A_90 : vector<16xi32>
      %mul3A_92 = arith.constant 16 : i32
      %mul3A_93 = arith.muli %scan3A_82, %mul3A_92 : i32
      %add3A_94 = arith.constant 0 : i32
      %add3A_95 = arith.addi %add3A_94, %mul3A_93 : i32
      %swap3A = arith.index_cast %add3A_95 : i32 to index
      %swap3A_96 = tpu.vector_load %arg8[%swap3A] {strides = array<i32>} : memref<3136xi32, #tpu.memory_space<vmem>>, vector<16xi32>,
      tpu.vector_store %arg8[%swap3A], %shift_right_arithmetic3A_91 {strides = array<i32>} : memref<3136xi32, #tpu.memory_space<vmem>>, vector<16xi32>,
      %mul3A_97 = arith.constant 16 : i32
      %mul3A_98 = arith.muli %scan3A_82, %mul3A_97 : i32
      %add3A_99 = arith.constant 1568 : i32
      %add3A_100 = arith.addi %add3A_99, %mul3A_98 : i32
      %get3A_101 = arith.constant 1 : i32
      %get3A_102 = arith.index_cast %get3A_101 : i32 to index
      %get3A_103 = arith.index_cast %add3A_100 : i32 to index
      %get3A_104 = tpu.vector_load %arg7[%get3A_102, %get3A_103] {strides = array<i32>} : memref<4x3136xi32, #tpu.memory_space<vmem>>, vector<16xi32>,
      %shift_right_arithmetic3A_105 = arith.constant 2 : i32
      %shift_right_arithmetic3A_106 = vector.broadcast %shift_right_arithmetic3A_105 : i32 to vector<16xi32>
      %shift_right_arithmetic3A_107 = arith.shrsi %get3A_104, %shift_right_arithmetic3A_106 : vector<16xi32>
      %mul3A_108 = arith.constant 16 : i32
      %mul3A_109 = arith.muli %scan3A_82, %mul3A_108 : i32
      %add3A_110 = arith.constant 784 : i32
      %add3A_111 = arith.addi %add3A_110, %mul3A_109 : i32
      %swap3A_112 = arith.index_cast %add3A_111 : i32 to index
      %swap3A_113 = tpu.vector_load %arg8[%swap3A_112] {strides = array<i32>} : memref<3136xi32, #tpu.memory_space<vmem>>, vector<16xi32>,
      tpu.vector_store %arg8[%swap3A_112], %shift_right_arithmetic3A_107 {strides = array<i32>} : memref<3136xi32, #tpu.memory_space<vmem>>, vector<16xi32>,
      %mul3A_114 = arith.constant 16 : i32
      %mul3A_115 = arith.muli %scan3A_82, %mul3A_114 : i32
      %add3A_116 = arith.constant 1568 : i32
      %add3A_117 = arith.addi %add3A_116, %mul3A_115 : i32
      %get3A_118 = arith.constant 2 : i32
      %get3A_119 = arith.index_cast %get3A_118 : i32 to index
      %get3A_120 = arith.index_cast %add3A_117 : i32 to index
      %get3A_121 = tpu.vector_load %arg7[%get3A_119, %get3A_120] {strides = array<i32>} : memref<4x3136xi32, #tpu.memory_space<vmem>>, vector<16xi32>,
      %shift_right_arithmetic3A_122 = arith.constant 2 : i32
      %shift_right_arithmetic3A_123 = vector.broadcast %shift_right_arithmetic3A_122 : i32 to vector<16xi32>
      %shift_right_arithmetic3A_124 = arith.shrsi %get3A_121, %shift_right_arithmetic3A_123 : vector<16xi32>
      %mul3A_125 = arith.constant 16 : i32
      %mul3A_126 = arith.muli %scan3A_82, %mul3A_125 : i32
      %add3A_127 = arith.constant 1568 : i32
      %add3A_128 = arith.addi %add3A_127, %mul3A_126 : i32
      %swap3A_129 = arith.index_cast %add3A_128 : i32 to index
      %swap3A_130 = tpu.vector_load %arg8[%swap3A_129] {strides = array<i32>} : memref<3136xi32, #tpu.memory_space<vmem>>, vector<16xi32>,
      tpu.vector_store %arg8[%swap3A_129], %shift_right_arithmetic3A_124 {strides = array<i32>} : memref<3136xi32, #tpu.memory_space<vmem>>, vector<16xi32>,
      %mul3A_131 = arith.constant 16 : i32
      %mul3A_132 = arith.muli %scan3A_82, %mul3A_131 : i32
      %add3A_133 = arith.constant 1568 : i32
      %add3A_134 = arith.addi %add3A_133, %mul3A_132 : i32
      %get3A_135 = arith.constant 3 : i32
      %get3A_136 = arith.index_cast %get3A_135 : i32 to index
      %get3A_137 = arith.index_cast %add3A_134 : i32 to index
      %get3A_138 = tpu.vector_load %arg7[%get3A_136, %get3A_137] {strides = array<i32>} : memref<4x3136xi32, #tpu.memory_space<vmem>>, vector<16xi32>,
      %shift_right_arithmetic3A_139 = arith.constant 2 : i32
      %shift_right_arithmetic3A_140 = vector.broadcast %shift_right_arithmetic3A_139 : i32 to vector<16xi32>
      %shift_right_arithmetic3A_141 = arith.shrsi %get3A_138, %shift_right_arithmetic3A_140 : vector<16xi32>
      %mul3A_142 = arith.constant 16 : i32
      %mul3A_143 = arith.muli %scan3A_82, %mul3A_142 : i32
      %add3A_144 = arith.constant 2352 : i32
      %add3A_145 = arith.addi %add3A_144, %mul3A_143 : i32
      %swap3A_146 = arith.index_cast %add3A_145 : i32 to index
      %swap3A_147 = tpu.vector_load %arg8[%swap3A_146] {strides = array<i32>} : memref<3136xi32, #tpu.memory_space<vmem>>, vector<16xi32>,
      tpu.vector_store %arg8[%swap3A_146], %shift_right_arithmetic3A_141 {strides = array<i32>} : memref<3136xi32, #tpu.memory_space<vmem>>, vector<16xi32>,
    }
    %scan3A_36 = arith.constant 49 : i32
    %dma_start3A_37 = arith.constant 0 : i32
    %dma_start3A_38 = arith.constant 0 : i32
    %dma_start3A_39 = tpu.memref_slice %arg2[%dma_start3A_37, %dma_start3A_38] : memref<199680x8xf32, #tpu.memory_space<hbm>> -> memref<199680x8xf32, #tpu.memory_space<hbm>>
    tpu.enqueue_indirect_dma source(%dma_start3A_39 : memref<199680x8xf32, #tpu.memory_space<hbm>>) target(%arg10 : memref<3136x8xf32, #tpu.memory_space<vmem>>) offsets(%arg8 : memref<3136xi32, #tpu.memory_space<vmem>>) semaphore(%arg15 : memref<!tpu.dma_semaphore, #tpu.memory_space<semaphore_mem>>)
    %dma_wait3A_40 = arith.constant 0 : i32
    %dma_wait3A_41 = arith.constant 0 : i32
    %dma_wait3A_42 = tpu.memref_slice %arg2[%dma_wait3A_40, %dma_wait3A_41] : memref<199680x8xf32, #tpu.memory_space<hbm>> -> memref<199680x8xf32, #tpu.memory_space<hbm>>
    tpu.wait_indirect_dma semaphore(%arg16 : memref<!tpu.dma_semaphore, #tpu.memory_space<semaphore_mem>>) src(%dma_wait3A_42 : memref<199680x8xf32, #tpu.memory_space<hbm>>) dst(%arg11 : memref<3136x8xf32, #tpu.memory_space<vmem>>)
    %scan3A_43 = arith.constant 0 : i32
    %scan3A_44 = arith.constant 0 : i32
    %scan3A_45 = arith.constant 49 : i32
    %scan3A_46 = arith.addi %scan3A_44, %scan3A_45 : i32
    %scan3A_47 = arith.constant 1 : i32
    scf.for %scan3A_82 = %scan3A_44 to %scan3A_46 step %scan3A_47  : i32 {
      %mul3A_83 = arith.constant 16 : i32
      %mul3A_84 = arith.muli %scan3A_82, %mul3A_83 : i32
      %iota3A = tpu.iota {dimensions = array<i32: 0>} : vector<16xi32>
      %add3A_85 = vector.broadcast %mul3A_84 : i32 to vector<16xi32>
      %add3A_86 = arith.addi %add3A_85, %iota3A : vector<16xi32>
      %mul3A_87 = arith.constant 16 : i32
      %mul3A_88 = arith.muli %scan3A_82, %mul3A_87 : i32
      %add3A_89 = arith.constant 784 : i32
      %add3A_90 = arith.addi %add3A_89, %mul3A_88 : i32
      %broadcast_in_dim3A_91 = arith.constant 0.000000e+00 : f32
      %broadcast_in_dim3A_92 = vector.broadcast %broadcast_in_dim3A_91 : f32 to vector<16xf32>
      %broadcast_in_dim3A_93 = arith.constant 0.000000e+00 : f32
      %broadcast_in_dim3A_94 = vector.broadcast %broadcast_in_dim3A_93 : f32 to vector<16xf32>
      %add3A_95 = arith.constant 0 : i32
      %add3A_96 = vector.broadcast %add3A_95 : i32 to vector<16xi32>
      %add3A_97 = arith.addi %add3A_86, %add3A_96 : vector<16xi32>
      %gather3A = tpu.vector_load_idx %arg11[%add3A_97, %broadcast_in_dim3A_3] : memref<3136x8xf32, #tpu.memory_space<vmem>>[vector<16xi32>, vector<16xi32>], vector<16xf32>,
      %gather3A_98 = tpu.vector_load_idx %arg11[%add3A_97, %add3A_6] : memref<3136x8xf32, #tpu.memory_space<vmem>>[vector<16xi32>, vector<16xi32>], vector<16xf32>,
      %get3A = arith.constant 0 : i32
      %get3A_99 = arith.index_cast %get3A : i32 to index
      %get3A_100 = arith.index_cast %add3A_90 : i32 to index
      %get3A_101 = tpu.vector_load %arg7[%get3A_99, %get3A_100] {strides = array<i32>} : memref<4x3136xi32, #tpu.memory_space<vmem>>, vector<16xi32>,
      %and3A = arith.constant 3 : i32
      %and3A_102 = vector.broadcast %and3A : i32 to vector<16xi32>
      %and3A_103 = arith.andi %get3A_101, %and3A_102 : vector<16xi32>
      %sub3A = arith.constant 1 : i32
      %sub3A_104 = vector.broadcast %sub3A : i32 to vector<16xi32>
      %sub3A_105 = arith.subi %and3A_103, %sub3A_104 : vector<16xi32>
      %convert_element_type3A_106 = arith.sitofp %sub3A_105 : vector<16xi32> to vector<16xf32>
      %mul3A_107 = arith.mulf %convert_element_type3A_106, %gather3A : vector<16xf32>
      %add3A_108 = arith.addf %broadcast_in_dim3A_92, %mul3A_107 : vector<16xf32>
      %add3A_109 = arith.addf %broadcast_in_dim3A_94, %gather3A_98 : vector<16xf32>
      %add3A_110 = arith.constant 784 : i32
      %add3A_111 = vector.broadcast %add3A_110 : i32 to vector<16xi32>
      %add3A_112 = arith.addi %add3A_86, %add3A_111 : vector<16xi32>
      %gather3A_113 = tpu.vector_load_idx %arg11[%add3A_112, %broadcast_in_dim3A_3] : memref<3136x8xf32, #tpu.memory_space<vmem>>[vector<16xi32>, vector<16xi32>], vector<16xf32>,
      %gather3A_114 = tpu.vector_load_idx %arg11[%add3A_112, %add3A_6] : memref<3136x8xf32, #tpu.memory_space<vmem>>[vector<16xi32>, vector<16xi32>], vector<16xf32>,
      %get3A_115 = arith.constant 1 : i32
      %get3A_116 = arith.index_cast %get3A_115 : i32 to index
      %get3A_117 = arith.index_cast %add3A_90 : i32 to index
      %get3A_118 = tpu.vector_load %arg7[%get3A_116, %get3A_117] {strides = array<i32>} : memref<4x3136xi32, #tpu.memory_space<vmem>>, vector<16xi32>,
      %and3A_119 = arith.constant 3 : i32
      %and3A_120 = vector.broadcast %and3A_119 : i32 to vector<16xi32>
      %and3A_121 = arith.andi %get3A_118, %and3A_120 : vector<16xi32>
      %sub3A_122 = arith.constant 1 : i32
      %sub3A_123 = vector.broadcast %sub3A_122 : i32 to vector<16xi32>
      %sub3A_124 = arith.subi %and3A_121, %sub3A_123 : vector<16xi32>
      %convert_element_type3A_125 = arith.sitofp %sub3A_124 : vector<16xi32> to vector<16xf32>
      %mul3A_126 = arith.mulf %convert_element_type3A_125, %gather3A_113 : vector<16xf32>
      %add3A_127 = arith.addf %add3A_108, %mul3A_126 : vector<16xf32>
      %add3A_128 = arith.addf %add3A_109, %gather3A_114 : vector<16xf32>
      %add3A_129 = arith.constant 1568 : i32
      %add3A_130 = vector.broadcast %add3A_129 : i32 to vector<16xi32>
      %add3A_131 = arith.addi %add3A_86, %add3A_130 : vector<16xi32>
      %gather3A_132 = tpu.vector_load_idx %arg11[%add3A_131, %broadcast_in_dim3A_3] : memref<3136x8xf32, #tpu.memory_space<vmem>>[vector<16xi32>, vector<16xi32>], vector<16xf32>,
      %gather3A_133 = tpu.vector_load_idx %arg11[%add3A_131, %add3A_6] : memref<3136x8xf32, #tpu.memory_space<vmem>>[vector<16xi32>, vector<16xi32>], vector<16xf32>,
      %get3A_134 = arith.constant 2 : i32
      %get3A_135 = arith.index_cast %get3A_134 : i32 to index
      %get3A_136 = arith.index_cast %add3A_90 : i32 to index
      %get3A_137 = tpu.vector_load %arg7[%get3A_135, %get3A_136] {strides = array<i32>} : memref<4x3136xi32, #tpu.memory_space<vmem>>, vector<16xi32>,
      %and3A_138 = arith.constant 3 : i32
      %and3A_139 = vector.broadcast %and3A_138 : i32 to vector<16xi32>
      %and3A_140 = arith.andi %get3A_137, %and3A_139 : vector<16xi32>
      %sub3A_141 = arith.constant 1 : i32
      %sub3A_142 = vector.broadcast %sub3A_141 : i32 to vector<16xi32>
      %sub3A_143 = arith.subi %and3A_140, %sub3A_142 : vector<16xi32>
      %convert_element_type3A_144 = arith.sitofp %sub3A_143 : vector<16xi32> to vector<16xf32>
      %mul3A_145 = arith.mulf %convert_element_type3A_144, %gather3A_132 : vector<16xf32>
      %add3A_146 = arith.addf %add3A_127, %mul3A_145 : vector<16xf32>
      %add3A_147 = arith.addf %add3A_128, %gather3A_133 : vector<16xf32>
      %add3A_148 = arith.constant 2352 : i32
      %add3A_149 = vector.broadcast %add3A_148 : i32 to vector<16xi32>
      %add3A_150 = arith.addi %add3A_86, %add3A_149 : vector<16xi32>
      %gather3A_151 = tpu.vector_load_idx %arg11[%add3A_150, %broadcast_in_dim3A_3] : memref<3136x8xf32, #tpu.memory_space<vmem>>[vector<16xi32>, vector<16xi32>], vector<16xf32>,
      %gather3A_152 = tpu.vector_load_idx %arg11[%add3A_150, %add3A_6] : memref<3136x8xf32, #tpu.memory_space<vmem>>[vector<16xi32>, vector<16xi32>], vector<16xf32>,
      %get3A_153 = arith.constant 3 : i32
      %get3A_154 = arith.index_cast %get3A_153 : i32 to index
      %get3A_155 = arith.index_cast %add3A_90 : i32 to index
      %get3A_156 = tpu.vector_load %arg7[%get3A_154, %get3A_155] {strides = array<i32>} : memref<4x3136xi32, #tpu.memory_space<vmem>>, vector<16xi32>,
      %and3A_157 = arith.constant 3 : i32
      %and3A_158 = vector.broadcast %and3A_157 : i32 to vector<16xi32>
      %and3A_159 = arith.andi %get3A_156, %and3A_158 : vector<16xi32>
      %sub3A_160 = arith.constant 1 : i32
      %sub3A_161 = vector.broadcast %sub3A_160 : i32 to vector<16xi32>
      %sub3A_162 = arith.subi %and3A_159, %sub3A_161 : vector<16xi32>
      %convert_element_type3A_163 = arith.sitofp %sub3A_162 : vector<16xi32> to vector<16xf32>
      %mul3A_164 = arith.mulf %convert_element_type3A_163, %gather3A_151 : vector<16xf32>
      %add3A_165 = arith.addf %add3A_146, %mul3A_164 : vector<16xf32>
      %add3A_166 = arith.addf %add3A_147, %gather3A_152 : vector<16xf32>
      %get3A_167 = arith.index_cast %add3A_90 : i32 to index
      %get3A_168 = tpu.vector_load %arg12[%get3A_167] {strides = array<i32>} : memref<3136xi32, #tpu.memory_space<vmem>>, vector<16xi32>,
      %eq3A_169 = arith.constant 0 : i32
      %eq3A_170 = vector.broadcast %eq3A_169 : i32 to vector<16xi32>
      %eq3A_171 = arith.cmpi eq, %get3A_168, %eq3A_170 : vector<16xi32>
      %get3A_172 = arith.index_cast %add3A_90 : i32 to index
      %get3A_173 = tpu.vector_load %arg13[%get3A_172] {strides = array<i32>} : memref<3136xf32, #tpu.memory_space<vmem>>, vector<16xf32>,
      %div3A = arith.divf %add3A_165, %get3A_173 : vector<16xf32>
      %jit3A = arith.constant 0.000000e+00 : f32
      %broadcast_in_dim3A_174 = vector.broadcast %jit3A : f32 to vector<16xf32>
      %select_n3A = arith.select %eq3A_171, %div3A, %broadcast_in_dim3A_174 : vector<16xi1>, vector<16xf32>
      %mul3A_175 = arith.constant 2.500000e-01 : f32
      %mul3A_176 = vector.broadcast %mul3A_175 : f32 to vector<16xf32>
      %mul3A_177 = arith.mulf %add3A_166, %mul3A_176 : vector<16xf32>
      %add3A_178 = arith.addf %select_n3A, %mul3A_177 : vector<16xf32>
      %swap3A = arith.index_cast %add3A_90 : i32 to index
      %swap3A_179 = tpu.vector_load %arg14[%swap3A] {strides = array<i32>} : memref<3136xf32, #tpu.memory_space<vmem>>, vector<16xf32>,
      tpu.vector_store %arg14[%swap3A], %add3A_178 {strides = array<i32>} : memref<3136xf32, #tpu.memory_space<vmem>>, vector<16xf32>,
    }
    %scan3A_48 = arith.constant 49 : i32
    %scan3A_49 = arith.constant 0 : i32
    %scan3A_50 = arith.constant 0 : i32
    %scan3A_51 = arith.constant 49 : i32
    %scan3A_52 = arith.addi %scan3A_50, %scan3A_51 : i32
    %scan3A_53 = arith.constant 1 : i32
    scf.for %scan3A_82 = %scan3A_50 to %scan3A_52 step %scan3A_53  : i32 {
      %mul3A_83 = arith.constant 16 : i32
      %mul3A_84 = arith.muli %scan3A_82, %mul3A_83 : i32
      %add3A_85 = arith.constant 2352 : i32
      %add3A_86 = arith.addi %add3A_85, %mul3A_84 : i32
      %get3A = arith.constant 0 : i32
      %get3A_87 = arith.index_cast %get3A : i32 to index
      %get3A_88 = arith.index_cast %add3A_86 : i32 to index
      %get3A_89 = tpu.vector_load %arg7[%get3A_87, %get3A_88] {strides = array<i32>} : memref<4x3136xi32, #tpu.memory_space<vmem>>, vector<16xi32>,
      %shift_right_arithmetic3A = arith.constant 2 : i32
      %shift_right_arithmetic3A_90 = vector.broadcast %shift_right_arithmetic3A : i32 to vector<16xi32>
      %shift_right_arithmetic3A_91 = arith.shrsi %get3A_89, %shift_right_arithmetic3A_90 : vector<16xi32>
      %mul3A_92 = arith.constant 16 : i32
      %mul3A_93 = arith.muli %scan3A_82, %mul3A_92 : i32
      %add3A_94 = arith.constant 0 : i32
      %add3A_95 = arith.addi %add3A_94, %mul3A_93 : i32
      %swap3A = arith.index_cast %add3A_95 : i32 to index
      %swap3A_96 = tpu.vector_load %arg9[%swap3A] {strides = array<i32>} : memref<3136xi32, #tpu.memory_space<vmem>>, vector<16xi32>,
      tpu.vector_store %arg9[%swap3A], %shift_right_arithmetic3A_91 {strides = array<i32>} : memref<3136xi32, #tpu.memory_space<vmem>>, vector<16xi32>,
      %mul3A_97 = arith.constant 16 : i32
      %mul3A_98 = arith.muli %scan3A_82, %mul3A_97 : i32
      %add3A_99 = arith.constant 2352 : i32
      %add3A_100 = arith.addi %add3A_99, %mul3A_98 : i32
      %get3A_101 = arith.constant 1 : i32
      %get3A_102 = arith.index_cast %get3A_101 : i32 to index
      %get3A_103 = arith.index_cast %add3A_100 : i32 to index
      %get3A_104 = tpu.vector_load %arg7[%get3A_102, %get3A_103] {strides = array<i32>} : memref<4x3136xi32, #tpu.memory_space<vmem>>, vector<16xi32>,
      %shift_right_arithmetic3A_105 = arith.constant 2 : i32
      %shift_right_arithmetic3A_106 = vector.broadcast %shift_right_arithmetic3A_105 : i32 to vector<16xi32>
      %shift_right_arithmetic3A_107 = arith.shrsi %get3A_104, %shift_right_arithmetic3A_106 : vector<16xi32>
      %mul3A_108 = arith.constant 16 : i32
      %mul3A_109 = arith.muli %scan3A_82, %mul3A_108 : i32
      %add3A_110 = arith.constant 784 : i32
      %add3A_111 = arith.addi %add3A_110, %mul3A_109 : i32
      %swap3A_112 = arith.index_cast %add3A_111 : i32 to index
      %swap3A_113 = tpu.vector_load %arg9[%swap3A_112] {strides = array<i32>} : memref<3136xi32, #tpu.memory_space<vmem>>, vector<16xi32>,
      tpu.vector_store %arg9[%swap3A_112], %shift_right_arithmetic3A_107 {strides = array<i32>} : memref<3136xi32, #tpu.memory_space<vmem>>, vector<16xi32>,
      %mul3A_114 = arith.constant 16 : i32
      %mul3A_115 = arith.muli %scan3A_82, %mul3A_114 : i32
      %add3A_116 = arith.constant 2352 : i32
      %add3A_117 = arith.addi %add3A_116, %mul3A_115 : i32
      %get3A_118 = arith.constant 2 : i32
      %get3A_119 = arith.index_cast %get3A_118 : i32 to index
      %get3A_120 = arith.index_cast %add3A_117 : i32 to index
      %get3A_121 = tpu.vector_load %arg7[%get3A_119, %get3A_120] {strides = array<i32>} : memref<4x3136xi32, #tpu.memory_space<vmem>>, vector<16xi32>,
      %shift_right_arithmetic3A_122 = arith.constant 2 : i32
      %shift_right_arithmetic3A_123 = vector.broadcast %shift_right_arithmetic3A_122 : i32 to vector<16xi32>
      %shift_right_arithmetic3A_124 = arith.shrsi %get3A_121, %shift_right_arithmetic3A_123 : vector<16xi32>
      %mul3A_125 = arith.constant 16 : i32
      %mul3A_126 = arith.muli %scan3A_82, %mul3A_125 : i32
      %add3A_127 = arith.constant 1568 : i32
      %add3A_128 = arith.addi %add3A_127, %mul3A_126 : i32
      %swap3A_129 = arith.index_cast %add3A_128 : i32 to index
      %swap3A_130 = tpu.vector_load %arg9[%swap3A_129] {strides = array<i32>} : memref<3136xi32, #tpu.memory_space<vmem>>, vector<16xi32>,
      tpu.vector_store %arg9[%swap3A_129], %shift_right_arithmetic3A_124 {strides = array<i32>} : memref<3136xi32, #tpu.memory_space<vmem>>, vector<16xi32>,
      %mul3A_131 = arith.constant 16 : i32
      %mul3A_132 = arith.muli %scan3A_82, %mul3A_131 : i32
      %add3A_133 = arith.constant 2352 : i32
      %add3A_134 = arith.addi %add3A_133, %mul3A_132 : i32
      %get3A_135 = arith.constant 3 : i32
      %get3A_136 = arith.index_cast %get3A_135 : i32 to index
      %get3A_137 = arith.index_cast %add3A_134 : i32 to index
      %get3A_138 = tpu.vector_load %arg7[%get3A_136, %get3A_137] {strides = array<i32>} : memref<4x3136xi32, #tpu.memory_space<vmem>>, vector<16xi32>,
      %shift_right_arithmetic3A_139 = arith.constant 2 : i32
      %shift_right_arithmetic3A_140 = vector.broadcast %shift_right_arithmetic3A_139 : i32 to vector<16xi32>
      %shift_right_arithmetic3A_141 = arith.shrsi %get3A_138, %shift_right_arithmetic3A_140 : vector<16xi32>
      %mul3A_142 = arith.constant 16 : i32
      %mul3A_143 = arith.muli %scan3A_82, %mul3A_142 : i32
      %add3A_144 = arith.constant 2352 : i32
      %add3A_145 = arith.addi %add3A_144, %mul3A_143 : i32
      %swap3A_146 = arith.index_cast %add3A_145 : i32 to index
      %swap3A_147 = tpu.vector_load %arg9[%swap3A_146] {strides = array<i32>} : memref<3136xi32, #tpu.memory_space<vmem>>, vector<16xi32>,
      tpu.vector_store %arg9[%swap3A_146], %shift_right_arithmetic3A_141 {strides = array<i32>} : memref<3136xi32, #tpu.memory_space<vmem>>, vector<16xi32>,
    }
    %scan3A_54 = arith.constant 49 : i32
    %dma_start3A_55 = arith.constant 0 : i32
    %dma_start3A_56 = arith.constant 0 : i32
    %dma_start3A_57 = tpu.memref_slice %arg2[%dma_start3A_55, %dma_start3A_56] : memref<199680x8xf32, #tpu.memory_space<hbm>> -> memref<199680x8xf32, #tpu.memory_space<hbm>>
    tpu.enqueue_indirect_dma source(%dma_start3A_57 : memref<199680x8xf32, #tpu.memory_space<hbm>>) target(%arg11 : memref<3136x8xf32, #tpu.memory_space<vmem>>) offsets(%arg9 : memref<3136xi32, #tpu.memory_space<vmem>>) semaphore(%arg16 : memref<!tpu.dma_semaphore, #tpu.memory_space<semaphore_mem>>)
    %dma_wait3A_58 = arith.constant 0 : i32
    %dma_wait3A_59 = arith.constant 0 : i32
    %dma_wait3A_60 = tpu.memref_slice %arg2[%dma_wait3A_58, %dma_wait3A_59] : memref<199680x8xf32, #tpu.memory_space<hbm>> -> memref<199680x8xf32, #tpu.memory_space<hbm>>
    tpu.wait_indirect_dma semaphore(%arg15 : memref<!tpu.dma_semaphore, #tpu.memory_space<semaphore_mem>>) src(%dma_wait3A_60 : memref<199680x8xf32, #tpu.memory_space<hbm>>) dst(%arg10 : memref<3136x8xf32, #tpu.memory_space<vmem>>)
    %scan3A_61 = arith.constant 0 : i32
    %scan3A_62 = arith.constant 0 : i32
    %scan3A_63 = arith.constant 49 : i32
    %scan3A_64 = arith.addi %scan3A_62, %scan3A_63 : i32
    %scan3A_65 = arith.constant 1 : i32
    scf.for %scan3A_82 = %scan3A_62 to %scan3A_64 step %scan3A_65  : i32 {
      %mul3A_83 = arith.constant 16 : i32
      %mul3A_84 = arith.muli %scan3A_82, %mul3A_83 : i32
      %iota3A = tpu.iota {dimensions = array<i32: 0>} : vector<16xi32>
      %add3A_85 = vector.broadcast %mul3A_84 : i32 to vector<16xi32>
      %add3A_86 = arith.addi %add3A_85, %iota3A : vector<16xi32>
      %mul3A_87 = arith.constant 16 : i32
      %mul3A_88 = arith.muli %scan3A_82, %mul3A_87 : i32
      %add3A_89 = arith.constant 1568 : i32
      %add3A_90 = arith.addi %add3A_89, %mul3A_88 : i32
      %broadcast_in_dim3A_91 = arith.constant 0.000000e+00 : f32
      %broadcast_in_dim3A_92 = vector.broadcast %broadcast_in_dim3A_91 : f32 to vector<16xf32>
      %broadcast_in_dim3A_93 = arith.constant 0.000000e+00 : f32
      %broadcast_in_dim3A_94 = vector.broadcast %broadcast_in_dim3A_93 : f32 to vector<16xf32>
      %add3A_95 = arith.constant 0 : i32
      %add3A_96 = vector.broadcast %add3A_95 : i32 to vector<16xi32>
      %add3A_97 = arith.addi %add3A_86, %add3A_96 : vector<16xi32>
      %gather3A = tpu.vector_load_idx %arg10[%add3A_97, %broadcast_in_dim3A_3] : memref<3136x8xf32, #tpu.memory_space<vmem>>[vector<16xi32>, vector<16xi32>], vector<16xf32>,
      %gather3A_98 = tpu.vector_load_idx %arg10[%add3A_97, %add3A_6] : memref<3136x8xf32, #tpu.memory_space<vmem>>[vector<16xi32>, vector<16xi32>], vector<16xf32>,
      %get3A = arith.constant 0 : i32
      %get3A_99 = arith.index_cast %get3A : i32 to index
      %get3A_100 = arith.index_cast %add3A_90 : i32 to index
      %get3A_101 = tpu.vector_load %arg7[%get3A_99, %get3A_100] {strides = array<i32>} : memref<4x3136xi32, #tpu.memory_space<vmem>>, vector<16xi32>,
      %and3A = arith.constant 3 : i32
      %and3A_102 = vector.broadcast %and3A : i32 to vector<16xi32>
      %and3A_103 = arith.andi %get3A_101, %and3A_102 : vector<16xi32>
      %sub3A = arith.constant 1 : i32
      %sub3A_104 = vector.broadcast %sub3A : i32 to vector<16xi32>
      %sub3A_105 = arith.subi %and3A_103, %sub3A_104 : vector<16xi32>
      %convert_element_type3A_106 = arith.sitofp %sub3A_105 : vector<16xi32> to vector<16xf32>
      %mul3A_107 = arith.mulf %convert_element_type3A_106, %gather3A : vector<16xf32>
      %add3A_108 = arith.addf %broadcast_in_dim3A_92, %mul3A_107 : vector<16xf32>
      %add3A_109 = arith.addf %broadcast_in_dim3A_94, %gather3A_98 : vector<16xf32>
      %add3A_110 = arith.constant 784 : i32
      %add3A_111 = vector.broadcast %add3A_110 : i32 to vector<16xi32>
      %add3A_112 = arith.addi %add3A_86, %add3A_111 : vector<16xi32>
      %gather3A_113 = tpu.vector_load_idx %arg10[%add3A_112, %broadcast_in_dim3A_3] : memref<3136x8xf32, #tpu.memory_space<vmem>>[vector<16xi32>, vector<16xi32>], vector<16xf32>,
      %gather3A_114 = tpu.vector_load_idx %arg10[%add3A_112, %add3A_6] : memref<3136x8xf32, #tpu.memory_space<vmem>>[vector<16xi32>, vector<16xi32>], vector<16xf32>,
      %get3A_115 = arith.constant 1 : i32
      %get3A_116 = arith.index_cast %get3A_115 : i32 to index
      %get3A_117 = arith.index_cast %add3A_90 : i32 to index
      %get3A_118 = tpu.vector_load %arg7[%get3A_116, %get3A_117] {strides = array<i32>} : memref<4x3136xi32, #tpu.memory_space<vmem>>, vector<16xi32>,
      %and3A_119 = arith.constant 3 : i32
      %and3A_120 = vector.broadcast %and3A_119 : i32 to vector<16xi32>
      %and3A_121 = arith.andi %get3A_118, %and3A_120 : vector<16xi32>
      %sub3A_122 = arith.constant 1 : i32
      %sub3A_123 = vector.broadcast %sub3A_122 : i32 to vector<16xi32>
      %sub3A_124 = arith.subi %and3A_121, %sub3A_123 : vector<16xi32>
      %convert_element_type3A_125 = arith.sitofp %sub3A_124 : vector<16xi32> to vector<16xf32>
      %mul3A_126 = arith.mulf %convert_element_type3A_125, %gather3A_113 : vector<16xf32>
      %add3A_127 = arith.addf %add3A_108, %mul3A_126 : vector<16xf32>
      %add3A_128 = arith.addf %add3A_109, %gather3A_114 : vector<16xf32>
      %add3A_129 = arith.constant 1568 : i32
      %add3A_130 = vector.broadcast %add3A_129 : i32 to vector<16xi32>
      %add3A_131 = arith.addi %add3A_86, %add3A_130 : vector<16xi32>
      %gather3A_132 = tpu.vector_load_idx %arg10[%add3A_131, %broadcast_in_dim3A_3] : memref<3136x8xf32, #tpu.memory_space<vmem>>[vector<16xi32>, vector<16xi32>], vector<16xf32>,
      %gather3A_133 = tpu.vector_load_idx %arg10[%add3A_131, %add3A_6] : memref<3136x8xf32, #tpu.memory_space<vmem>>[vector<16xi32>, vector<16xi32>], vector<16xf32>,
      %get3A_134 = arith.constant 2 : i32
      %get3A_135 = arith.index_cast %get3A_134 : i32 to index
      %get3A_136 = arith.index_cast %add3A_90 : i32 to index
      %get3A_137 = tpu.vector_load %arg7[%get3A_135, %get3A_136] {strides = array<i32>} : memref<4x3136xi32, #tpu.memory_space<vmem>>, vector<16xi32>,
      %and3A_138 = arith.constant 3 : i32
      %and3A_139 = vector.broadcast %and3A_138 : i32 to vector<16xi32>
      %and3A_140 = arith.andi %get3A_137, %and3A_139 : vector<16xi32>
      %sub3A_141 = arith.constant 1 : i32
      %sub3A_142 = vector.broadcast %sub3A_141 : i32 to vector<16xi32>
      %sub3A_143 = arith.subi %and3A_140, %sub3A_142 : vector<16xi32>
      %convert_element_type3A_144 = arith.sitofp %sub3A_143 : vector<16xi32> to vector<16xf32>
      %mul3A_145 = arith.mulf %convert_element_type3A_144, %gather3A_132 : vector<16xf32>
      %add3A_146 = arith.addf %add3A_127, %mul3A_145 : vector<16xf32>
      %add3A_147 = arith.addf %add3A_128, %gather3A_133 : vector<16xf32>
      %add3A_148 = arith.constant 2352 : i32
      %add3A_149 = vector.broadcast %add3A_148 : i32 to vector<16xi32>
      %add3A_150 = arith.addi %add3A_86, %add3A_149 : vector<16xi32>
      %gather3A_151 = tpu.vector_load_idx %arg10[%add3A_150, %broadcast_in_dim3A_3] : memref<3136x8xf32, #tpu.memory_space<vmem>>[vector<16xi32>, vector<16xi32>], vector<16xf32>,
      %gather3A_152 = tpu.vector_load_idx %arg10[%add3A_150, %add3A_6] : memref<3136x8xf32, #tpu.memory_space<vmem>>[vector<16xi32>, vector<16xi32>], vector<16xf32>,
      %get3A_153 = arith.constant 3 : i32
      %get3A_154 = arith.index_cast %get3A_153 : i32 to index
      %get3A_155 = arith.index_cast %add3A_90 : i32 to index
      %get3A_156 = tpu.vector_load %arg7[%get3A_154, %get3A_155] {strides = array<i32>} : memref<4x3136xi32, #tpu.memory_space<vmem>>, vector<16xi32>,
      %and3A_157 = arith.constant 3 : i32
      %and3A_158 = vector.broadcast %and3A_157 : i32 to vector<16xi32>
      %and3A_159 = arith.andi %get3A_156, %and3A_158 : vector<16xi32>
      %sub3A_160 = arith.constant 1 : i32
      %sub3A_161 = vector.broadcast %sub3A_160 : i32 to vector<16xi32>
      %sub3A_162 = arith.subi %and3A_159, %sub3A_161 : vector<16xi32>
      %convert_element_type3A_163 = arith.sitofp %sub3A_162 : vector<16xi32> to vector<16xf32>
      %mul3A_164 = arith.mulf %convert_element_type3A_163, %gather3A_151 : vector<16xf32>
      %add3A_165 = arith.addf %add3A_146, %mul3A_164 : vector<16xf32>
      %add3A_166 = arith.addf %add3A_147, %gather3A_152 : vector<16xf32>
      %get3A_167 = arith.index_cast %add3A_90 : i32 to index
      %get3A_168 = tpu.vector_load %arg12[%get3A_167] {strides = array<i32>} : memref<3136xi32, #tpu.memory_space<vmem>>, vector<16xi32>,
      %eq3A_169 = arith.constant 0 : i32
      %eq3A_170 = vector.broadcast %eq3A_169 : i32 to vector<16xi32>
      %eq3A_171 = arith.cmpi eq, %get3A_168, %eq3A_170 : vector<16xi32>
      %get3A_172 = arith.index_cast %add3A_90 : i32 to index
      %get3A_173 = tpu.vector_load %arg13[%get3A_172] {strides = array<i32>} : memref<3136xf32, #tpu.memory_space<vmem>>, vector<16xf32>,
      %div3A = arith.divf %add3A_165, %get3A_173 : vector<16xf32>
      %jit3A = arith.constant 0.000000e+00 : f32
      %broadcast_in_dim3A_174 = vector.broadcast %jit3A : f32 to vector<16xf32>
      %select_n3A = arith.select %eq3A_171, %div3A, %broadcast_in_dim3A_174 : vector<16xi1>, vector<16xf32>
      %mul3A_175 = arith.constant 2.500000e-01 : f32
      %mul3A_176 = vector.broadcast %mul3A_175 : f32 to vector<16xf32>
      %mul3A_177 = arith.mulf %add3A_166, %mul3A_176 : vector<16xf32>
      %add3A_178 = arith.addf %select_n3A, %mul3A_177 : vector<16xf32>
      %swap3A = arith.index_cast %add3A_90 : i32 to index
      %swap3A_179 = tpu.vector_load %arg14[%swap3A] {strides = array<i32>} : memref<3136xf32, #tpu.memory_space<vmem>>, vector<16xf32>,
      tpu.vector_store %arg14[%swap3A], %add3A_178 {strides = array<i32>} : memref<3136xf32, #tpu.memory_space<vmem>>, vector<16xf32>,
    }
    %scan3A_66 = arith.constant 49 : i32
    %dma_wait3A_67 = arith.constant 0 : i32
    %dma_wait3A_68 = arith.constant 0 : i32
    %dma_wait3A_69 = tpu.memref_slice %arg2[%dma_wait3A_67, %dma_wait3A_68] : memref<199680x8xf32, #tpu.memory_space<hbm>> -> memref<199680x8xf32, #tpu.memory_space<hbm>>
    tpu.wait_indirect_dma semaphore(%arg16 : memref<!tpu.dma_semaphore, #tpu.memory_space<semaphore_mem>>) src(%dma_wait3A_69 : memref<199680x8xf32, #tpu.memory_space<hbm>>) dst(%arg11 : memref<3136x8xf32, #tpu.memory_space<vmem>>)
    %scan3A_70 = arith.constant 0 : i32
    %scan3A_71 = arith.constant 0 : i32
    %scan3A_72 = arith.constant 49 : i32
    %scan3A_73 = arith.addi %scan3A_71, %scan3A_72 : i32
    %scan3A_74 = arith.constant 1 : i32
    scf.for %scan3A_82 = %scan3A_71 to %scan3A_73 step %scan3A_74  : i32 {
      %mul3A_83 = arith.constant 16 : i32
      %mul3A_84 = arith.muli %scan3A_82, %mul3A_83 : i32
      %iota3A = tpu.iota {dimensions = array<i32: 0>} : vector<16xi32>
      %add3A_85 = vector.broadcast %mul3A_84 : i32 to vector<16xi32>
      %add3A_86 = arith.addi %add3A_85, %iota3A : vector<16xi32>
      %mul3A_87 = arith.constant 16 : i32
      %mul3A_88 = arith.muli %scan3A_82, %mul3A_87 : i32
      %add3A_89 = arith.constant 2352 : i32
      %add3A_90 = arith.addi %add3A_89, %mul3A_88 : i32
      %broadcast_in_dim3A_91 = arith.constant 0.000000e+00 : f32
      %broadcast_in_dim3A_92 = vector.broadcast %broadcast_in_dim3A_91 : f32 to vector<16xf32>
      %broadcast_in_dim3A_93 = arith.constant 0.000000e+00 : f32
      %broadcast_in_dim3A_94 = vector.broadcast %broadcast_in_dim3A_93 : f32 to vector<16xf32>
      %add3A_95 = arith.constant 0 : i32
      %add3A_96 = vector.broadcast %add3A_95 : i32 to vector<16xi32>
      %add3A_97 = arith.addi %add3A_86, %add3A_96 : vector<16xi32>
      %gather3A = tpu.vector_load_idx %arg11[%add3A_97, %broadcast_in_dim3A_3] : memref<3136x8xf32, #tpu.memory_space<vmem>>[vector<16xi32>, vector<16xi32>], vector<16xf32>,
      %gather3A_98 = tpu.vector_load_idx %arg11[%add3A_97, %add3A_6] : memref<3136x8xf32, #tpu.memory_space<vmem>>[vector<16xi32>, vector<16xi32>], vector<16xf32>,
      %get3A = arith.constant 0 : i32
      %get3A_99 = arith.index_cast %get3A : i32 to index
      %get3A_100 = arith.index_cast %add3A_90 : i32 to index
      %get3A_101 = tpu.vector_load %arg7[%get3A_99, %get3A_100] {strides = array<i32>} : memref<4x3136xi32, #tpu.memory_space<vmem>>, vector<16xi32>,
      %and3A = arith.constant 3 : i32
      %and3A_102 = vector.broadcast %and3A : i32 to vector<16xi32>
      %and3A_103 = arith.andi %get3A_101, %and3A_102 : vector<16xi32>
      %sub3A = arith.constant 1 : i32
      %sub3A_104 = vector.broadcast %sub3A : i32 to vector<16xi32>
      %sub3A_105 = arith.subi %and3A_103, %sub3A_104 : vector<16xi32>
      %convert_element_type3A_106 = arith.sitofp %sub3A_105 : vector<16xi32> to vector<16xf32>
      %mul3A_107 = arith.mulf %convert_element_type3A_106, %gather3A : vector<16xf32>
      %add3A_108 = arith.addf %broadcast_in_dim3A_92, %mul3A_107 : vector<16xf32>
      %add3A_109 = arith.addf %broadcast_in_dim3A_94, %gather3A_98 : vector<16xf32>
      %add3A_110 = arith.constant 784 : i32
      %add3A_111 = vector.broadcast %add3A_110 : i32 to vector<16xi32>
      %add3A_112 = arith.addi %add3A_86, %add3A_111 : vector<16xi32>
      %gather3A_113 = tpu.vector_load_idx %arg11[%add3A_112, %broadcast_in_dim3A_3] : memref<3136x8xf32, #tpu.memory_space<vmem>>[vector<16xi32>, vector<16xi32>], vector<16xf32>,
      %gather3A_114 = tpu.vector_load_idx %arg11[%add3A_112, %add3A_6] : memref<3136x8xf32, #tpu.memory_space<vmem>>[vector<16xi32>, vector<16xi32>], vector<16xf32>,
      %get3A_115 = arith.constant 1 : i32
      %get3A_116 = arith.index_cast %get3A_115 : i32 to index
      %get3A_117 = arith.index_cast %add3A_90 : i32 to index
      %get3A_118 = tpu.vector_load %arg7[%get3A_116, %get3A_117] {strides = array<i32>} : memref<4x3136xi32, #tpu.memory_space<vmem>>, vector<16xi32>,
      %and3A_119 = arith.constant 3 : i32
      %and3A_120 = vector.broadcast %and3A_119 : i32 to vector<16xi32>
      %and3A_121 = arith.andi %get3A_118, %and3A_120 : vector<16xi32>
      %sub3A_122 = arith.constant 1 : i32
      %sub3A_123 = vector.broadcast %sub3A_122 : i32 to vector<16xi32>
      %sub3A_124 = arith.subi %and3A_121, %sub3A_123 : vector<16xi32>
      %convert_element_type3A_125 = arith.sitofp %sub3A_124 : vector<16xi32> to vector<16xf32>
      %mul3A_126 = arith.mulf %convert_element_type3A_125, %gather3A_113 : vector<16xf32>
      %add3A_127 = arith.addf %add3A_108, %mul3A_126 : vector<16xf32>
      %add3A_128 = arith.addf %add3A_109, %gather3A_114 : vector<16xf32>
      %add3A_129 = arith.constant 1568 : i32
      %add3A_130 = vector.broadcast %add3A_129 : i32 to vector<16xi32>
      %add3A_131 = arith.addi %add3A_86, %add3A_130 : vector<16xi32>
      %gather3A_132 = tpu.vector_load_idx %arg11[%add3A_131, %broadcast_in_dim3A_3] : memref<3136x8xf32, #tpu.memory_space<vmem>>[vector<16xi32>, vector<16xi32>], vector<16xf32>,
      %gather3A_133 = tpu.vector_load_idx %arg11[%add3A_131, %add3A_6] : memref<3136x8xf32, #tpu.memory_space<vmem>>[vector<16xi32>, vector<16xi32>], vector<16xf32>,
      %get3A_134 = arith.constant 2 : i32
      %get3A_135 = arith.index_cast %get3A_134 : i32 to index
      %get3A_136 = arith.index_cast %add3A_90 : i32 to index
      %get3A_137 = tpu.vector_load %arg7[%get3A_135, %get3A_136] {strides = array<i32>} : memref<4x3136xi32, #tpu.memory_space<vmem>>, vector<16xi32>,
      %and3A_138 = arith.constant 3 : i32
      %and3A_139 = vector.broadcast %and3A_138 : i32 to vector<16xi32>
      %and3A_140 = arith.andi %get3A_137, %and3A_139 : vector<16xi32>
      %sub3A_141 = arith.constant 1 : i32
      %sub3A_142 = vector.broadcast %sub3A_141 : i32 to vector<16xi32>
      %sub3A_143 = arith.subi %and3A_140, %sub3A_142 : vector<16xi32>
      %convert_element_type3A_144 = arith.sitofp %sub3A_143 : vector<16xi32> to vector<16xf32>
      %mul3A_145 = arith.mulf %convert_element_type3A_144, %gather3A_132 : vector<16xf32>
      %add3A_146 = arith.addf %add3A_127, %mul3A_145 : vector<16xf32>
      %add3A_147 = arith.addf %add3A_128, %gather3A_133 : vector<16xf32>
      %add3A_148 = arith.constant 2352 : i32
      %add3A_149 = vector.broadcast %add3A_148 : i32 to vector<16xi32>
      %add3A_150 = arith.addi %add3A_86, %add3A_149 : vector<16xi32>
      %gather3A_151 = tpu.vector_load_idx %arg11[%add3A_150, %broadcast_in_dim3A_3] : memref<3136x8xf32, #tpu.memory_space<vmem>>[vector<16xi32>, vector<16xi32>], vector<16xf32>,
      %gather3A_152 = tpu.vector_load_idx %arg11[%add3A_150, %add3A_6] : memref<3136x8xf32, #tpu.memory_space<vmem>>[vector<16xi32>, vector<16xi32>], vector<16xf32>,
      %get3A_153 = arith.constant 3 : i32
      %get3A_154 = arith.index_cast %get3A_153 : i32 to index
      %get3A_155 = arith.index_cast %add3A_90 : i32 to index
      %get3A_156 = tpu.vector_load %arg7[%get3A_154, %get3A_155] {strides = array<i32>} : memref<4x3136xi32, #tpu.memory_space<vmem>>, vector<16xi32>,
      %and3A_157 = arith.constant 3 : i32
      %and3A_158 = vector.broadcast %and3A_157 : i32 to vector<16xi32>
      %and3A_159 = arith.andi %get3A_156, %and3A_158 : vector<16xi32>
      %sub3A_160 = arith.constant 1 : i32
      %sub3A_161 = vector.broadcast %sub3A_160 : i32 to vector<16xi32>
      %sub3A_162 = arith.subi %and3A_159, %sub3A_161 : vector<16xi32>
      %convert_element_type3A_163 = arith.sitofp %sub3A_162 : vector<16xi32> to vector<16xf32>
      %mul3A_164 = arith.mulf %convert_element_type3A_163, %gather3A_151 : vector<16xf32>
      %add3A_165 = arith.addf %add3A_146, %mul3A_164 : vector<16xf32>
      %add3A_166 = arith.addf %add3A_147, %gather3A_152 : vector<16xf32>
      %get3A_167 = arith.index_cast %add3A_90 : i32 to index
      %get3A_168 = tpu.vector_load %arg12[%get3A_167] {strides = array<i32>} : memref<3136xi32, #tpu.memory_space<vmem>>, vector<16xi32>,
      %eq3A_169 = arith.constant 0 : i32
      %eq3A_170 = vector.broadcast %eq3A_169 : i32 to vector<16xi32>
      %eq3A_171 = arith.cmpi eq, %get3A_168, %eq3A_170 : vector<16xi32>
      %get3A_172 = arith.index_cast %add3A_90 : i32 to index
      %get3A_173 = tpu.vector_load %arg13[%get3A_172] {strides = array<i32>} : memref<3136xf32, #tpu.memory_space<vmem>>, vector<16xf32>,
      %div3A = arith.divf %add3A_165, %get3A_173 : vector<16xf32>
      %jit3A = arith.constant 0.000000e+00 : f32
      %broadcast_in_dim3A_174 = vector.broadcast %jit3A : f32 to vector<16xf32>
      %select_n3A = arith.select %eq3A_171, %div3A, %broadcast_in_dim3A_174 : vector<16xi1>, vector<16xf32>
      %mul3A_175 = arith.constant 2.500000e-01 : f32
      %mul3A_176 = vector.broadcast %mul3A_175 : f32 to vector<16xf32>
      %mul3A_177 = arith.mulf %add3A_166, %mul3A_176 : vector<16xf32>
      %add3A_178 = arith.addf %select_n3A, %mul3A_177 : vector<16xf32>
      %swap3A = arith.index_cast %add3A_90 : i32 to index
      %swap3A_179 = tpu.vector_load %arg14[%swap3A] {strides = array<i32>} : memref<3136xf32, #tpu.memory_space<vmem>>, vector<16xf32>,
      tpu.vector_store %arg14[%swap3A], %add3A_178 {strides = array<i32>} : memref<3136xf32, #tpu.memory_space<vmem>>, vector<16xf32>,
    }
    %scan3A_75 = arith.constant 49 : i32
    %eq3A = arith.constant 31 : i32
    %eq3A_76 = arith.cmpi eq, %add3A, %eq3A : i32
    %not3A = arith.constant true
    %not3A_77 = arith.xori %eq3A_76, %not3A : i1
    %convert_element_type3A = arith.extui %not3A_77 : i1 to i32
    %cond3A = arith.constant 0 : i32
    %cond3A_78 = arith.cmpi ne, %convert_element_type3A, %cond3A : i32
    scf.if %cond3A_78 {
      "tpu.region"() ({
        %run_scoped3A = tpu.sem_alloc : memref<!tpu.dma_semaphore, #tpu.memory_space<semaphore_mem>>
        %dma_start3A_82 = tpu.memref_slice %arg6[%mul3A_2] : memref<100000xf32, #tpu.memory_space<hbm>> -> memref<3136xf32, #tpu.memory_space<hbm>>
        %dma_start3A_83 = tpu.memref_slice %arg6[%mul3A_2] : memref<100000xf32, #tpu.memory_space<hbm>> -> memref<3136xf32, #tpu.memory_space<hbm>>
        tpu.enqueue_dma source(%arg14 : memref<3136xf32, #tpu.memory_space<vmem>>) target(%dma_start3A_83 : memref<3136xf32, #tpu.memory_space<hbm>>) target_semaphore(%run_scoped3A : memref<!tpu.dma_semaphore, #tpu.memory_space<semaphore_mem>>)
        %dma_wait3A_84 = tpu.memref_slice %arg6[%mul3A_2] : memref<100000xf32, #tpu.memory_space<hbm>> -> memref<3136xf32, #tpu.memory_space<hbm>>
        %dma_wait3A_85 = tpu.memref_slice %arg6[%mul3A_2] : memref<100000xf32, #tpu.memory_space<hbm>> -> memref<3136xf32, #tpu.memory_space<hbm>>
        tpu.wait_dma2 semaphore(%run_scoped3A : memref<!tpu.dma_semaphore, #tpu.memory_space<semaphore_mem>>) src(%arg14 : memref<3136xf32, #tpu.memory_space<vmem>>) dst(%dma_wait3A_85 : memref<3136xf32, #tpu.memory_space<hbm>>)
        tpu.yield
      }) : () -> ()
    } else {
    }
    %convert_element_type3A_79 = arith.extui %eq3A_76 : i1 to i32
    %cond3A_80 = arith.constant 0 : i32
    %cond3A_81 = arith.cmpi ne, %convert_element_type3A_79, %cond3A_80 : i32
    scf.if %cond3A_81 {
      "tpu.region"() ({
        %run_scoped3A = tpu.sem_alloc : memref<!tpu.dma_semaphore, #tpu.memory_space<semaphore_mem>>
        %dma_start3A_82 = arith.constant 0 : i32
        %dma_start3A_83 = tpu.memref_slice %arg14[%dma_start3A_82] : memref<3136xf32, #tpu.memory_space<vmem>> -> memref<2784xf32, #tpu.memory_space<vmem>>
        %dma_start3A_84 = tpu.memref_slice %arg6[%mul3A_2] : memref<100000xf32, #tpu.memory_space<hbm>> -> memref<2784xf32, #tpu.memory_space<hbm>>
        %dma_start3A_85 = tpu.memref_slice %arg6[%mul3A_2] : memref<100000xf32, #tpu.memory_space<hbm>> -> memref<2784xf32, #tpu.memory_space<hbm>>
        %dma_start3A_86 = arith.constant 0 : i32
        %dma_start3A_87 = tpu.memref_slice %arg14[%dma_start3A_86] : memref<3136xf32, #tpu.memory_space<vmem>> -> memref<2784xf32, #tpu.memory_space<vmem>>
        tpu.enqueue_dma source(%dma_start3A_87 : memref<2784xf32, #tpu.memory_space<vmem>>) target(%dma_start3A_85 : memref<2784xf32, #tpu.memory_space<hbm>>) target_semaphore(%run_scoped3A : memref<!tpu.dma_semaphore, #tpu.memory_space<semaphore_mem>>)
        %dma_wait3A_88 = arith.constant 0 : i32
        %dma_wait3A_89 = tpu.memref_slice %arg14[%dma_wait3A_88] : memref<3136xf32, #tpu.memory_space<vmem>> -> memref<2784xf32, #tpu.memory_space<vmem>>
        %dma_wait3A_90 = tpu.memref_slice %arg6[%mul3A_2] : memref<100000xf32, #tpu.memory_space<hbm>> -> memref<2784xf32, #tpu.memory_space<hbm>>
        %dma_wait3A_91 = tpu.memref_slice %arg6[%mul3A_2] : memref<100000xf32, #tpu.memory_space<hbm>> -> memref<2784xf32, #tpu.memory_space<hbm>>
        %dma_wait3A_92 = arith.constant 0 : i32
        %dma_wait3A_93 = tpu.memref_slice %arg14[%dma_wait3A_92] : memref<3136xf32, #tpu.memory_space<vmem>> -> memref<2784xf32, #tpu.memory_space<vmem>>
        tpu.wait_dma2 semaphore(%run_scoped3A : memref<!tpu.dma_semaphore, #tpu.memory_space<semaphore_mem>>) src(%dma_wait3A_93 : memref<2784xf32, #tpu.memory_space<vmem>>) dst(%dma_wait3A_91 : memref<2784xf32, #tpu.memory_space<hbm>>)
        tpu.yield
      }) : () -> ()
    } else {
    }
    return
  }
}

#map = affine_map<(d0, d1) -> (0)>
#map1 = affine_map<(d0, d1) -> (0, 0)>
module attributes {stable_mosaic.version = 14 : i64} {
  func.func @table_k(%arg0: i32, %arg1: i32, %arg2: memref<100000xf32, #tpu.memory_space<hbm>>, %arg3: memref<100000xf32, #tpu.memory_space<hbm>>, %arg4: memref<100000xf32, #tpu.memory_space<hbm>>, %arg5: memref<100000xf32, #tpu.memory_space<hbm>>, %arg6: memref<100352x8xf32, #tpu.memory_space<hbm>>, %arg7: memref<3136xf32, #tpu.memory_space<vmem>>, %arg8: memref<3136xf32, #tpu.memory_space<vmem>>, %arg9: memref<3136xf32, #tpu.memory_space<vmem>>, %arg10: memref<3136xf32, #tpu.memory_space<vmem>>, %arg11: memref<3136x8xf32, #tpu.memory_space<vmem>>) attributes {dimension_semantics = [#tpu.dimension_semantics<core_parallel>, #tpu.dimension_semantics<subcore_parallel>], iteration_bounds = array<i64: 2, 16>, scalar_prefetch = 0 : i64, scratch_operands = 5 : i64, tpu.core_type = #tpu.core_type<sc_vector_subcore>, window_params = [{transform_indices = #map}, {transform_indices = #map}, {transform_indices = #map}, {transform_indices = #map}, {transform_indices = #map1}]} {
    %mul3A = arith.constant 2 : i32
    %mul3A_0 = arith.muli %arg1, %mul3A : i32
    %add3A = arith.addi %mul3A_0, %arg0 : i32
    %mul3A_1 = arith.constant 3136 : i32
    %mul3A_2 = arith.muli %add3A, %mul3A_1 : i32
    %eq3A = arith.constant 31 : i32
    %eq3A_3 = arith.cmpi eq, %add3A, %eq3A : i32
    %not3A = arith.constant true
    %not3A_4 = arith.xori %eq3A_3, %not3A : i1
    %convert_element_type3A = arith.extui %not3A_4 : i1 to i32
    %cond3A = arith.constant 0 : i32
    %cond3A_5 = arith.cmpi ne, %convert_element_type3A, %cond3A : i32
    scf.if %cond3A_5 {
      "tpu.region"() ({
        %run_scoped3A = tpu.sem_alloc : memref<!tpu.dma_semaphore, #tpu.memory_space<semaphore_mem>>
        %dma_start3A = tpu.memref_slice %arg2[%mul3A_2] : memref<100000xf32, #tpu.memory_space<hbm>> -> memref<3136xf32, #tpu.memory_space<hbm>>
        %dma_start3A_15 = tpu.memref_slice %arg2[%mul3A_2] : memref<100000xf32, #tpu.memory_space<hbm>> -> memref<3136xf32, #tpu.memory_space<hbm>>
        tpu.enqueue_dma source(%dma_start3A_15 : memref<3136xf32, #tpu.memory_space<hbm>>) target(%arg7 : memref<3136xf32, #tpu.memory_space<vmem>>) target_semaphore(%run_scoped3A : memref<!tpu.dma_semaphore, #tpu.memory_space<semaphore_mem>>)
        %dma_wait3A = tpu.memref_slice %arg2[%mul3A_2] : memref<100000xf32, #tpu.memory_space<hbm>> -> memref<3136xf32, #tpu.memory_space<hbm>>
        %dma_wait3A_16 = tpu.memref_slice %arg2[%mul3A_2] : memref<100000xf32, #tpu.memory_space<hbm>> -> memref<3136xf32, #tpu.memory_space<hbm>>
        tpu.wait_dma2 semaphore(%run_scoped3A : memref<!tpu.dma_semaphore, #tpu.memory_space<semaphore_mem>>) src(%dma_wait3A_16 : memref<3136xf32, #tpu.memory_space<hbm>>) dst(%arg7 : memref<3136xf32, #tpu.memory_space<vmem>>)
        tpu.yield
      }) : () -> ()
      "tpu.region"() ({
        %run_scoped3A = tpu.sem_alloc : memref<!tpu.dma_semaphore, #tpu.memory_space<semaphore_mem>>
        %dma_start3A = tpu.memref_slice %arg3[%mul3A_2] : memref<100000xf32, #tpu.memory_space<hbm>> -> memref<3136xf32, #tpu.memory_space<hbm>>
        %dma_start3A_15 = tpu.memref_slice %arg3[%mul3A_2] : memref<100000xf32, #tpu.memory_space<hbm>> -> memref<3136xf32, #tpu.memory_space<hbm>>
        tpu.enqueue_dma source(%dma_start3A_15 : memref<3136xf32, #tpu.memory_space<hbm>>) target(%arg8 : memref<3136xf32, #tpu.memory_space<vmem>>) target_semaphore(%run_scoped3A : memref<!tpu.dma_semaphore, #tpu.memory_space<semaphore_mem>>)
        %dma_wait3A = tpu.memref_slice %arg3[%mul3A_2] : memref<100000xf32, #tpu.memory_space<hbm>> -> memref<3136xf32, #tpu.memory_space<hbm>>
        %dma_wait3A_16 = tpu.memref_slice %arg3[%mul3A_2] : memref<100000xf32, #tpu.memory_space<hbm>> -> memref<3136xf32, #tpu.memory_space<hbm>>
        tpu.wait_dma2 semaphore(%run_scoped3A : memref<!tpu.dma_semaphore, #tpu.memory_space<semaphore_mem>>) src(%dma_wait3A_16 : memref<3136xf32, #tpu.memory_space<hbm>>) dst(%arg8 : memref<3136xf32, #tpu.memory_space<vmem>>)
        tpu.yield
      }) : () -> ()
      "tpu.region"() ({
        %run_scoped3A = tpu.sem_alloc : memref<!tpu.dma_semaphore, #tpu.memory_space<semaphore_mem>>
        %dma_start3A = tpu.memref_slice %arg4[%mul3A_2] : memref<100000xf32, #tpu.memory_space<hbm>> -> memref<3136xf32, #tpu.memory_space<hbm>>
        %dma_start3A_15 = tpu.memref_slice %arg4[%mul3A_2] : memref<100000xf32, #tpu.memory_space<hbm>> -> memref<3136xf32, #tpu.memory_space<hbm>>
        tpu.enqueue_dma source(%dma_start3A_15 : memref<3136xf32, #tpu.memory_space<hbm>>) target(%arg9 : memref<3136xf32, #tpu.memory_space<vmem>>) target_semaphore(%run_scoped3A : memref<!tpu.dma_semaphore, #tpu.memory_space<semaphore_mem>>)
        %dma_wait3A = tpu.memref_slice %arg4[%mul3A_2] : memref<100000xf32, #tpu.memory_space<hbm>> -> memref<3136xf32, #tpu.memory_space<hbm>>
        %dma_wait3A_16 = tpu.memref_slice %arg4[%mul3A_2] : memref<100000xf32, #tpu.memory_space<hbm>> -> memref<3136xf32, #tpu.memory_space<hbm>>
        tpu.wait_dma2 semaphore(%run_scoped3A : memref<!tpu.dma_semaphore, #tpu.memory_space<semaphore_mem>>) src(%dma_wait3A_16 : memref<3136xf32, #tpu.memory_space<hbm>>) dst(%arg9 : memref<3136xf32, #tpu.memory_space<vmem>>)
        tpu.yield
      }) : () -> ()
      "tpu.region"() ({
        %run_scoped3A = tpu.sem_alloc : memref<!tpu.dma_semaphore, #tpu.memory_space<semaphore_mem>>
        %dma_start3A = tpu.memref_slice %arg5[%mul3A_2] : memref<100000xf32, #tpu.memory_space<hbm>> -> memref<3136xf32, #tpu.memory_space<hbm>>
        %dma_start3A_15 = tpu.memref_slice %arg5[%mul3A_2] : memref<100000xf32, #tpu.memory_space<hbm>> -> memref<3136xf32, #tpu.memory_space<hbm>>
        tpu.enqueue_dma source(%dma_start3A_15 : memref<3136xf32, #tpu.memory_space<hbm>>) target(%arg10 : memref<3136xf32, #tpu.memory_space<vmem>>) target_semaphore(%run_scoped3A : memref<!tpu.dma_semaphore, #tpu.memory_space<semaphore_mem>>)
        %dma_wait3A = tpu.memref_slice %arg5[%mul3A_2] : memref<100000xf32, #tpu.memory_space<hbm>> -> memref<3136xf32, #tpu.memory_space<hbm>>
        %dma_wait3A_16 = tpu.memref_slice %arg5[%mul3A_2] : memref<100000xf32, #tpu.memory_space<hbm>> -> memref<3136xf32, #tpu.memory_space<hbm>>
        tpu.wait_dma2 semaphore(%run_scoped3A : memref<!tpu.dma_semaphore, #tpu.memory_space<semaphore_mem>>) src(%dma_wait3A_16 : memref<3136xf32, #tpu.memory_space<hbm>>) dst(%arg10 : memref<3136xf32, #tpu.memory_space<vmem>>)
        tpu.yield
      }) : () -> ()
    } else {
    }
    %convert_element_type3A_6 = arith.extui %eq3A_3 : i1 to i32
    %cond3A_7 = arith.constant 0 : i32
    %cond3A_8 = arith.cmpi ne, %convert_element_type3A_6, %cond3A_7 : i32
    scf.if %cond3A_8 {
      "tpu.region"() ({
        %run_scoped3A = tpu.sem_alloc : memref<!tpu.dma_semaphore, #tpu.memory_space<semaphore_mem>>
        %dma_start3A = arith.constant 0 : i32
        %dma_start3A_15 = tpu.memref_slice %arg7[%dma_start3A] : memref<3136xf32, #tpu.memory_space<vmem>> -> memref<2784xf32, #tpu.memory_space<vmem>>
        %dma_start3A_16 = tpu.memref_slice %arg2[%mul3A_2] : memref<100000xf32, #tpu.memory_space<hbm>> -> memref<2784xf32, #tpu.memory_space<hbm>>
        %dma_start3A_17 = arith.constant 0 : i32
        %dma_start3A_18 = tpu.memref_slice %arg7[%dma_start3A_17] : memref<3136xf32, #tpu.memory_space<vmem>> -> memref<2784xf32, #tpu.memory_space<vmem>>
        %dma_start3A_19 = tpu.memref_slice %arg2[%mul3A_2] : memref<100000xf32, #tpu.memory_space<hbm>> -> memref<2784xf32, #tpu.memory_space<hbm>>
        tpu.enqueue_dma source(%dma_start3A_19 : memref<2784xf32, #tpu.memory_space<hbm>>) target(%dma_start3A_18 : memref<2784xf32, #tpu.memory_space<vmem>>) target_semaphore(%run_scoped3A : memref<!tpu.dma_semaphore, #tpu.memory_space<semaphore_mem>>)
        %dma_wait3A = arith.constant 0 : i32
        %dma_wait3A_20 = tpu.memref_slice %arg7[%dma_wait3A] : memref<3136xf32, #tpu.memory_space<vmem>> -> memref<2784xf32, #tpu.memory_space<vmem>>
        %dma_wait3A_21 = tpu.memref_slice %arg2[%mul3A_2] : memref<100000xf32, #tpu.memory_space<hbm>> -> memref<2784xf32, #tpu.memory_space<hbm>>
        %dma_wait3A_22 = arith.constant 0 : i32
        %dma_wait3A_23 = tpu.memref_slice %arg7[%dma_wait3A_22] : memref<3136xf32, #tpu.memory_space<vmem>> -> memref<2784xf32, #tpu.memory_space<vmem>>
        %dma_wait3A_24 = tpu.memref_slice %arg2[%mul3A_2] : memref<100000xf32, #tpu.memory_space<hbm>> -> memref<2784xf32, #tpu.memory_space<hbm>>
        tpu.wait_dma2 semaphore(%run_scoped3A : memref<!tpu.dma_semaphore, #tpu.memory_space<semaphore_mem>>) src(%dma_wait3A_24 : memref<2784xf32, #tpu.memory_space<hbm>>) dst(%dma_wait3A_23 : memref<2784xf32, #tpu.memory_space<vmem>>)
        tpu.yield
      }) : () -> ()
      "tpu.region"() ({
        %run_scoped3A = tpu.sem_alloc : memref<!tpu.dma_semaphore, #tpu.memory_space<semaphore_mem>>
        %dma_start3A = arith.constant 0 : i32
        %dma_start3A_15 = tpu.memref_slice %arg8[%dma_start3A] : memref<3136xf32, #tpu.memory_space<vmem>> -> memref<2784xf32, #tpu.memory_space<vmem>>
        %dma_start3A_16 = tpu.memref_slice %arg3[%mul3A_2] : memref<100000xf32, #tpu.memory_space<hbm>> -> memref<2784xf32, #tpu.memory_space<hbm>>
        %dma_start3A_17 = arith.constant 0 : i32
        %dma_start3A_18 = tpu.memref_slice %arg8[%dma_start3A_17] : memref<3136xf32, #tpu.memory_space<vmem>> -> memref<2784xf32, #tpu.memory_space<vmem>>
        %dma_start3A_19 = tpu.memref_slice %arg3[%mul3A_2] : memref<100000xf32, #tpu.memory_space<hbm>> -> memref<2784xf32, #tpu.memory_space<hbm>>
        tpu.enqueue_dma source(%dma_start3A_19 : memref<2784xf32, #tpu.memory_space<hbm>>) target(%dma_start3A_18 : memref<2784xf32, #tpu.memory_space<vmem>>) target_semaphore(%run_scoped3A : memref<!tpu.dma_semaphore, #tpu.memory_space<semaphore_mem>>)
        %dma_wait3A = arith.constant 0 : i32
        %dma_wait3A_20 = tpu.memref_slice %arg8[%dma_wait3A] : memref<3136xf32, #tpu.memory_space<vmem>> -> memref<2784xf32, #tpu.memory_space<vmem>>
        %dma_wait3A_21 = tpu.memref_slice %arg3[%mul3A_2] : memref<100000xf32, #tpu.memory_space<hbm>> -> memref<2784xf32, #tpu.memory_space<hbm>>
        %dma_wait3A_22 = arith.constant 0 : i32
        %dma_wait3A_23 = tpu.memref_slice %arg8[%dma_wait3A_22] : memref<3136xf32, #tpu.memory_space<vmem>> -> memref<2784xf32, #tpu.memory_space<vmem>>
        %dma_wait3A_24 = tpu.memref_slice %arg3[%mul3A_2] : memref<100000xf32, #tpu.memory_space<hbm>> -> memref<2784xf32, #tpu.memory_space<hbm>>
        tpu.wait_dma2 semaphore(%run_scoped3A : memref<!tpu.dma_semaphore, #tpu.memory_space<semaphore_mem>>) src(%dma_wait3A_24 : memref<2784xf32, #tpu.memory_space<hbm>>) dst(%dma_wait3A_23 : memref<2784xf32, #tpu.memory_space<vmem>>)
        tpu.yield
      }) : () -> ()
      "tpu.region"() ({
        %run_scoped3A = tpu.sem_alloc : memref<!tpu.dma_semaphore, #tpu.memory_space<semaphore_mem>>
        %dma_start3A = arith.constant 0 : i32
        %dma_start3A_15 = tpu.memref_slice %arg9[%dma_start3A] : memref<3136xf32, #tpu.memory_space<vmem>> -> memref<2784xf32, #tpu.memory_space<vmem>>
        %dma_start3A_16 = tpu.memref_slice %arg4[%mul3A_2] : memref<100000xf32, #tpu.memory_space<hbm>> -> memref<2784xf32, #tpu.memory_space<hbm>>
        %dma_start3A_17 = arith.constant 0 : i32
        %dma_start3A_18 = tpu.memref_slice %arg9[%dma_start3A_17] : memref<3136xf32, #tpu.memory_space<vmem>> -> memref<2784xf32, #tpu.memory_space<vmem>>
        %dma_start3A_19 = tpu.memref_slice %arg4[%mul3A_2] : memref<100000xf32, #tpu.memory_space<hbm>> -> memref<2784xf32, #tpu.memory_space<hbm>>
        tpu.enqueue_dma source(%dma_start3A_19 : memref<2784xf32, #tpu.memory_space<hbm>>) target(%dma_start3A_18 : memref<2784xf32, #tpu.memory_space<vmem>>) target_semaphore(%run_scoped3A : memref<!tpu.dma_semaphore, #tpu.memory_space<semaphore_mem>>)
        %dma_wait3A = arith.constant 0 : i32
        %dma_wait3A_20 = tpu.memref_slice %arg9[%dma_wait3A] : memref<3136xf32, #tpu.memory_space<vmem>> -> memref<2784xf32, #tpu.memory_space<vmem>>
        %dma_wait3A_21 = tpu.memref_slice %arg4[%mul3A_2] : memref<100000xf32, #tpu.memory_space<hbm>> -> memref<2784xf32, #tpu.memory_space<hbm>>
        %dma_wait3A_22 = arith.constant 0 : i32
        %dma_wait3A_23 = tpu.memref_slice %arg9[%dma_wait3A_22] : memref<3136xf32, #tpu.memory_space<vmem>> -> memref<2784xf32, #tpu.memory_space<vmem>>
        %dma_wait3A_24 = tpu.memref_slice %arg4[%mul3A_2] : memref<100000xf32, #tpu.memory_space<hbm>> -> memref<2784xf32, #tpu.memory_space<hbm>>
        tpu.wait_dma2 semaphore(%run_scoped3A : memref<!tpu.dma_semaphore, #tpu.memory_space<semaphore_mem>>) src(%dma_wait3A_24 : memref<2784xf32, #tpu.memory_space<hbm>>) dst(%dma_wait3A_23 : memref<2784xf32, #tpu.memory_space<vmem>>)
        tpu.yield
      }) : () -> ()
      "tpu.region"() ({
        %run_scoped3A = tpu.sem_alloc : memref<!tpu.dma_semaphore, #tpu.memory_space<semaphore_mem>>
        %dma_start3A = arith.constant 0 : i32
        %dma_start3A_15 = tpu.memref_slice %arg10[%dma_start3A] : memref<3136xf32, #tpu.memory_space<vmem>> -> memref<2784xf32, #tpu.memory_space<vmem>>
        %dma_start3A_16 = tpu.memref_slice %arg5[%mul3A_2] : memref<100000xf32, #tpu.memory_space<hbm>> -> memref<2784xf32, #tpu.memory_space<hbm>>
        %dma_start3A_17 = arith.constant 0 : i32
        %dma_start3A_18 = tpu.memref_slice %arg10[%dma_start3A_17] : memref<3136xf32, #tpu.memory_space<vmem>> -> memref<2784xf32, #tpu.memory_space<vmem>>
        %dma_start3A_19 = tpu.memref_slice %arg5[%mul3A_2] : memref<100000xf32, #tpu.memory_space<hbm>> -> memref<2784xf32, #tpu.memory_space<hbm>>
        tpu.enqueue_dma source(%dma_start3A_19 : memref<2784xf32, #tpu.memory_space<hbm>>) target(%dma_start3A_18 : memref<2784xf32, #tpu.memory_space<vmem>>) target_semaphore(%run_scoped3A : memref<!tpu.dma_semaphore, #tpu.memory_space<semaphore_mem>>)
        %dma_wait3A = arith.constant 0 : i32
        %dma_wait3A_20 = tpu.memref_slice %arg10[%dma_wait3A] : memref<3136xf32, #tpu.memory_space<vmem>> -> memref<2784xf32, #tpu.memory_space<vmem>>
        %dma_wait3A_21 = tpu.memref_slice %arg5[%mul3A_2] : memref<100000xf32, #tpu.memory_space<hbm>> -> memref<2784xf32, #tpu.memory_space<hbm>>
        %dma_wait3A_22 = arith.constant 0 : i32
        %dma_wait3A_23 = tpu.memref_slice %arg10[%dma_wait3A_22] : memref<3136xf32, #tpu.memory_space<vmem>> -> memref<2784xf32, #tpu.memory_space<vmem>>
        %dma_wait3A_24 = tpu.memref_slice %arg5[%mul3A_2] : memref<100000xf32, #tpu.memory_space<hbm>> -> memref<2784xf32, #tpu.memory_space<hbm>>
        tpu.wait_dma2 semaphore(%run_scoped3A : memref<!tpu.dma_semaphore, #tpu.memory_space<semaphore_mem>>) src(%dma_wait3A_24 : memref<2784xf32, #tpu.memory_space<hbm>>) dst(%dma_wait3A_23 : memref<2784xf32, #tpu.memory_space<vmem>>)
        tpu.yield
      }) : () -> ()
    } else {
    }
    %broadcast_in_dim3A = arith.constant 0 : i32
    %broadcast_in_dim3A_9 = vector.broadcast %broadcast_in_dim3A : i32 to vector<16xi32>
    %scan3A = arith.constant 0 : i32
    %scan3A_10 = arith.constant 0 : i32
    %scan3A_11 = arith.constant 196 : i32
    %scan3A_12 = arith.addi %scan3A_10, %scan3A_11 : i32
    %scan3A_13 = arith.constant 1 : i32
    scf.for %scan3A_15 = %scan3A_10 to %scan3A_12 step %scan3A_13  : i32 {
      %mul3A_16 = arith.constant 16 : i32
      %mul3A_17 = arith.muli %scan3A_15, %mul3A_16 : i32
      %iota3A = tpu.iota {dimensions = array<i32: 0>} : vector<16xi32>
      %add3A_18 = vector.broadcast %mul3A_17 : i32 to vector<16xi32>
      %add3A_19 = arith.addi %add3A_18, %iota3A : vector<16xi32>
      %mul3A_20 = arith.constant 16 : i32
      %mul3A_21 = arith.muli %scan3A_15, %mul3A_20 : i32
      %get3A = arith.index_cast %mul3A_21 : i32 to index
      %get3A_22 = tpu.vector_load %arg7[%get3A] {strides = array<i32>} : memref<3136xf32, #tpu.memory_space<vmem>>, vector<16xf32>,
      tpu.vector_store_idx %arg11[%add3A_19, %broadcast_in_dim3A_9], %get3A_22 : memref<3136x8xf32, #tpu.memory_space<vmem>>[vector<16xi32>, vector<16xi32>], vector<16xf32>,
      %add3A_23 = arith.constant 1 : i32
      %add3A_24 = vector.broadcast %add3A_23 : i32 to vector<16xi32>
      %add3A_25 = arith.addi %broadcast_in_dim3A_9, %add3A_24 : vector<16xi32>
      %get3A_26 = arith.index_cast %mul3A_21 : i32 to index
      %get3A_27 = tpu.vector_load %arg8[%get3A_26] {strides = array<i32>} : memref<3136xf32, #tpu.memory_space<vmem>>, vector<16xf32>,
      tpu.vector_store_idx %arg11[%add3A_19, %add3A_25], %get3A_27 : memref<3136x8xf32, #tpu.memory_space<vmem>>[vector<16xi32>, vector<16xi32>], vector<16xf32>,
      %add3A_28 = arith.constant 2 : i32
      %add3A_29 = vector.broadcast %add3A_28 : i32 to vector<16xi32>
      %add3A_30 = arith.addi %broadcast_in_dim3A_9, %add3A_29 : vector<16xi32>
      %get3A_31 = arith.index_cast %mul3A_21 : i32 to index
      %get3A_32 = tpu.vector_load %arg9[%get3A_31] {strides = array<i32>} : memref<3136xf32, #tpu.memory_space<vmem>>, vector<16xf32>,
      tpu.vector_store_idx %arg11[%add3A_19, %add3A_30], %get3A_32 : memref<3136x8xf32, #tpu.memory_space<vmem>>[vector<16xi32>, vector<16xi32>], vector<16xf32>,
      %add3A_33 = arith.constant 3 : i32
      %add3A_34 = vector.broadcast %add3A_33 : i32 to vector<16xi32>
      %add3A_35 = arith.addi %broadcast_in_dim3A_9, %add3A_34 : vector<16xi32>
      %get3A_36 = arith.index_cast %mul3A_21 : i32 to index
      %get3A_37 = tpu.vector_load %arg10[%get3A_36] {strides = array<i32>} : memref<3136xf32, #tpu.memory_space<vmem>>, vector<16xf32>,
      tpu.vector_store_idx %arg11[%add3A_19, %add3A_35], %get3A_37 : memref<3136x8xf32, #tpu.memory_space<vmem>>[vector<16xi32>, vector<16xi32>], vector<16xf32>,
    }
    %scan3A_14 = arith.constant 196 : i32
    "tpu.region"() ({
      %run_scoped3A = tpu.sem_alloc : memref<!tpu.dma_semaphore, #tpu.memory_space<semaphore_mem>>
      %dma_start3A = arith.constant 0 : i32
      %dma_start3A_15 = tpu.memref_slice %arg6[%mul3A_2, %dma_start3A] : memref<100352x8xf32, #tpu.memory_space<hbm>> -> memref<3136x8xf32, #tpu.memory_space<hbm>>
      %dma_start3A_16 = arith.constant 0 : i32
      %dma_start3A_17 = tpu.memref_slice %arg6[%mul3A_2, %dma_start3A_16] : memref<100352x8xf32, #tpu.memory_space<hbm>> -> memref<3136x8xf32, #tpu.memory_space<hbm>>
      tpu.enqueue_dma source(%arg11 : memref<3136x8xf32, #tpu.memory_space<vmem>>) target(%dma_start3A_17 : memref<3136x8xf32, #tpu.memory_space<hbm>>) target_semaphore(%run_scoped3A : memref<!tpu.dma_semaphore, #tpu.memory_space<semaphore_mem>>)
      %dma_wait3A = arith.constant 0 : i32
      %dma_wait3A_18 = tpu.memref_slice %arg6[%mul3A_2, %dma_wait3A] : memref<100352x8xf32, #tpu.memory_space<hbm>> -> memref<3136x8xf32, #tpu.memory_space<hbm>>
      %dma_wait3A_19 = arith.constant 0 : i32
      %dma_wait3A_20 = tpu.memref_slice %arg6[%mul3A_2, %dma_wait3A_19] : memref<100352x8xf32, #tpu.memory_space<hbm>> -> memref<3136x8xf32, #tpu.memory_space<hbm>>
      tpu.wait_dma2 semaphore(%run_scoped3A : memref<!tpu.dma_semaphore, #tpu.memory_space<semaphore_mem>>) src(%arg11 : memref<3136x8xf32, #tpu.memory_space<vmem>>) dst(%dma_wait3A_20 : memref<3136x8xf32, #tpu.memory_space<hbm>>)
      tpu.yield
    }) : () -> ()
    return
  }
}

#map = affine_map<(d0, d1) -> (0, 0)>
#map1 = affine_map<(d0, d1) -> (0)>
module attributes {stable_mosaic.version = 14 : i64} {
  func.func @link_k(%arg0: i32, %arg1: i32, %arg2: memref<100352x8xf32, #tpu.memory_space<hbm>>, %arg3: memref<199680xi32, #tpu.memory_space<hbm>>, %arg4: memref<199680xi32, #tpu.memory_space<hbm>>, %arg5: memref<199680xf32, #tpu.memory_space<hbm>>, %arg6: memref<199680xf32, #tpu.memory_space<hbm>>, %arg7: memref<199680xf32, #tpu.memory_space<hbm>>, %arg8: memref<199680x8xf32, #tpu.memory_space<hbm>>, %arg9: memref<2080xi32, #tpu.memory_space<vmem>>, %arg10: memref<2080xi32, #tpu.memory_space<vmem>>, %arg11: memref<2080xi32, #tpu.memory_space<vmem>>, %arg12: memref<2080xi32, #tpu.memory_space<vmem>>, %arg13: memref<2080x8xf32, #tpu.memory_space<vmem>>, %arg14: memref<2080x8xf32, #tpu.memory_space<vmem>>, %arg15: memref<2080x8xf32, #tpu.memory_space<vmem>>, %arg16: memref<2080x8xf32, #tpu.memory_space<vmem>>, %arg17: memref<2080xf32, #tpu.memory_space<vmem>>, %arg18: memref<2080xf32, #tpu.memory_space<vmem>>, %arg19: memref<2080xf32, #tpu.memory_space<vmem>>, %arg20: memref<2080x8xf32, #tpu.memory_space<vmem>>, %arg21: memref<!tpu.dma_semaphore, #tpu.memory_space<semaphore_mem>>, %arg22: memref<!tpu.dma_semaphore, #tpu.memory_space<semaphore_mem>>) attributes {dimension_semantics = [#tpu.dimension_semantics<core_parallel>, #tpu.dimension_semantics<subcore_parallel>], iteration_bounds = array<i64: 2, 16>, scalar_prefetch = 0 : i64, scratch_operands = 14 : i64, tpu.core_type = #tpu.core_type<sc_vector_subcore>, window_params = [{transform_indices = #map}, {transform_indices = #map1}, {transform_indices = #map1}, {transform_indices = #map1}, {transform_indices = #map1}, {transform_indices = #map1}, {transform_indices = #map}]} {
    %mul3A = arith.constant 2 : i32
    %mul3A_0 = arith.muli %arg1, %mul3A : i32
    %add3A = arith.addi %mul3A_0, %arg0 : i32
    %broadcast_in_dim3A = arith.constant 0 : i32
    %broadcast_in_dim3A_1 = vector.broadcast %broadcast_in_dim3A : i32 to vector<16xi32>
    %add3A_2 = arith.constant 1 : i32
    %add3A_3 = vector.broadcast %add3A_2 : i32 to vector<16xi32>
    %add3A_4 = arith.addi %broadcast_in_dim3A_1, %add3A_3 : vector<16xi32>
    %add3A_5 = arith.constant 2 : i32
    %add3A_6 = vector.broadcast %add3A_5 : i32 to vector<16xi32>
    %add3A_7 = arith.addi %broadcast_in_dim3A_1, %add3A_6 : vector<16xi32>
    %add3A_8 = arith.constant 3 : i32
    %add3A_9 = vector.broadcast %add3A_8 : i32 to vector<16xi32>
    %add3A_10 = arith.addi %broadcast_in_dim3A_1, %add3A_9 : vector<16xi32>
    %mul3A_11 = arith.constant 6240 : i32
    %mul3A_12 = arith.muli %add3A, %mul3A_11 : i32
    %add3A_13 = arith.constant 0 : i32
    %add3A_14 = arith.addi %mul3A_12, %add3A_13 : i32
    "tpu.region"() ({
      %run_scoped3A = tpu.sem_alloc : memref<!tpu.dma_semaphore, #tpu.memory_space<semaphore_mem>>
      %dma_start3A_86 = tpu.memref_slice %arg3[%add3A_14] : memref<199680xi32, #tpu.memory_space<hbm>> -> memref<2080xi32, #tpu.memory_space<hbm>>
      %dma_start3A_87 = tpu.memref_slice %arg3[%add3A_14] : memref<199680xi32, #tpu.memory_space<hbm>> -> memref<2080xi32, #tpu.memory_space<hbm>>
      tpu.enqueue_dma source(%dma_start3A_87 : memref<2080xi32, #tpu.memory_space<hbm>>) target(%arg9 : memref<2080xi32, #tpu.memory_space<vmem>>) target_semaphore(%run_scoped3A : memref<!tpu.dma_semaphore, #tpu.memory_space<semaphore_mem>>)
      %dma_wait3A_88 = tpu.memref_slice %arg3[%add3A_14] : memref<199680xi32, #tpu.memory_space<hbm>> -> memref<2080xi32, #tpu.memory_space<hbm>>
      %dma_wait3A_89 = tpu.memref_slice %arg3[%add3A_14] : memref<199680xi32, #tpu.memory_space<hbm>> -> memref<2080xi32, #tpu.memory_space<hbm>>
      tpu.wait_dma2 semaphore(%run_scoped3A : memref<!tpu.dma_semaphore, #tpu.memory_space<semaphore_mem>>) src(%dma_wait3A_89 : memref<2080xi32, #tpu.memory_space<hbm>>) dst(%arg9 : memref<2080xi32, #tpu.memory_space<vmem>>)
      tpu.yield
    }) : () -> ()
    "tpu.region"() ({
      %run_scoped3A = tpu.sem_alloc : memref<!tpu.dma_semaphore, #tpu.memory_space<semaphore_mem>>
      %dma_start3A_86 = tpu.memref_slice %arg4[%add3A_14] : memref<199680xi32, #tpu.memory_space<hbm>> -> memref<2080xi32, #tpu.memory_space<hbm>>
      %dma_start3A_87 = tpu.memref_slice %arg4[%add3A_14] : memref<199680xi32, #tpu.memory_space<hbm>> -> memref<2080xi32, #tpu.memory_space<hbm>>
      tpu.enqueue_dma source(%dma_start3A_87 : memref<2080xi32, #tpu.memory_space<hbm>>) target(%arg11 : memref<2080xi32, #tpu.memory_space<vmem>>) target_semaphore(%run_scoped3A : memref<!tpu.dma_semaphore, #tpu.memory_space<semaphore_mem>>)
      %dma_wait3A_88 = tpu.memref_slice %arg4[%add3A_14] : memref<199680xi32, #tpu.memory_space<hbm>> -> memref<2080xi32, #tpu.memory_space<hbm>>
      %dma_wait3A_89 = tpu.memref_slice %arg4[%add3A_14] : memref<199680xi32, #tpu.memory_space<hbm>> -> memref<2080xi32, #tpu.memory_space<hbm>>
      tpu.wait_dma2 semaphore(%run_scoped3A : memref<!tpu.dma_semaphore, #tpu.memory_space<semaphore_mem>>) src(%dma_wait3A_89 : memref<2080xi32, #tpu.memory_space<hbm>>) dst(%arg11 : memref<2080xi32, #tpu.memory_space<vmem>>)
      tpu.yield
    }) : () -> ()
    %dma_start3A = arith.constant 0 : i32
    %dma_start3A_15 = arith.constant 0 : i32
    %dma_start3A_16 = tpu.memref_slice %arg2[%dma_start3A, %dma_start3A_15] : memref<100352x8xf32, #tpu.memory_space<hbm>> -> memref<100352x8xf32, #tpu.memory_space<hbm>>
    tpu.enqueue_indirect_dma source(%dma_start3A_16 : memref<100352x8xf32, #tpu.memory_space<hbm>>) target(%arg13 : memref<2080x8xf32, #tpu.memory_space<vmem>>) offsets(%arg9 : memref<2080xi32, #tpu.memory_space<vmem>>) semaphore(%arg21 : memref<!tpu.dma_semaphore, #tpu.memory_space<semaphore_mem>>)
    %dma_start3A_17 = arith.constant 0 : i32
    %dma_start3A_18 = arith.constant 0 : i32
    %dma_start3A_19 = tpu.memref_slice %arg2[%dma_start3A_17, %dma_start3A_18] : memref<100352x8xf32, #tpu.memory_space<hbm>> -> memref<100352x8xf32, #tpu.memory_space<hbm>>
    tpu.enqueue_indirect_dma source(%dma_start3A_19 : memref<100352x8xf32, #tpu.memory_space<hbm>>) target(%arg15 : memref<2080x8xf32, #tpu.memory_space<vmem>>) offsets(%arg11 : memref<2080xi32, #tpu.memory_space<vmem>>) semaphore(%arg21 : memref<!tpu.dma_semaphore, #tpu.memory_space<semaphore_mem>>)
    %mul3A_20 = arith.constant 6240 : i32
    %mul3A_21 = arith.muli %add3A, %mul3A_20 : i32
    %add3A_22 = arith.constant 2080 : i32
    %add3A_23 = arith.addi %mul3A_21, %add3A_22 : i32
    "tpu.region"() ({
      %run_scoped3A = tpu.sem_alloc : memref<!tpu.dma_semaphore, #tpu.memory_space<semaphore_mem>>
      %dma_start3A_86 = tpu.memref_slice %arg3[%add3A_23] : memref<199680xi32, #tpu.memory_space<hbm>> -> memref<2080xi32, #tpu.memory_space<hbm>>
      %dma_start3A_87 = tpu.memref_slice %arg3[%add3A_23] : memref<199680xi32, #tpu.memory_space<hbm>> -> memref<2080xi32, #tpu.memory_space<hbm>>
      tpu.enqueue_dma source(%dma_start3A_87 : memref<2080xi32, #tpu.memory_space<hbm>>) target(%arg10 : memref<2080xi32, #tpu.memory_space<vmem>>) target_semaphore(%run_scoped3A : memref<!tpu.dma_semaphore, #tpu.memory_space<semaphore_mem>>)
      %dma_wait3A_88 = tpu.memref_slice %arg3[%add3A_23] : memref<199680xi32, #tpu.memory_space<hbm>> -> memref<2080xi32, #tpu.memory_space<hbm>>
      %dma_wait3A_89 = tpu.memref_slice %arg3[%add3A_23] : memref<199680xi32, #tpu.memory_space<hbm>> -> memref<2080xi32, #tpu.memory_space<hbm>>
      tpu.wait_dma2 semaphore(%run_scoped3A : memref<!tpu.dma_semaphore, #tpu.memory_space<semaphore_mem>>) src(%dma_wait3A_89 : memref<2080xi32, #tpu.memory_space<hbm>>) dst(%arg10 : memref<2080xi32, #tpu.memory_space<vmem>>)
      tpu.yield
    }) : () -> ()
    "tpu.region"() ({
      %run_scoped3A = tpu.sem_alloc : memref<!tpu.dma_semaphore, #tpu.memory_space<semaphore_mem>>
      %dma_start3A_86 = tpu.memref_slice %arg4[%add3A_23] : memref<199680xi32, #tpu.memory_space<hbm>> -> memref<2080xi32, #tpu.memory_space<hbm>>
      %dma_start3A_87 = tpu.memref_slice %arg4[%add3A_23] : memref<199680xi32, #tpu.memory_space<hbm>> -> memref<2080xi32, #tpu.memory_space<hbm>>
      tpu.enqueue_dma source(%dma_start3A_87 : memref<2080xi32, #tpu.memory_space<hbm>>) target(%arg12 : memref<2080xi32, #tpu.memory_space<vmem>>) target_semaphore(%run_scoped3A : memref<!tpu.dma_semaphore, #tpu.memory_space<semaphore_mem>>)
      %dma_wait3A_88 = tpu.memref_slice %arg4[%add3A_23] : memref<199680xi32, #tpu.memory_space<hbm>> -> memref<2080xi32, #tpu.memory_space<hbm>>
      %dma_wait3A_89 = tpu.memref_slice %arg4[%add3A_23] : memref<199680xi32, #tpu.memory_space<hbm>> -> memref<2080xi32, #tpu.memory_space<hbm>>
      tpu.wait_dma2 semaphore(%run_scoped3A : memref<!tpu.dma_semaphore, #tpu.memory_space<semaphore_mem>>) src(%dma_wait3A_89 : memref<2080xi32, #tpu.memory_space<hbm>>) dst(%arg12 : memref<2080xi32, #tpu.memory_space<vmem>>)
      tpu.yield
    }) : () -> ()
    %dma_start3A_24 = arith.constant 0 : i32
    %dma_start3A_25 = arith.constant 0 : i32
    %dma_start3A_26 = tpu.memref_slice %arg2[%dma_start3A_24, %dma_start3A_25] : memref<100352x8xf32, #tpu.memory_space<hbm>> -> memref<100352x8xf32, #tpu.memory_space<hbm>>
    tpu.enqueue_indirect_dma source(%dma_start3A_26 : memref<100352x8xf32, #tpu.memory_space<hbm>>) target(%arg14 : memref<2080x8xf32, #tpu.memory_space<vmem>>) offsets(%arg10 : memref<2080xi32, #tpu.memory_space<vmem>>) semaphore(%arg22 : memref<!tpu.dma_semaphore, #tpu.memory_space<semaphore_mem>>)
    %dma_start3A_27 = arith.constant 0 : i32
    %dma_start3A_28 = arith.constant 0 : i32
    %dma_start3A_29 = tpu.memref_slice %arg2[%dma_start3A_27, %dma_start3A_28] : memref<100352x8xf32, #tpu.memory_space<hbm>> -> memref<100352x8xf32, #tpu.memory_space<hbm>>
    tpu.enqueue_indirect_dma source(%dma_start3A_29 : memref<100352x8xf32, #tpu.memory_space<hbm>>) target(%arg16 : memref<2080x8xf32, #tpu.memory_space<vmem>>) offsets(%arg12 : memref<2080xi32, #tpu.memory_space<vmem>>) semaphore(%arg22 : memref<!tpu.dma_semaphore, #tpu.memory_space<semaphore_mem>>)
    %mul3A_30 = arith.constant 6240 : i32
    %mul3A_31 = arith.muli %add3A, %mul3A_30 : i32
    %add3A_32 = arith.constant 0 : i32
    %add3A_33 = arith.addi %mul3A_31, %add3A_32 : i32
    "tpu.region"() ({
      %run_scoped3A = tpu.sem_alloc : memref<!tpu.dma_semaphore, #tpu.memory_space<semaphore_mem>>
      %dma_start3A_86 = tpu.memref_slice %arg5[%add3A_33] : memref<199680xf32, #tpu.memory_space<hbm>> -> memref<2080xf32, #tpu.memory_space<hbm>>
      %dma_start3A_87 = tpu.memref_slice %arg5[%add3A_33] : memref<199680xf32, #tpu.memory_space<hbm>> -> memref<2080xf32, #tpu.memory_space<hbm>>
      tpu.enqueue_dma source(%dma_start3A_87 : memref<2080xf32, #tpu.memory_space<hbm>>) target(%arg17 : memref<2080xf32, #tpu.memory_space<vmem>>) target_semaphore(%run_scoped3A : memref<!tpu.dma_semaphore, #tpu.memory_space<semaphore_mem>>)
      %dma_wait3A_88 = tpu.memref_slice %arg5[%add3A_33] : memref<199680xf32, #tpu.memory_space<hbm>> -> memref<2080xf32, #tpu.memory_space<hbm>>
      %dma_wait3A_89 = tpu.memref_slice %arg5[%add3A_33] : memref<199680xf32, #tpu.memory_space<hbm>> -> memref<2080xf32, #tpu.memory_space<hbm>>
      tpu.wait_dma2 semaphore(%run_scoped3A : memref<!tpu.dma_semaphore, #tpu.memory_space<semaphore_mem>>) src(%dma_wait3A_89 : memref<2080xf32, #tpu.memory_space<hbm>>) dst(%arg17 : memref<2080xf32, #tpu.memory_space<vmem>>)
      tpu.yield
    }) : () -> ()
    "tpu.region"() ({
      %run_scoped3A = tpu.sem_alloc : memref<!tpu.dma_semaphore, #tpu.memory_space<semaphore_mem>>
      %dma_start3A_86 = tpu.memref_slice %arg6[%add3A_33] : memref<199680xf32, #tpu.memory_space<hbm>> -> memref<2080xf32, #tpu.memory_space<hbm>>
      %dma_start3A_87 = tpu.memref_slice %arg6[%add3A_33] : memref<199680xf32, #tpu.memory_space<hbm>> -> memref<2080xf32, #tpu.memory_space<hbm>>
      tpu.enqueue_dma source(%dma_start3A_87 : memref<2080xf32, #tpu.memory_space<hbm>>) target(%arg18 : memref<2080xf32, #tpu.memory_space<vmem>>) target_semaphore(%run_scoped3A : memref<!tpu.dma_semaphore, #tpu.memory_space<semaphore_mem>>)
      %dma_wait3A_88 = tpu.memref_slice %arg6[%add3A_33] : memref<199680xf32, #tpu.memory_space<hbm>> -> memref<2080xf32, #tpu.memory_space<hbm>>
      %dma_wait3A_89 = tpu.memref_slice %arg6[%add3A_33] : memref<199680xf32, #tpu.memory_space<hbm>> -> memref<2080xf32, #tpu.memory_space<hbm>>
      tpu.wait_dma2 semaphore(%run_scoped3A : memref<!tpu.dma_semaphore, #tpu.memory_space<semaphore_mem>>) src(%dma_wait3A_89 : memref<2080xf32, #tpu.memory_space<hbm>>) dst(%arg18 : memref<2080xf32, #tpu.memory_space<vmem>>)
      tpu.yield
    }) : () -> ()
    "tpu.region"() ({
      %run_scoped3A = tpu.sem_alloc : memref<!tpu.dma_semaphore, #tpu.memory_space<semaphore_mem>>
      %dma_start3A_86 = tpu.memref_slice %arg7[%add3A_33] : memref<199680xf32, #tpu.memory_space<hbm>> -> memref<2080xf32, #tpu.memory_space<hbm>>
      %dma_start3A_87 = tpu.memref_slice %arg7[%add3A_33] : memref<199680xf32, #tpu.memory_space<hbm>> -> memref<2080xf32, #tpu.memory_space<hbm>>
      tpu.enqueue_dma source(%dma_start3A_87 : memref<2080xf32, #tpu.memory_space<hbm>>) target(%arg19 : memref<2080xf32, #tpu.memory_space<vmem>>) target_semaphore(%run_scoped3A : memref<!tpu.dma_semaphore, #tpu.memory_space<semaphore_mem>>)
      %dma_wait3A_88 = tpu.memref_slice %arg7[%add3A_33] : memref<199680xf32, #tpu.memory_space<hbm>> -> memref<2080xf32, #tpu.memory_space<hbm>>
      %dma_wait3A_89 = tpu.memref_slice %arg7[%add3A_33] : memref<199680xf32, #tpu.memory_space<hbm>> -> memref<2080xf32, #tpu.memory_space<hbm>>
      tpu.wait_dma2 semaphore(%run_scoped3A : memref<!tpu.dma_semaphore, #tpu.memory_space<semaphore_mem>>) src(%dma_wait3A_89 : memref<2080xf32, #tpu.memory_space<hbm>>) dst(%arg19 : memref<2080xf32, #tpu.memory_space<vmem>>)
      tpu.yield
    }) : () -> ()
    %dma_wait3A = arith.constant 0 : i32
    %dma_wait3A_34 = arith.constant 0 : i32
    %dma_wait3A_35 = tpu.memref_slice %arg2[%dma_wait3A, %dma_wait3A_34] : memref<100352x8xf32, #tpu.memory_space<hbm>> -> memref<100352x8xf32, #tpu.memory_space<hbm>>
    tpu.wait_indirect_dma semaphore(%arg21 : memref<!tpu.dma_semaphore, #tpu.memory_space<semaphore_mem>>) src(%dma_wait3A_35 : memref<100352x8xf32, #tpu.memory_space<hbm>>) dst(%arg13 : memref<2080x8xf32, #tpu.memory_space<vmem>>)
    %dma_wait3A_36 = arith.constant 0 : i32
    %dma_wait3A_37 = arith.constant 0 : i32
    %dma_wait3A_38 = tpu.memref_slice %arg2[%dma_wait3A_36, %dma_wait3A_37] : memref<100352x8xf32, #tpu.memory_space<hbm>> -> memref<100352x8xf32, #tpu.memory_space<hbm>>
    tpu.wait_indirect_dma semaphore(%arg21 : memref<!tpu.dma_semaphore, #tpu.memory_space<semaphore_mem>>) src(%dma_wait3A_38 : memref<100352x8xf32, #tpu.memory_space<hbm>>) dst(%arg15 : memref<2080x8xf32, #tpu.memory_space<vmem>>)
    %scan3A = arith.constant 0 : i32
    %scan3A_39 = arith.constant 0 : i32
    %scan3A_40 = arith.constant 130 : i32
    %scan3A_41 = arith.addi %scan3A_39, %scan3A_40 : i32
    %scan3A_42 = arith.constant 1 : i32
    scf.for %scan3A_86 = %scan3A_39 to %scan3A_41 step %scan3A_42  : i32 {
      %mul3A_87 = arith.constant 16 : i32
      %mul3A_88 = arith.muli %scan3A_86, %mul3A_87 : i32
      %iota3A = tpu.iota {dimensions = array<i32: 0>} : vector<16xi32>
      %add3A_89 = vector.broadcast %mul3A_88 : i32 to vector<16xi32>
      %add3A_90 = arith.addi %add3A_89, %iota3A : vector<16xi32>
      %gather3A = tpu.vector_load_idx %arg13[%add3A_90, %broadcast_in_dim3A_1] : memref<2080x8xf32, #tpu.memory_space<vmem>>[vector<16xi32>, vector<16xi32>], vector<16xf32>,
      %gather3A_91 = tpu.vector_load_idx %arg13[%add3A_90, %add3A_4] : memref<2080x8xf32, #tpu.memory_space<vmem>>[vector<16xi32>, vector<16xi32>], vector<16xf32>,
      %gather3A_92 = tpu.vector_load_idx %arg13[%add3A_90, %add3A_7] : memref<2080x8xf32, #tpu.memory_space<vmem>>[vector<16xi32>, vector<16xi32>], vector<16xf32>,
      %gather3A_93 = tpu.vector_load_idx %arg13[%add3A_90, %add3A_10] : memref<2080x8xf32, #tpu.memory_space<vmem>>[vector<16xi32>, vector<16xi32>], vector<16xf32>,
      %gather3A_94 = tpu.vector_load_idx %arg15[%add3A_90, %broadcast_in_dim3A_1] : memref<2080x8xf32, #tpu.memory_space<vmem>>[vector<16xi32>, vector<16xi32>], vector<16xf32>,
      %gather3A_95 = tpu.vector_load_idx %arg15[%add3A_90, %add3A_4] : memref<2080x8xf32, #tpu.memory_space<vmem>>[vector<16xi32>, vector<16xi32>], vector<16xf32>,
      %gather3A_96 = tpu.vector_load_idx %arg15[%add3A_90, %add3A_7] : memref<2080x8xf32, #tpu.memory_space<vmem>>[vector<16xi32>, vector<16xi32>], vector<16xf32>,
      %gather3A_97 = tpu.vector_load_idx %arg15[%add3A_90, %add3A_10] : memref<2080x8xf32, #tpu.memory_space<vmem>>[vector<16xi32>, vector<16xi32>], vector<16xf32>,
      %mul3A_98 = arith.constant 16 : i32
      %mul3A_99 = arith.muli %scan3A_86, %mul3A_98 : i32
      %get3A = arith.index_cast %mul3A_99 : i32 to index
      %get3A_100 = tpu.vector_load %arg17[%get3A] {strides = array<i32>} : memref<2080xf32, #tpu.memory_space<vmem>>, vector<16xf32>,
      %mul3A_101 = arith.constant 16 : i32
      %mul3A_102 = arith.muli %scan3A_86, %mul3A_101 : i32
      %get3A_103 = arith.index_cast %mul3A_102 : i32 to index
      %get3A_104 = tpu.vector_load %arg18[%get3A_103] {strides = array<i32>} : memref<2080xf32, #tpu.memory_space<vmem>>, vector<16xf32>,
      %mul3A_105 = arith.constant 16 : i32
      %mul3A_106 = arith.muli %scan3A_86, %mul3A_105 : i32
      %get3A_107 = arith.index_cast %mul3A_106 : i32 to index
      %get3A_108 = tpu.vector_load %arg19[%get3A_107] {strides = array<i32>} : memref<2080xf32, #tpu.memory_space<vmem>>, vector<16xf32>,
      %sub3A = arith.subf %gather3A, %gather3A_94 : vector<16xf32>
      %div3A = arith.divf %sub3A, %get3A_108 : vector<16xf32>
      %gt3A = arith.cmpf ogt, %gather3A_94, %gather3A : vector<16xf32>
      %select_n3A = arith.select %gt3A, %gather3A_95, %gather3A_91 : vector<16xi1>, vector<16xf32>
      %add3A_109 = arith.addf %gather3A_92, %gather3A_96 : vector<16xf32>
      %mul3A_110 = arith.constant 5.000000e-01 : f32
      %mul3A_111 = vector.broadcast %mul3A_110 : f32 to vector<16xf32>
      %mul3A_112 = arith.mulf %mul3A_111, %add3A_109 : vector<16xf32>
      %mul3A_113 = arith.mulf %mul3A_112, %get3A_100 : vector<16xf32>
      %add3A_114 = arith.addf %gather3A_93, %gather3A_97 : vector<16xf32>
      %mul3A_115 = arith.constant 5.000000e-01 : f32
      %mul3A_116 = vector.broadcast %mul3A_115 : f32 to vector<16xf32>
      %mul3A_117 = arith.mulf %mul3A_116, %add3A_114 : vector<16xf32>
      %mul3A_118 = arith.mulf %mul3A_117, %get3A_104 : vector<16xf32>
      %add3A_119 = arith.addf %mul3A_113, %mul3A_118 : vector<16xf32>
      %mul3A_120 = arith.mulf %select_n3A, %div3A : vector<16xf32>
      %sub3A_121 = arith.subf %add3A_119, %mul3A_120 : vector<16xf32>
      tpu.vector_store_idx %arg20[%add3A_90, %broadcast_in_dim3A_1], %sub3A_121 : memref<2080x8xf32, #tpu.memory_space<vmem>>[vector<16xi32>, vector<16xi32>], vector<16xf32>,
      tpu.vector_store_idx %arg20[%add3A_90, %add3A_4], %div3A : memref<2080x8xf32, #tpu.memory_space<vmem>>[vector<16xi32>, vector<16xi32>], vector<16xf32>,
    }
    %scan3A_43 = arith.constant 130 : i32
    "tpu.region"() ({
      %run_scoped3A = tpu.sem_alloc : memref<!tpu.dma_semaphore, #tpu.memory_space<semaphore_mem>>
      %dma_start3A_86 = arith.constant 0 : i32
      %dma_start3A_87 = tpu.memref_slice %arg8[%add3A_33, %dma_start3A_86] : memref<199680x8xf32, #tpu.memory_space<hbm>> -> memref<2080x8xf32, #tpu.memory_space<hbm>>
      %dma_start3A_88 = arith.constant 0 : i32
      %dma_start3A_89 = tpu.memref_slice %arg8[%add3A_33, %dma_start3A_88] : memref<199680x8xf32, #tpu.memory_space<hbm>> -> memref<2080x8xf32, #tpu.memory_space<hbm>>
      tpu.enqueue_dma source(%arg20 : memref<2080x8xf32, #tpu.memory_space<vmem>>) target(%dma_start3A_89 : memref<2080x8xf32, #tpu.memory_space<hbm>>) target_semaphore(%run_scoped3A : memref<!tpu.dma_semaphore, #tpu.memory_space<semaphore_mem>>)
      %dma_wait3A_90 = arith.constant 0 : i32
      %dma_wait3A_91 = tpu.memref_slice %arg8[%add3A_33, %dma_wait3A_90] : memref<199680x8xf32, #tpu.memory_space<hbm>> -> memref<2080x8xf32, #tpu.memory_space<hbm>>
      %dma_wait3A_92 = arith.constant 0 : i32
      %dma_wait3A_93 = tpu.memref_slice %arg8[%add3A_33, %dma_wait3A_92] : memref<199680x8xf32, #tpu.memory_space<hbm>> -> memref<2080x8xf32, #tpu.memory_space<hbm>>
      tpu.wait_dma2 semaphore(%run_scoped3A : memref<!tpu.dma_semaphore, #tpu.memory_space<semaphore_mem>>) src(%arg20 : memref<2080x8xf32, #tpu.memory_space<vmem>>) dst(%dma_wait3A_93 : memref<2080x8xf32, #tpu.memory_space<hbm>>)
      tpu.yield
    }) : () -> ()
    %mul3A_44 = arith.constant 6240 : i32
    %mul3A_45 = arith.muli %add3A, %mul3A_44 : i32
    %add3A_46 = arith.constant 4160 : i32
    %add3A_47 = arith.addi %mul3A_45, %add3A_46 : i32
    "tpu.region"() ({
      %run_scoped3A = tpu.sem_alloc : memref<!tpu.dma_semaphore, #tpu.memory_space<semaphore_mem>>
      %dma_start3A_86 = tpu.memref_slice %arg3[%add3A_47] : memref<199680xi32, #tpu.memory_space<hbm>> -> memref<2080xi32, #tpu.memory_space<hbm>>
      %dma_start3A_87 = tpu.memref_slice %arg3[%add3A_47] : memref<199680xi32, #tpu.memory_space<hbm>> -> memref<2080xi32, #tpu.memory_space<hbm>>
      tpu.enqueue_dma source(%dma_start3A_87 : memref<2080xi32, #tpu.memory_space<hbm>>) target(%arg9 : memref<2080xi32, #tpu.memory_space<vmem>>) target_semaphore(%run_scoped3A : memref<!tpu.dma_semaphore, #tpu.memory_space<semaphore_mem>>)
      %dma_wait3A_88 = tpu.memref_slice %arg3[%add3A_47] : memref<199680xi32, #tpu.memory_space<hbm>> -> memref<2080xi32, #tpu.memory_space<hbm>>
      %dma_wait3A_89 = tpu.memref_slice %arg3[%add3A_47] : memref<199680xi32, #tpu.memory_space<hbm>> -> memref<2080xi32, #tpu.memory_space<hbm>>
      tpu.wait_dma2 semaphore(%run_scoped3A : memref<!tpu.dma_semaphore, #tpu.memory_space<semaphore_mem>>) src(%dma_wait3A_89 : memref<2080xi32, #tpu.memory_space<hbm>>) dst(%arg9 : memref<2080xi32, #tpu.memory_space<vmem>>)
      tpu.yield
    }) : () -> ()
    "tpu.region"() ({
      %run_scoped3A = tpu.sem_alloc : memref<!tpu.dma_semaphore, #tpu.memory_space<semaphore_mem>>
      %dma_start3A_86 = tpu.memref_slice %arg4[%add3A_47] : memref<199680xi32, #tpu.memory_space<hbm>> -> memref<2080xi32, #tpu.memory_space<hbm>>
      %dma_start3A_87 = tpu.memref_slice %arg4[%add3A_47] : memref<199680xi32, #tpu.memory_space<hbm>> -> memref<2080xi32, #tpu.memory_space<hbm>>
      tpu.enqueue_dma source(%dma_start3A_87 : memref<2080xi32, #tpu.memory_space<hbm>>) target(%arg11 : memref<2080xi32, #tpu.memory_space<vmem>>) target_semaphore(%run_scoped3A : memref<!tpu.dma_semaphore, #tpu.memory_space<semaphore_mem>>)
      %dma_wait3A_88 = tpu.memref_slice %arg4[%add3A_47] : memref<199680xi32, #tpu.memory_space<hbm>> -> memref<2080xi32, #tpu.memory_space<hbm>>
      %dma_wait3A_89 = tpu.memref_slice %arg4[%add3A_47] : memref<199680xi32, #tpu.memory_space<hbm>> -> memref<2080xi32, #tpu.memory_space<hbm>>
      tpu.wait_dma2 semaphore(%run_scoped3A : memref<!tpu.dma_semaphore, #tpu.memory_space<semaphore_mem>>) src(%dma_wait3A_89 : memref<2080xi32, #tpu.memory_space<hbm>>) dst(%arg11 : memref<2080xi32, #tpu.memory_space<vmem>>)
      tpu.yield
    }) : () -> ()
    %dma_start3A_48 = arith.constant 0 : i32
    %dma_start3A_49 = arith.constant 0 : i32
    %dma_start3A_50 = tpu.memref_slice %arg2[%dma_start3A_48, %dma_start3A_49] : memref<100352x8xf32, #tpu.memory_space<hbm>> -> memref<100352x8xf32, #tpu.memory_space<hbm>>
    tpu.enqueue_indirect_dma source(%dma_start3A_50 : memref<100352x8xf32, #tpu.memory_space<hbm>>) target(%arg13 : memref<2080x8xf32, #tpu.memory_space<vmem>>) offsets(%arg9 : memref<2080xi32, #tpu.memory_space<vmem>>) semaphore(%arg21 : memref<!tpu.dma_semaphore, #tpu.memory_space<semaphore_mem>>)
    %dma_start3A_51 = arith.constant 0 : i32
    %dma_start3A_52 = arith.constant 0 : i32
    %dma_start3A_53 = tpu.memref_slice %arg2[%dma_start3A_51, %dma_start3A_52] : memref<100352x8xf32, #tpu.memory_space<hbm>> -> memref<100352x8xf32, #tpu.memory_space<hbm>>
    tpu.enqueue_indirect_dma source(%dma_start3A_53 : memref<100352x8xf32, #tpu.memory_space<hbm>>) target(%arg15 : memref<2080x8xf32, #tpu.memory_space<vmem>>) offsets(%arg11 : memref<2080xi32, #tpu.memory_space<vmem>>) semaphore(%arg21 : memref<!tpu.dma_semaphore, #tpu.memory_space<semaphore_mem>>)
    %mul3A_54 = arith.constant 6240 : i32
    %mul3A_55 = arith.muli %add3A, %mul3A_54 : i32
    %add3A_56 = arith.constant 2080 : i32
    %add3A_57 = arith.addi %mul3A_55, %add3A_56 : i32
    "tpu.region"() ({
      %run_scoped3A = tpu.sem_alloc : memref<!tpu.dma_semaphore, #tpu.memory_space<semaphore_mem>>
      %dma_start3A_86 = tpu.memref_slice %arg5[%add3A_57] : memref<199680xf32, #tpu.memory_space<hbm>> -> memref<2080xf32, #tpu.memory_space<hbm>>
      %dma_start3A_87 = tpu.memref_slice %arg5[%add3A_57] : memref<199680xf32, #tpu.memory_space<hbm>> -> memref<2080xf32, #tpu.memory_space<hbm>>
      tpu.enqueue_dma source(%dma_start3A_87 : memref<2080xf32, #tpu.memory_space<hbm>>) target(%arg17 : memref<2080xf32, #tpu.memory_space<vmem>>) target_semaphore(%run_scoped3A : memref<!tpu.dma_semaphore, #tpu.memory_space<semaphore_mem>>)
      %dma_wait3A_88 = tpu.memref_slice %arg5[%add3A_57] : memref<199680xf32, #tpu.memory_space<hbm>> -> memref<2080xf32, #tpu.memory_space<hbm>>
      %dma_wait3A_89 = tpu.memref_slice %arg5[%add3A_57] : memref<199680xf32, #tpu.memory_space<hbm>> -> memref<2080xf32, #tpu.memory_space<hbm>>
      tpu.wait_dma2 semaphore(%run_scoped3A : memref<!tpu.dma_semaphore, #tpu.memory_space<semaphore_mem>>) src(%dma_wait3A_89 : memref<2080xf32, #tpu.memory_space<hbm>>) dst(%arg17 : memref<2080xf32, #tpu.memory_space<vmem>>)
      tpu.yield
    }) : () -> ()
    "tpu.region"() ({
      %run_scoped3A = tpu.sem_alloc : memref<!tpu.dma_semaphore, #tpu.memory_space<semaphore_mem>>
      %dma_start3A_86 = tpu.memref_slice %arg6[%add3A_57] : memref<199680xf32, #tpu.memory_space<hbm>> -> memref<2080xf32, #tpu.memory_space<hbm>>
      %dma_start3A_87 = tpu.memref_slice %arg6[%add3A_57] : memref<199680xf32, #tpu.memory_space<hbm>> -> memref<2080xf32, #tpu.memory_space<hbm>>
      tpu.enqueue_dma source(%dma_start3A_87 : memref<2080xf32, #tpu.memory_space<hbm>>) target(%arg18 : memref<2080xf32, #tpu.memory_space<vmem>>) target_semaphore(%run_scoped3A : memref<!tpu.dma_semaphore, #tpu.memory_space<semaphore_mem>>)
      %dma_wait3A_88 = tpu.memref_slice %arg6[%add3A_57] : memref<199680xf32, #tpu.memory_space<hbm>> -> memref<2080xf32, #tpu.memory_space<hbm>>
      %dma_wait3A_89 = tpu.memref_slice %arg6[%add3A_57] : memref<199680xf32, #tpu.memory_space<hbm>> -> memref<2080xf32, #tpu.memory_space<hbm>>
      tpu.wait_dma2 semaphore(%run_scoped3A : memref<!tpu.dma_semaphore, #tpu.memory_space<semaphore_mem>>) src(%dma_wait3A_89 : memref<2080xf32, #tpu.memory_space<hbm>>) dst(%arg18 : memref<2080xf32, #tpu.memory_space<vmem>>)
      tpu.yield
    }) : () -> ()
    "tpu.region"() ({
      %run_scoped3A = tpu.sem_alloc : memref<!tpu.dma_semaphore, #tpu.memory_space<semaphore_mem>>
      %dma_start3A_86 = tpu.memref_slice %arg7[%add3A_57] : memref<199680xf32, #tpu.memory_space<hbm>> -> memref<2080xf32, #tpu.memory_space<hbm>>
      %dma_start3A_87 = tpu.memref_slice %arg7[%add3A_57] : memref<199680xf32, #tpu.memory_space<hbm>> -> memref<2080xf32, #tpu.memory_space<hbm>>
      tpu.enqueue_dma source(%dma_start3A_87 : memref<2080xf32, #tpu.memory_space<hbm>>) target(%arg19 : memref<2080xf32, #tpu.memory_space<vmem>>) target_semaphore(%run_scoped3A : memref<!tpu.dma_semaphore, #tpu.memory_space<semaphore_mem>>)
      %dma_wait3A_88 = tpu.memref_slice %arg7[%add3A_57] : memref<199680xf32, #tpu.memory_space<hbm>> -> memref<2080xf32, #tpu.memory_space<hbm>>
      %dma_wait3A_89 = tpu.memref_slice %arg7[%add3A_57] : memref<199680xf32, #tpu.memory_space<hbm>> -> memref<2080xf32, #tpu.memory_space<hbm>>
      tpu.wait_dma2 semaphore(%run_scoped3A : memref<!tpu.dma_semaphore, #tpu.memory_space<semaphore_mem>>) src(%dma_wait3A_89 : memref<2080xf32, #tpu.memory_space<hbm>>) dst(%arg19 : memref<2080xf32, #tpu.memory_space<vmem>>)
      tpu.yield
    }) : () -> ()
    %dma_wait3A_58 = arith.constant 0 : i32
    %dma_wait3A_59 = arith.constant 0 : i32
    %dma_wait3A_60 = tpu.memref_slice %arg2[%dma_wait3A_58, %dma_wait3A_59] : memref<100352x8xf32, #tpu.memory_space<hbm>> -> memref<100352x8xf32, #tpu.memory_space<hbm>>
    tpu.wait_indirect_dma semaphore(%arg22 : memref<!tpu.dma_semaphore, #tpu.memory_space<semaphore_mem>>) src(%dma_wait3A_60 : memref<100352x8xf32, #tpu.memory_space<hbm>>) dst(%arg14 : memref<2080x8xf32, #tpu.memory_space<vmem>>)
    %dma_wait3A_61 = arith.constant 0 : i32
    %dma_wait3A_62 = arith.constant 0 : i32
    %dma_wait3A_63 = tpu.memref_slice %arg2[%dma_wait3A_61, %dma_wait3A_62] : memref<100352x8xf32, #tpu.memory_space<hbm>> -> memref<100352x8xf32, #tpu.memory_space<hbm>>
    tpu.wait_indirect_dma semaphore(%arg22 : memref<!tpu.dma_semaphore, #tpu.memory_space<semaphore_mem>>) src(%dma_wait3A_63 : memref<100352x8xf32, #tpu.memory_space<hbm>>) dst(%arg16 : memref<2080x8xf32, #tpu.memory_space<vmem>>)
    %scan3A_64 = arith.constant 0 : i32
    %scan3A_65 = arith.constant 0 : i32
    %scan3A_66 = arith.constant 130 : i32
    %scan3A_67 = arith.addi %scan3A_65, %scan3A_66 : i32
    %scan3A_68 = arith.constant 1 : i32
    scf.for %scan3A_86 = %scan3A_65 to %scan3A_67 step %scan3A_68  : i32 {
      %mul3A_87 = arith.constant 16 : i32
      %mul3A_88 = arith.muli %scan3A_86, %mul3A_87 : i32
      %iota3A = tpu.iota {dimensions = array<i32: 0>} : vector<16xi32>
      %add3A_89 = vector.broadcast %mul3A_88 : i32 to vector<16xi32>
      %add3A_90 = arith.addi %add3A_89, %iota3A : vector<16xi32>
      %gather3A = tpu.vector_load_idx %arg14[%add3A_90, %broadcast_in_dim3A_1] : memref<2080x8xf32, #tpu.memory_space<vmem>>[vector<16xi32>, vector<16xi32>], vector<16xf32>,
      %gather3A_91 = tpu.vector_load_idx %arg14[%add3A_90, %add3A_4] : memref<2080x8xf32, #tpu.memory_space<vmem>>[vector<16xi32>, vector<16xi32>], vector<16xf32>,
      %gather3A_92 = tpu.vector_load_idx %arg14[%add3A_90, %add3A_7] : memref<2080x8xf32, #tpu.memory_space<vmem>>[vector<16xi32>, vector<16xi32>], vector<16xf32>,
      %gather3A_93 = tpu.vector_load_idx %arg14[%add3A_90, %add3A_10] : memref<2080x8xf32, #tpu.memory_space<vmem>>[vector<16xi32>, vector<16xi32>], vector<16xf32>,
      %gather3A_94 = tpu.vector_load_idx %arg16[%add3A_90, %broadcast_in_dim3A_1] : memref<2080x8xf32, #tpu.memory_space<vmem>>[vector<16xi32>, vector<16xi32>], vector<16xf32>,
      %gather3A_95 = tpu.vector_load_idx %arg16[%add3A_90, %add3A_4] : memref<2080x8xf32, #tpu.memory_space<vmem>>[vector<16xi32>, vector<16xi32>], vector<16xf32>,
      %gather3A_96 = tpu.vector_load_idx %arg16[%add3A_90, %add3A_7] : memref<2080x8xf32, #tpu.memory_space<vmem>>[vector<16xi32>, vector<16xi32>], vector<16xf32>,
      %gather3A_97 = tpu.vector_load_idx %arg16[%add3A_90, %add3A_10] : memref<2080x8xf32, #tpu.memory_space<vmem>>[vector<16xi32>, vector<16xi32>], vector<16xf32>,
      %mul3A_98 = arith.constant 16 : i32
      %mul3A_99 = arith.muli %scan3A_86, %mul3A_98 : i32
      %get3A = arith.index_cast %mul3A_99 : i32 to index
      %get3A_100 = tpu.vector_load %arg17[%get3A] {strides = array<i32>} : memref<2080xf32, #tpu.memory_space<vmem>>, vector<16xf32>,
      %mul3A_101 = arith.constant 16 : i32
      %mul3A_102 = arith.muli %scan3A_86, %mul3A_101 : i32
      %get3A_103 = arith.index_cast %mul3A_102 : i32 to index
      %get3A_104 = tpu.vector_load %arg18[%get3A_103] {strides = array<i32>} : memref<2080xf32, #tpu.memory_space<vmem>>, vector<16xf32>,
      %mul3A_105 = arith.constant 16 : i32
      %mul3A_106 = arith.muli %scan3A_86, %mul3A_105 : i32
      %get3A_107 = arith.index_cast %mul3A_106 : i32 to index
      %get3A_108 = tpu.vector_load %arg19[%get3A_107] {strides = array<i32>} : memref<2080xf32, #tpu.memory_space<vmem>>, vector<16xf32>,
      %sub3A = arith.subf %gather3A, %gather3A_94 : vector<16xf32>
      %div3A = arith.divf %sub3A, %get3A_108 : vector<16xf32>
      %gt3A = arith.cmpf ogt, %gather3A_94, %gather3A : vector<16xf32>
      %select_n3A = arith.select %gt3A, %gather3A_95, %gather3A_91 : vector<16xi1>, vector<16xf32>
      %add3A_109 = arith.addf %gather3A_92, %gather3A_96 : vector<16xf32>
      %mul3A_110 = arith.constant 5.000000e-01 : f32
      %mul3A_111 = vector.broadcast %mul3A_110 : f32 to vector<16xf32>
      %mul3A_112 = arith.mulf %mul3A_111, %add3A_109 : vector<16xf32>
      %mul3A_113 = arith.mulf %mul3A_112, %get3A_100 : vector<16xf32>
      %add3A_114 = arith.addf %gather3A_93, %gather3A_97 : vector<16xf32>
      %mul3A_115 = arith.constant 5.000000e-01 : f32
      %mul3A_116 = vector.broadcast %mul3A_115 : f32 to vector<16xf32>
      %mul3A_117 = arith.mulf %mul3A_116, %add3A_114 : vector<16xf32>
      %mul3A_118 = arith.mulf %mul3A_117, %get3A_104 : vector<16xf32>
      %add3A_119 = arith.addf %mul3A_113, %mul3A_118 : vector<16xf32>
      %mul3A_120 = arith.mulf %select_n3A, %div3A : vector<16xf32>
      %sub3A_121 = arith.subf %add3A_119, %mul3A_120 : vector<16xf32>
      tpu.vector_store_idx %arg20[%add3A_90, %broadcast_in_dim3A_1], %sub3A_121 : memref<2080x8xf32, #tpu.memory_space<vmem>>[vector<16xi32>, vector<16xi32>], vector<16xf32>,
      tpu.vector_store_idx %arg20[%add3A_90, %add3A_4], %div3A : memref<2080x8xf32, #tpu.memory_space<vmem>>[vector<16xi32>, vector<16xi32>], vector<16xf32>,
    }
    %scan3A_69 = arith.constant 130 : i32
    "tpu.region"() ({
      %run_scoped3A = tpu.sem_alloc : memref<!tpu.dma_semaphore, #tpu.memory_space<semaphore_mem>>
      %dma_start3A_86 = arith.constant 0 : i32
      %dma_start3A_87 = tpu.memref_slice %arg8[%add3A_57, %dma_start3A_86] : memref<199680x8xf32, #tpu.memory_space<hbm>> -> memref<2080x8xf32, #tpu.memory_space<hbm>>
      %dma_start3A_88 = arith.constant 0 : i32
      %dma_start3A_89 = tpu.memref_slice %arg8[%add3A_57, %dma_start3A_88] : memref<199680x8xf32, #tpu.memory_space<hbm>> -> memref<2080x8xf32, #tpu.memory_space<hbm>>
      tpu.enqueue_dma source(%arg20 : memref<2080x8xf32, #tpu.memory_space<vmem>>) target(%dma_start3A_89 : memref<2080x8xf32, #tpu.memory_space<hbm>>) target_semaphore(%run_scoped3A : memref<!tpu.dma_semaphore, #tpu.memory_space<semaphore_mem>>)
      %dma_wait3A_90 = arith.constant 0 : i32
      %dma_wait3A_91 = tpu.memref_slice %arg8[%add3A_57, %dma_wait3A_90] : memref<199680x8xf32, #tpu.memory_space<hbm>> -> memref<2080x8xf32, #tpu.memory_space<hbm>>
      %dma_wait3A_92 = arith.constant 0 : i32
      %dma_wait3A_93 = tpu.memref_slice %arg8[%add3A_57, %dma_wait3A_92] : memref<199680x8xf32, #tpu.memory_space<hbm>> -> memref<2080x8xf32, #tpu.memory_space<hbm>>
      tpu.wait_dma2 semaphore(%run_scoped3A : memref<!tpu.dma_semaphore, #tpu.memory_space<semaphore_mem>>) src(%arg20 : memref<2080x8xf32, #tpu.memory_space<vmem>>) dst(%dma_wait3A_93 : memref<2080x8xf32, #tpu.memory_space<hbm>>)
      tpu.yield
    }) : () -> ()
    %mul3A_70 = arith.constant 6240 : i32
    %mul3A_71 = arith.muli %add3A, %mul3A_70 : i32
    %add3A_72 = arith.constant 4160 : i32
    %add3A_73 = arith.addi %mul3A_71, %add3A_72 : i32
    "tpu.region"() ({
      %run_scoped3A = tpu.sem_alloc : memref<!tpu.dma_semaphore, #tpu.memory_space<semaphore_mem>>
      %dma_start3A_86 = tpu.memref_slice %arg5[%add3A_73] : memref<199680xf32, #tpu.memory_space<hbm>> -> memref<2080xf32, #tpu.memory_space<hbm>>
      %dma_start3A_87 = tpu.memref_slice %arg5[%add3A_73] : memref<199680xf32, #tpu.memory_space<hbm>> -> memref<2080xf32, #tpu.memory_space<hbm>>
      tpu.enqueue_dma source(%dma_start3A_87 : memref<2080xf32, #tpu.memory_space<hbm>>) target(%arg17 : memref<2080xf32, #tpu.memory_space<vmem>>) target_semaphore(%run_scoped3A : memref<!tpu.dma_semaphore, #tpu.memory_space<semaphore_mem>>)
      %dma_wait3A_88 = tpu.memref_slice %arg5[%add3A_73] : memref<199680xf32, #tpu.memory_space<hbm>> -> memref<2080xf32, #tpu.memory_space<hbm>>
      %dma_wait3A_89 = tpu.memref_slice %arg5[%add3A_73] : memref<199680xf32, #tpu.memory_space<hbm>> -> memref<2080xf32, #tpu.memory_space<hbm>>
      tpu.wait_dma2 semaphore(%run_scoped3A : memref<!tpu.dma_semaphore, #tpu.memory_space<semaphore_mem>>) src(%dma_wait3A_89 : memref<2080xf32, #tpu.memory_space<hbm>>) dst(%arg17 : memref<2080xf32, #tpu.memory_space<vmem>>)
      tpu.yield
    }) : () -> ()
    "tpu.region"() ({
      %run_scoped3A = tpu.sem_alloc : memref<!tpu.dma_semaphore, #tpu.memory_space<semaphore_mem>>
      %dma_start3A_86 = tpu.memref_slice %arg6[%add3A_73] : memref<199680xf32, #tpu.memory_space<hbm>> -> memref<2080xf32, #tpu.memory_space<hbm>>
      %dma_start3A_87 = tpu.memref_slice %arg6[%add3A_73] : memref<199680xf32, #tpu.memory_space<hbm>> -> memref<2080xf32, #tpu.memory_space<hbm>>
      tpu.enqueue_dma source(%dma_start3A_87 : memref<2080xf32, #tpu.memory_space<hbm>>) target(%arg18 : memref<2080xf32, #tpu.memory_space<vmem>>) target_semaphore(%run_scoped3A : memref<!tpu.dma_semaphore, #tpu.memory_space<semaphore_mem>>)
      %dma_wait3A_88 = tpu.memref_slice %arg6[%add3A_73] : memref<199680xf32, #tpu.memory_space<hbm>> -> memref<2080xf32, #tpu.memory_space<hbm>>
      %dma_wait3A_89 = tpu.memref_slice %arg6[%add3A_73] : memref<199680xf32, #tpu.memory_space<hbm>> -> memref<2080xf32, #tpu.memory_space<hbm>>
      tpu.wait_dma2 semaphore(%run_scoped3A : memref<!tpu.dma_semaphore, #tpu.memory_space<semaphore_mem>>) src(%dma_wait3A_89 : memref<2080xf32, #tpu.memory_space<hbm>>) dst(%arg18 : memref<2080xf32, #tpu.memory_space<vmem>>)
      tpu.yield
    }) : () -> ()
    "tpu.region"() ({
      %run_scoped3A = tpu.sem_alloc : memref<!tpu.dma_semaphore, #tpu.memory_space<semaphore_mem>>
      %dma_start3A_86 = tpu.memref_slice %arg7[%add3A_73] : memref<199680xf32, #tpu.memory_space<hbm>> -> memref<2080xf32, #tpu.memory_space<hbm>>
      %dma_start3A_87 = tpu.memref_slice %arg7[%add3A_73] : memref<199680xf32, #tpu.memory_space<hbm>> -> memref<2080xf32, #tpu.memory_space<hbm>>
      tpu.enqueue_dma source(%dma_start3A_87 : memref<2080xf32, #tpu.memory_space<hbm>>) target(%arg19 : memref<2080xf32, #tpu.memory_space<vmem>>) target_semaphore(%run_scoped3A : memref<!tpu.dma_semaphore, #tpu.memory_space<semaphore_mem>>)
      %dma_wait3A_88 = tpu.memref_slice %arg7[%add3A_73] : memref<199680xf32, #tpu.memory_space<hbm>> -> memref<2080xf32, #tpu.memory_space<hbm>>
      %dma_wait3A_89 = tpu.memref_slice %arg7[%add3A_73] : memref<199680xf32, #tpu.memory_space<hbm>> -> memref<2080xf32, #tpu.memory_space<hbm>>
      tpu.wait_dma2 semaphore(%run_scoped3A : memref<!tpu.dma_semaphore, #tpu.memory_space<semaphore_mem>>) src(%dma_wait3A_89 : memref<2080xf32, #tpu.memory_space<hbm>>) dst(%arg19 : memref<2080xf32, #tpu.memory_space<vmem>>)
      tpu.yield
    }) : () -> ()
    %dma_wait3A_74 = arith.constant 0 : i32
    %dma_wait3A_75 = arith.constant 0 : i32
    %dma_wait3A_76 = tpu.memref_slice %arg2[%dma_wait3A_74, %dma_wait3A_75] : memref<100352x8xf32, #tpu.memory_space<hbm>> -> memref<100352x8xf32, #tpu.memory_space<hbm>>
    tpu.wait_indirect_dma semaphore(%arg21 : memref<!tpu.dma_semaphore, #tpu.memory_space<semaphore_mem>>) src(%dma_wait3A_76 : memref<100352x8xf32, #tpu.memory_space<hbm>>) dst(%arg13 : memref<2080x8xf32, #tpu.memory_space<vmem>>)
    %dma_wait3A_77 = arith.constant 0 : i32
    %dma_wait3A_78 = arith.constant 0 : i32
    %dma_wait3A_79 = tpu.memref_slice %arg2[%dma_wait3A_77, %dma_wait3A_78] : memref<100352x8xf32, #tpu.memory_space<hbm>> -> memref<100352x8xf32, #tpu.memory_space<hbm>>
    tpu.wait_indirect_dma semaphore(%arg21 : memref<!tpu.dma_semaphore, #tpu.memory_space<semaphore_mem>>) src(%dma_wait3A_79 : memref<100352x8xf32, #tpu.memory_space<hbm>>) dst(%arg15 : memref<2080x8xf32, #tpu.memory_space<vmem>>)
    %scan3A_80 = arith.constant 0 : i32
    %scan3A_81 = arith.constant 0 : i32
    %scan3A_82 = arith.constant 130 : i32
    %scan3A_83 = arith.addi %scan3A_81, %scan3A_82 : i32
    %scan3A_84 = arith.constant 1 : i32
    scf.for %scan3A_86 = %scan3A_81 to %scan3A_83 step %scan3A_84  : i32 {
      %mul3A_87 = arith.constant 16 : i32
      %mul3A_88 = arith.muli %scan3A_86, %mul3A_87 : i32
      %iota3A = tpu.iota {dimensions = array<i32: 0>} : vector<16xi32>
      %add3A_89 = vector.broadcast %mul3A_88 : i32 to vector<16xi32>
      %add3A_90 = arith.addi %add3A_89, %iota3A : vector<16xi32>
      %gather3A = tpu.vector_load_idx %arg13[%add3A_90, %broadcast_in_dim3A_1] : memref<2080x8xf32, #tpu.memory_space<vmem>>[vector<16xi32>, vector<16xi32>], vector<16xf32>,
      %gather3A_91 = tpu.vector_load_idx %arg13[%add3A_90, %add3A_4] : memref<2080x8xf32, #tpu.memory_space<vmem>>[vector<16xi32>, vector<16xi32>], vector<16xf32>,
      %gather3A_92 = tpu.vector_load_idx %arg13[%add3A_90, %add3A_7] : memref<2080x8xf32, #tpu.memory_space<vmem>>[vector<16xi32>, vector<16xi32>], vector<16xf32>,
      %gather3A_93 = tpu.vector_load_idx %arg13[%add3A_90, %add3A_10] : memref<2080x8xf32, #tpu.memory_space<vmem>>[vector<16xi32>, vector<16xi32>], vector<16xf32>,
      %gather3A_94 = tpu.vector_load_idx %arg15[%add3A_90, %broadcast_in_dim3A_1] : memref<2080x8xf32, #tpu.memory_space<vmem>>[vector<16xi32>, vector<16xi32>], vector<16xf32>,
      %gather3A_95 = tpu.vector_load_idx %arg15[%add3A_90, %add3A_4] : memref<2080x8xf32, #tpu.memory_space<vmem>>[vector<16xi32>, vector<16xi32>], vector<16xf32>,
      %gather3A_96 = tpu.vector_load_idx %arg15[%add3A_90, %add3A_7] : memref<2080x8xf32, #tpu.memory_space<vmem>>[vector<16xi32>, vector<16xi32>], vector<16xf32>,
      %gather3A_97 = tpu.vector_load_idx %arg15[%add3A_90, %add3A_10] : memref<2080x8xf32, #tpu.memory_space<vmem>>[vector<16xi32>, vector<16xi32>], vector<16xf32>,
      %mul3A_98 = arith.constant 16 : i32
      %mul3A_99 = arith.muli %scan3A_86, %mul3A_98 : i32
      %get3A = arith.index_cast %mul3A_99 : i32 to index
      %get3A_100 = tpu.vector_load %arg17[%get3A] {strides = array<i32>} : memref<2080xf32, #tpu.memory_space<vmem>>, vector<16xf32>,
      %mul3A_101 = arith.constant 16 : i32
      %mul3A_102 = arith.muli %scan3A_86, %mul3A_101 : i32
      %get3A_103 = arith.index_cast %mul3A_102 : i32 to index
      %get3A_104 = tpu.vector_load %arg18[%get3A_103] {strides = array<i32>} : memref<2080xf32, #tpu.memory_space<vmem>>, vector<16xf32>,
      %mul3A_105 = arith.constant 16 : i32
      %mul3A_106 = arith.muli %scan3A_86, %mul3A_105 : i32
      %get3A_107 = arith.index_cast %mul3A_106 : i32 to index
      %get3A_108 = tpu.vector_load %arg19[%get3A_107] {strides = array<i32>} : memref<2080xf32, #tpu.memory_space<vmem>>, vector<16xf32>,
      %sub3A = arith.subf %gather3A, %gather3A_94 : vector<16xf32>
      %div3A = arith.divf %sub3A, %get3A_108 : vector<16xf32>
      %gt3A = arith.cmpf ogt, %gather3A_94, %gather3A : vector<16xf32>
      %select_n3A = arith.select %gt3A, %gather3A_95, %gather3A_91 : vector<16xi1>, vector<16xf32>
      %add3A_109 = arith.addf %gather3A_92, %gather3A_96 : vector<16xf32>
      %mul3A_110 = arith.constant 5.000000e-01 : f32
      %mul3A_111 = vector.broadcast %mul3A_110 : f32 to vector<16xf32>
      %mul3A_112 = arith.mulf %mul3A_111, %add3A_109 : vector<16xf32>
      %mul3A_113 = arith.mulf %mul3A_112, %get3A_100 : vector<16xf32>
      %add3A_114 = arith.addf %gather3A_93, %gather3A_97 : vector<16xf32>
      %mul3A_115 = arith.constant 5.000000e-01 : f32
      %mul3A_116 = vector.broadcast %mul3A_115 : f32 to vector<16xf32>
      %mul3A_117 = arith.mulf %mul3A_116, %add3A_114 : vector<16xf32>
      %mul3A_118 = arith.mulf %mul3A_117, %get3A_104 : vector<16xf32>
      %add3A_119 = arith.addf %mul3A_113, %mul3A_118 : vector<16xf32>
      %mul3A_120 = arith.mulf %select_n3A, %div3A : vector<16xf32>
      %sub3A_121 = arith.subf %add3A_119, %mul3A_120 : vector<16xf32>
      tpu.vector_store_idx %arg20[%add3A_90, %broadcast_in_dim3A_1], %sub3A_121 : memref<2080x8xf32, #tpu.memory_space<vmem>>[vector<16xi32>, vector<16xi32>], vector<16xf32>,
      tpu.vector_store_idx %arg20[%add3A_90, %add3A_4], %div3A : memref<2080x8xf32, #tpu.memory_space<vmem>>[vector<16xi32>, vector<16xi32>], vector<16xf32>,
    }
    %scan3A_85 = arith.constant 130 : i32
    "tpu.region"() ({
      %run_scoped3A = tpu.sem_alloc : memref<!tpu.dma_semaphore, #tpu.memory_space<semaphore_mem>>
      %dma_start3A_86 = arith.constant 0 : i32
      %dma_start3A_87 = tpu.memref_slice %arg8[%add3A_73, %dma_start3A_86] : memref<199680x8xf32, #tpu.memory_space<hbm>> -> memref<2080x8xf32, #tpu.memory_space<hbm>>
      %dma_start3A_88 = arith.constant 0 : i32
      %dma_start3A_89 = tpu.memref_slice %arg8[%add3A_73, %dma_start3A_88] : memref<199680x8xf32, #tpu.memory_space<hbm>> -> memref<2080x8xf32, #tpu.memory_space<hbm>>
      tpu.enqueue_dma source(%arg20 : memref<2080x8xf32, #tpu.memory_space<vmem>>) target(%dma_start3A_89 : memref<2080x8xf32, #tpu.memory_space<hbm>>) target_semaphore(%run_scoped3A : memref<!tpu.dma_semaphore, #tpu.memory_space<semaphore_mem>>)
      %dma_wait3A_90 = arith.constant 0 : i32
      %dma_wait3A_91 = tpu.memref_slice %arg8[%add3A_73, %dma_wait3A_90] : memref<199680x8xf32, #tpu.memory_space<hbm>> -> memref<2080x8xf32, #tpu.memory_space<hbm>>
      %dma_wait3A_92 = arith.constant 0 : i32
      %dma_wait3A_93 = tpu.memref_slice %arg8[%add3A_73, %dma_wait3A_92] : memref<199680x8xf32, #tpu.memory_space<hbm>> -> memref<2080x8xf32, #tpu.memory_space<hbm>>
      tpu.wait_dma2 semaphore(%run_scoped3A : memref<!tpu.dma_semaphore, #tpu.memory_space<semaphore_mem>>) src(%arg20 : memref<2080x8xf32, #tpu.memory_space<vmem>>) dst(%dma_wait3A_93 : memref<2080x8xf32, #tpu.memory_space<hbm>>)
      tpu.yield
    }) : () -> ()
    return
  }
}

module attributes {stable_mosaic.version = 14 : i64} {
  func.func @body(%arg0: memref<1560x128xf32, #tpu.memory_space<vmem>>, %arg1: memref<1560x128xf32, #tpu.memory_space<vmem>>, %arg2: memref<1560x128xf32, #tpu.memory_space<vmem>>) attributes {dimension_semantics = [], scalar_prefetch = 0 : i64, scratch_operands = 0 : i64, tpu.core_type = #tpu.core_type<tc>} {
    %get3A = arith.constant 0 : index
    %get3A_0 = arith.constant 0 : index
    %get3A_1 = vector.load %arg0[%get3A, %get3A_0] : memref<1560x128xf32, #tpu.memory_space<vmem>>, vector<1560x128xf32>
    %cos3A = math.cos %get3A_1 : vector<1560x128xf32>
    %swap3A = arith.constant 0 : index
    %swap3A_2 = arith.constant 0 : index
    %swap3A_3 = vector.load %arg1[%swap3A, %swap3A_2] : memref<1560x128xf32, #tpu.memory_space<vmem>>, vector<1560x128xf32>
    tpu.vector_store %arg1[%swap3A, %swap3A_2], %cos3A {strides = array<i32>} : memref<1560x128xf32, #tpu.memory_space<vmem>>, vector<1560x128xf32>,
    %sin3A = math.sin %get3A_1 : vector<1560x128xf32>
    %swap3A_4 = arith.constant 0 : index
    %swap3A_5 = arith.constant 0 : index
    %swap3A_6 = vector.load %arg2[%swap3A_4, %swap3A_5] : memref<1560x128xf32, #tpu.memory_space<vmem>>, vector<1560x128xf32>
    tpu.vector_store %arg2[%swap3A_4, %swap3A_5], %sin3A {strides = array<i32>} : memref<1560x128xf32, #tpu.memory_space<vmem>>, vector<1560x128xf32>,
    return
  }
}

</mosaic_0001>

<sc_bundles>
// kernel: kernel.12.cloned.1.call-start
scs
__scs_entry_jumppad:
0x0: {  	(pc) =	sbr.rel $0x88, $3  }
0x1: {  	(tag) =	ssettag $0x0;
	lr =	simm.s32 $0x1  }
0x2: {  	[smem:$0x3F95] =	sst lr;
	_ =	strace $0xD0000000  }
0x3: {  	_ = 	snop  }
0x4: {  	_ = 	snop  }
0x5: {  	_ = 	snop  }
0x6: {  	_ = 	snop  }
0x7: {  	_ = 	snop  }
__scs_overlays_trampoline_lowered:
0x8: {  	[smem:$0x3FA4] =	sst s0  }
0x9: {  	[smem:$0x3FA5] =	sst s1  }
0xa: {  	[smem:$0x3FA6] =	sst s2  }
0xb: {  	[smem:$0x3FA7] =	sst s3  }
0xc: {  	[smem:$0x3FA8] =	sst s4  }
0xd: {  	[smem:$0x3FA9] =	sst s5  }
0xe: {  	[smem:$0x3FAA] =	sst s6  }
0xf: {  	[smem:$0x3FAB] =	sst s7  }
0x10: {  	[smem:$0x3FAC] =	sst s8  }
0x11: {  	[smem:$0x3FAD] =	sst s9;
	s0 =	simm.s32 @!p0 $0x0  }
0x12: {  	s1 =	sld [smem:$0x3F93];
	s0 =	simm.s32 @p0 $0x1  }
0x13: {  	[smem:$0x3FAE] =	sst s0;
	s0 =	simm.s32 @!p1 $0x0  }
0x14: {  	s2 =	sld [smem:$0x3F92];
	s0 =	simm.s32 @p1 $0x1  }
0x15: {  	[smem:$0x3FAF] =	sst s0;
	s0 =	simm.s32 @!p2 $0x0  }
0x16: {  	s3 =	sld [smem:$0x3FDB];
	s0 =	simm.s32 @p2 $0x1  }
0x17: {  	s4 =	simm.s32 $0x1BF5;
	[smem:$0x3FB1] =	sst s0  }
0x18: {  	s0 =	sld [smem:$0x3F94];
	_ =	swait.ge [sflag:s4], $0x0  }
0x19: {  	s7 =	sld [smem:$0x3F95]  }
0x1a: {  	s8 =	sadd.s32 $0xFFFFE003, lr  }
0x1b: {  	s9 =	sadd.s32 $0xFFFFFEF7, lr;
	s5 =	simm.s32 $0xFFFFFFFF;
	p2 =	slt.u32 s8, $0xFFFFF086  }
0x1c: {  	p1 =	slt.u32 s9, $0xF7A;
	s5 =	simm.s32 @!p2 $0x0  }
0x1d: {  	s5 =	simm.s32 @p1 $0x1;
	p0 =	seq.s32 s7, s2  }
0x1e: {  	s7 =	smul.u32 @!p0 $0xF7A, s2;
	p2 =	seq.s32 @!p0 s5, $0x0  }
0x1f: {  	s9 =	smul.u32 $0xF7A, s1;
	s8 =	simm.s32 @!p0 $0x1BF5;
	p2 =	por !p2, p0  }
0x20: {  	[sflag:s8] =	ssyncset.s32 @!p0 $0xFFFFF086;
	s6 =	sadd.s32 @!p0 s3, s7;
	s7 =	simm.s32 @!p0 $0x108  }
0x21: {  	s3 =	sadd.s32 s3, s9;
	s6 =	sadd.s32 @!p0 $0x88, s6;
	s7 =	simm.s32 @p2 $0x1082  }
0x22: {  	[simem:s7], [sflag:s8] =	dma.local @!p0 [hbm:s6], $0xF7A  }
0x23: {  	s9 =	sor.u32 $0xD0000000, s2;
	s6 =	simm.s32 $0x108;
	_ =	swait.ge @!p0 [sflag:s8], $0x0  }
0x24: {  	s3 =	sadd.s32 $0x88, s3;
	s6 =	simm.s32 @!p1 $0x1082;
	[sflag:s4] =	ssyncset.s32 $0xFFFFF086  }
0x25: {  	[simem:s6], [sflag:s4] =	dma.local [hbm:s3], $0xF7A  }
0x26: {  	[smem:$0x3F95] =	sst s1;
	(tag) =	ssettag s2;
	_ =	strace s9  }
0x27: {  	s1 =	sld [smem:$0x3FA5]  }
0x28: {  	s2 =	sld [smem:$0x3FA6]  }
0x29: {  	s4 =	sld [smem:$0x3FA8]  }
0x2a: {  	p0 =	seq.s32 s5, $0x0;
	s5 =	sld [smem:$0x3FA9]  }
0x2b: {  	s6 =	sld [smem:$0x3FAA]  }
0x2c: {  	s7 =	sld [smem:$0x3FAB]  }
0x2d: {  	s3 =	simm.s32 $0x108;
	s8 =	sld [smem:$0x3FAC]  }
0x2e: {  	s3 =	simm.s32 @!p0 $0x1082;
	s9 =	sld [smem:$0x3FAD]  }
0x2f: {  	lr =	sadd.s32 s0, s3;
	s0 =	sld [smem:$0x3FA4]  }
0x30: {  	s3 =	sld [smem:$0x3FA7]  }
0x31: {  	[smem:$0x3FB0] =	sst s10  }
0x32: {  	s10 =	sld [smem:$0x3FAE];
	_ =	sdelay $0x3  }
0x33: {  	p0 =	seq.s32 s10, $0x1;
	s10 =	sld [smem:$0x3FB0];
	_ =	sdelay $0x3  }
0x34: {  	[smem:$0x3FB0] =	sst s10  }
0x35: {  	s10 =	sld [smem:$0x3FAF];
	_ =	sdelay $0x3  }
0x36: {  	p1 =	seq.s32 s10, $0x1;
	s10 =	sld [smem:$0x3FB0];
	_ =	sdelay $0x3  }
0x37: {  	[smem:$0x3FB0] =	sst s10  }
0x38: {  	s10 =	sld [smem:$0x3FB1]  }
0x39: {  	_ = 	snop;
	(pc) =	sbr.ind lr, $3  }
0x3a: {  	_ = 	snop  }
0x3b: {  	_ = 	snop  }
0x3c: {  	p2 =	seq.s32 s10, $0x1;
	s10 =	sld [smem:$0x3FB0]  }
0x3d: {  	_ =	shalt  }
0x3e: {  	_ =	shalt  }
0x3f: {  	_ =	shalt  }
0x40: {  	_ =	shalt  }
0x41: {  	_ =	shalt  }
0x42: {  	_ =	shalt  }
0x43: {  	_ =	shalt  }
0x44: {  	_ =	shalt  }
0x45: {  	_ =	shalt  }
0x46: {  	_ =	shalt  }
0x47: {  	_ =	shalt  }
0x48: {  	_ =	shalt  }
0x49: {  	_ =	shalt  }
0x4a: {  	_ =	shalt  }
0x4b: {  	_ =	shalt  }
0x4c: {  	_ =	shalt  }
0x4d: {  	_ =	shalt  }
0x4e: {  	_ =	shalt  }
0x4f: {  	_ =	shalt  }
0x50: {  	_ =	shalt  }
0x51: {  	_ =	shalt  }
0x52: {  	_ =	shalt  }
0x53: {  	_ =	shalt  }
0x54: {  	_ =	shalt  }
0x55: {  	_ =	shalt  }
0x56: {  	_ =	shalt  }
0x57: {  	_ =	shalt  }
0x58: {  	_ =	shalt  }
0x59: {  	_ =	shalt  }
0x5a: {  	_ =	shalt  }
0x5b: {  	_ =	shalt  }
0x5c: {  	_ =	shalt  }
0x5d: {  	_ =	shalt  }
0x5e: {  	_ =	shalt  }
0x5f: {  	_ =	shalt  }
0x60: {  	_ =	shalt  }
0x61: {  	_ =	shalt  }
0x62: {  	_ =	shalt  }
0x63: {  	_ =	shalt  }
0x64: {  	_ =	shalt  }
0x65: {  	_ =	shalt  }
0x66: {  	_ =	shalt  }
0x67: {  	_ =	shalt  }
0x68: {  	_ =	shalt  }
0x69: {  	_ =	shalt  }
0x6a: {  	_ =	shalt  }
0x6b: {  	_ =	shalt  }
0x6c: {  	_ =	shalt  }
0x6d: {  	_ =	shalt  }
0x6e: {  	_ =	shalt  }
0x6f: {  	_ =	shalt  }
0x70: {  	_ =	shalt  }
0x71: {  	_ =	shalt  }
0x72: {  	_ =	shalt  }
0x73: {  	_ =	shalt  }
0x74: {  	_ =	shalt  }
0x75: {  	_ =	shalt  }
0x76: {  	_ =	shalt  }
0x77: {  	_ =	shalt  }
0x78: {  	_ =	shalt  }
0x79: {  	_ =	shalt  }
0x7a: {  	_ =	shalt  }
0x7b: {  	_ =	shalt  }
0x7c: {  	_ =	shalt  }
0x7d: {  	_ =	shalt  }
0x7e: {  	_ =	shalt  }
0x7f: {  	_ =	shalt  }
0x80: {  	_ =	shalt  }
0x81: {  	_ =	shalt  }
0x82: {  	_ =	shalt  }
0x83: {  	_ =	shalt  }
0x84: {  	_ =	shalt  }
0x85: {  	_ =	shalt  }
0x86: {  	_ =	shalt  }
0x87: {  	_ =	shalt  }
.Lfunc_end0:
.L_simem_size_0:
called_computation.2_lowered:
.L_overlay_start_0:
0x88: {  	s2 =	sld [smem:$0x3FD9]  }
0x89: {  	s3 =	sld [smem:$0x3FFE];
	_ =	sdelay $0x1  }
0x8a: {  	s1 =	srdreg.scid  }
0x8b: {  	s0 =	sand.u32 $0x1, s1  }
0x8c: {  	s17 =	sshll.u32 s0, $0xA;
	s2 =	sadd.s32 s3, s2  }
0x8d: {  	s2 =	sadd.s32 s2, s17  }
0x8e: {  	[smem:$0x3FBC] =	sst s2  }
0x8f: {  	_ = 	snop  }
0x90: {  	s2 =	sld [smem:$0x3FD0];
	(tm) =	ssettm $0x1  }
0x91: {  	s18 =	sld [smem:$0x3FFB];
	_ =	sdelay $0x3  }
0x92: {  	_ =	strace s18  }
0x93: {  	s3 =	sld [smem:$0x3FFC];
	_ =	sdelay $0x3  }
0x94: {  	_ =	strace s3  }
0x95: {  	s3 =	sld [smem:$0x3FFD];
	_ =	sdelay $0x3  }
0x96: {  	_ =	strace s3  }
0x97: {  	_ =	strace $0x8FFFFFFF  }
0x98: {  	s19 =	sld [smem:$0x3FDB];
	_ =	sdelay $0x1  }
0x99: {  	s4 =	simm.s32 $_scs_section_size  }
0x9a: {  	s5 =	simm.s32 $_size__tile_overlayer_lowered;
	s6 =	simm.s32 $_tile_overlayer_lowered  }
0x9b: {  	s22 =	simm.s32 $0x1BFF;
	s21 =	sshll.u32 s6, $0x1;
	s3 =	sadd.s32 s4, s19  }
0x9c: {  	s7 =	simm.s32 $0x0;
	s20 =	sshll.u32 s5, $0x1;
	s5 =	sadd.s32 s21, s3  }
0x9d: {  	[timem:s7], [sflag:s22] =	dma.local [hbm:s5], s20  }
0x9e: {  	_ =	swait.ge [sflag:s22], s20  }
0x9f: {  	s4 =	ssub.s32 $0x0, s20;
	[sflag:s22] =	ssyncset.done $0x0  }
0xa0: {  	[sflag:s22] =	ssyncadd.s32 s4;
	_ =	sdelay $0x1  }
0xa1: {  	s23 =	simm.s32 $0x1B8B  }
0xa2: {  	_ =	swait.ge [sflag:s23], $0x1  }
0xa3: {  	[sflag:s23] =	ssyncset.done $0x0  }
0xa4: {  	s25 =	simm.s32 $0x1B8E;
	s24 =	sld [smem:$0x3FFE];
	[sflag:s23] =	ssyncadd.s32 $0xFFFFFFFF  }
0xa5: {  	s26 =	simm.s32 $execute0_lowered;
	[smem:$0x3FD2] =	sst s25  }
0xa6: {  	s5 =	sshll.u32 s26, $0x1;
	_ =	strace $0x8000004C;
	[dreg:$0x1] =	wrdreg $0xFFFFFFFF  }
0xa7: {  	s28 =	simm.s32 $_size_execute0_lowered;
	s3 =	sadd.s32 s3, s5;
	[dreg:$0x0] =	wrdreg $0x0  }
0xa8: {  	s5 =	sshll.u32 s28, $0x1;
	[dreg:$0x2] =	wrdreg s3  }
0xa9: {  	[dreg:$0x3] =	wrdreg s5  }
0xaa: {  	[dreg:$0x4] =	wrdreg $0xC0  }
0xab: {  	_ =	task [dreg:s7], $0x5FFFF  }
0xac: {  	[dreg:$0x1] =	wrdreg $0xFFFFFFFF  }
0xad: {  	[dreg:$0x0] =	wrdreg $0x60  }
0xae: {  	[dreg:$0x2] =	wrdreg s24  }
0xaf: {  	[dreg:$0x3] =	wrdreg s2  }
0xb0: {  	[dreg:$0x4] =	wrdreg $0x9  }
0xb1: {  	_ =	task.clear_ibuf [dreg:s7], $0x5FFFF;
	_ =	strace $0x9000004C  }
0xb2: {  	s29 =	simm.s32 $0x9;
	_ =	strace $0x8000004E  }
0xb3: {  	_ =	swait.ge [sflag:s29], $0x1  }
0xb4: {  	[sflag:s29] =	ssyncadd.s32 $0xFFFFFFFF  }
0xb5: {  	_ =	strace $0x9000004E  }
0xb6: {  	_ =	sfence  }
0xb7: {  	s30 =	sld [smem:$0x0];
	_ =	sdelay $0x2  }
0xb8: {  	s31 =	sshll.u32 s1, $0xD;
	s1 =	sshrl.u32 s1, $0x2  }
0xb9: {  	s3 =	sand.u32 $0x4000, s31;
	s1 =	sadd.s32 s1, s30  }
0xba: {  	s0 =	sor.u32 s3, s0;
	s1 =	sshll.u32 s1, $0x11  }
0xbb: {  	s0 =	sor.u32 s1, s0  }
0xbc: {  	s0 =	sadd.s32 $0x8F2B, s0  }
0xbd: {  	[sflag:s0] =	ssyncadd.remote.s32 $0x1  }
0xbe: {  	_ =	sfence.sel $0xFFFF  }
0xbf: {  	[dreg:$0x0] =	wrdreg $0xFFFFFFFF;
	(pc) =	sbr.abs _section_cstart, $3  }
0xc0: {  	[dreg:$0x1] =	wrdreg $0xFFFFFFFF  }
0xc1: {  	_ =	task.clear_ibuf [dreg:s7], $0x2FFFF;
	_ =	strace $0x9FFFFFFF  }
0xc2: {  	(tm) =	ssettm $0x7FFFFFFF  }
0xc3: {  	_ =	shalt  }
tec
execute0_lowered:
.L_overlay_start_1:
0x0: {  	(tag) =	ssettag $0x1  }
0x1: {  	s4 =	rddreg [dreg:$0x0];
	s1 =	srdreg.scid  }
0x2: {  	s0 =	stileid.u32;
	s7 =	rddreg [dreg:$0x1];
	s2 =	simm.s32 $0x0  }
0x3: {  	s11 =	simm.s32 $0x3;
	s12 =	simm.s32 $0x10D80;
	s13 =	simm.s32 $0x119C0  }
0x4: {  	s14 =	simm.s32 $0x3100;
	s15 =	simm.s32 $0x4980;
	s16 =	simm.s32 $0x3D40  }
0x5: {  	s17 =	simm.s32 $0xAB80;
	s18 =	simm.s32 $0x1;
	s19 =	simm.s32 $0x2  }
0x6: {  	s3 =	sand.u32 $0x1, s1;
	s5 =	sshll.u32 s0, $0x1;
	s1 =	rddreg [dreg:$0x2]  }
0x7: {  	[smem:$0x7FF] =	sst s2;
	s20 =	sor.u32 s3, s5;
	s31 =	ssub.s32 $0x2, s3  }
0x8: {  	_ =	strace $0x8000004D;
	s3 =	sadd.s32 $0x39400, s4;
	s8 =	smul.u32 $0x188, s20  }
0x9: {  	v0 =	vlaneseq.u32;
	s6 =	sshrl.u32 s31, $0x1;
	p0 =	seq.s32 s20, $0x1F;
	s20 =	simm.s32 $0x0  }
0xa: {  	v0 =	vmul.u32 $0x8, v0;
	s10 =	ssub.s32 s31, s6;
	s9 =	sadd.s32 s8, s4;
	s7 =	sadd.s32 s7, s8  }
0xb: {  	s8 =	smax.u32 s10, $0x1;
	s10 =	simm.s32 $0x18800;
	s4 =	sadd.s32 $0x6A000, s9  }
0xc: {  	v1 =	vor.u32 $0x4980, v0;
	v2 =	vor.u32 $0x3100, v0;
	v3 =	vor.u32 $0x1880, v0;
	s5 =	sadd.s32 $0x79600, s9;
	s6 =	sadd.s32 $0x76400, s9;
	s9 =	simm.s32 $0xC40  }
.LBB2_1:
0xd: {  	[tilespmem:s2], [sflag:$0x3] =	stream.strided.gather [hbm4b:s4+s9], $0x3100, s10, s9, $0x38;
	[tilespmem:$0x13240] =	vst v63  }
0xe: {  	_ =	swait.ge [sflag:s11], $0x3100  }
0xf: {  	[sflag:s11] =	ssyncset.done $0x0  }
0x10: {  	[sflag:s11] =	ssyncadd.s32 $0xFFFFCF00  }
0x11: {  	[tilespmem:s12], [sflag:$0x3] =	stream.linear.gather [hbm4b:s5+s2], $0xC40, $0x38;
	[tilespmem:$0x13240] =	vst v63  }
0x12: {  	_ =	swait.ge [sflag:s11], $0xC40  }
0x13: {  	[sflag:s11] =	ssyncset.done $0x0  }
0x14: {  	[sflag:s11] =	ssyncadd.s32 $0xFFFFF3C0  }
0x15: {  	[tilespmem:s13], [sflag:$0x3] =	stream.linear.gather [hbm4b:s6+s2], $0xC40, $0x38;
	[tilespmem:$0x13240] =	vst v63  }
0x16: {  	_ =	swait.ge [sflag:s11], $0xC40  }
0x17: {  	[sflag:s11] =	ssyncset.done $0x0  }
0x18: {  	s21 =	simm.s32 $0x0;
	[sflag:s11] =	ssyncadd.s32 $0xFFFFF3C0  }
0x19: {  	v6 =	vld [tilespmem:s21+$0x24C0]  }
0x1a: {  	v7 =	vld [tilespmem:s21+$0x0]  }
0x1b: {  	v4 =	vld [tilespmem:s21+$0xC40]  }
0x1c: {  	s22 =	simm.s32 $0x40;
	v5 =	vld [tilespmem:s21+$0x1880]  }
.LBB2_2:
0x1d: {  	p1 =	sne.s32 s22, $0xC00  }
.Ltmp0:
0x1e: {  	s23 =	sshra.s32 s22, $0x2;
	s22 =	sadd.s32 $0x40, s22;
	v8 =	vshra.s32 v6, $0x2;
	(pc) =	sbr.rel @p1 .LBB2_2-.Ltmp0, $4  }
0x1f: {  	v6 =	vld [tilespmem:s23+$0x24C0];
	v9 =	vshra.s32 v7, $0x2;
	[tilespmem:s21+$0x3A30] =	vst v8  }
0x20: {  	v7 =	vld [tilespmem:s23+$0x0];
	[tilespmem:s21+$0x3100] =	vst v9;
	v8 =	vshra.s32 v4, $0x2  }
0x21: {  	v4 =	vld [tilespmem:s23+$0xC40];
	[tilespmem:s21+$0x3410] =	vst v8;
	v8 =	vshra.s32 v5, $0x2  }
0x22: {  	v5 =	vld [tilespmem:s23+$0x1880];
	[tilespmem:s21+$0x3720] =	vst v8;
	s21 =	smov.u32 s23  }
0x23: {  	_ = 	snop  }
0x24: {  	v6 =	vshra.s32 v6, $0x2  }
0x25: {  	v7 =	vshra.s32 v7, $0x2;
	[tilespmem:s21+$0x3A30] =	vst v6  }
0x26: {  	[tilespmem:s21+$0x3100] =	vst v7;
	v4 =	vshra.s32 v4, $0x2  }
0x27: {  	[tilespmem:s21+$0x3410] =	vst v4;
	v4 =	vshra.s32 v5, $0x2  }
0x28: {  	[tilespmem:s21+$0x3720] =	vst v4;
	s21 =	simm.s32 $0x0  }
0x29: {  	[tilespmem:s15], [sflag:$0x1] =	stream.indirect.gather [hbm4b:s3+s9], $0x8, s14, s9, $0xb8;
	[tilespmem:$0x13240] =	vst v63  }
0x2a: {  	v6 =	vld [tilespmem:s21+$0x27D0]  }
0x2b: {  	v7 =	vld [tilespmem:s21+$0x310]  }
0x2c: {  	v4 =	vld [tilespmem:s21+$0xF50]  }
0x2d: {  	s22 =	simm.s32 $0x40;
	v5 =	vld [tilespmem:s21+$0x1B90]  }
.LBB2_4:
0x2e: {  	p1 =	sne.s32 s22, $0xC00  }
.Ltmp1:
0x2f: {  	s23 =	sshra.s32 s22, $0x2;
	s22 =	sadd.s32 $0x40, s22;
	v8 =	vshra.s32 v6, $0x2;
	(pc) =	sbr.rel @p1 .LBB2_4-.Ltmp1, $4  }
0x30: {  	v6 =	vld [tilespmem:s23+$0x27D0];
	v9 =	vshra.s32 v7, $0x2;
	[tilespmem:s21+$0x4670] =	vst v8  }
0x31: {  	v7 =	vld [tilespmem:s23+$0x310];
	[tilespmem:s21+$0x3D40] =	vst v9;
	v8 =	vshra.s32 v4, $0x2  }
0x32: {  	v4 =	vld [tilespmem:s23+$0xF50];
	[tilespmem:s21+$0x4050] =	vst v8;
	v8 =	vshra.s32 v5, $0x2  }
0x33: {  	v5 =	vld [tilespmem:s23+$0x1B90];
	[tilespmem:s21+$0x4360] =	vst v8;
	s21 =	smov.u32 s23  }
0x34: {  	_ = 	snop  }
0x35: {  	v6 =	vshra.s32 v6, $0x2  }
0x36: {  	v7 =	vshra.s32 v7, $0x2;
	[tilespmem:s21+$0x4670] =	vst v6  }
0x37: {  	[tilespmem:s21+$0x3D40] =	vst v7;
	v4 =	vshra.s32 v4, $0x2  }
0x38: {  	[tilespmem:s21+$0x4050] =	vst v4;
	v4 =	vshra.s32 v5, $0x2  }
0x39: {  	s28 =	simm.s32 $0x0;
	[tilespmem:s21+$0x4360] =	vst v4  }
0x3a: {  	[tilespmem:s17], [sflag:$0x2] =	stream.indirect.gather [hbm4b:s3+s9], $0x8, s16, s9, $0xb8;
	[tilespmem:$0x13240] =	vst v63  }
0x3b: {  	v4 =	vmov s28;
	_ =	swait.ge [sflag:s18], $0x6200  }
0x3c: {  	v4 =	vshll.u32 v4, $0x3;
	[sflag:s18] =	ssyncset.done $0x0  }
0x3d: {  	s29 =	simm.s32 $0x1880;
	v5 =	vor.u32 v0, v4;
	[sflag:s18] =	ssyncadd.s32 $0xFFFF9E00  }
0x3e: {  	s22 =	simm.s32 $0x119C0;
	v6 =	vld [tilespmem:s29+$0xFFFFE780]  }
0x3f: {  	v7 =	vadd.s32 v3, v4;
	v8 =	vld [tilespmem:s22+$0x0]  }
0x40: {  	v11 =	vadd.s32 v2, v4;
	v10 =	vld [tilespmem:s29+$0xFFFFF3C0]  }
0x41: {  	v9 =	vor.u32 $0x1, v5;
	v13 =	vld [tilespmem:s29+$0x0]  }
0x42: {  	v5 =	vld.idx.msk [tilespmem:v5+s15+$0x0], $0xffff  }
0x43: {  	v12 =	vor.u32 $0x1, v7;
	v14 =	vld [tilespmem:s29+$0xC40];
	v6 =	vand.u32 $0x3, v6  }
0x44: {  	v4 =	vadd.s32 v1, v4;
	v7 =	vld.idx.msk [tilespmem:v7+s15+$0x0], $0xffff;
	v6 =	vadd.s32 $0xFFFFFFFF, v6  }
0x45: {  	v15 =	vor.u32 $0x1, v11;
	v11 =	vld.idx.msk [tilespmem:v11+s15+$0x0], $0xffff;
	v10 =	vand.u32 $0x3, v10;
	v6 =	vcvt.s32.f32 v6  }
0x46: {  	v16 =	vor.u32 $0x1, v4;
	v9 =	vld.idx.msk [tilespmem:v9+s15+$0x0], $0xffff;
	v10 =	vadd.s32 $0xFFFFFFFF, v10  }
0x47: {  	v46 =	vand.u32 $0x3, v13;
	v5 =	vmul.f32 v6, v5;
	v6 =	vcvt.s32.f32 v10  }
0x48: {  	(erf) = vrcp.f32 v8;
	v8 =	vld.idx.msk [tilespmem:v12+s15+$0x0], $0xffff;
	v47 =	vand.u32 $0x3, v14;
	v10 =	vadd.s32 $0xFFFFFFFF, v46  }
0x49: {  	v4 =	vld.idx.msk [tilespmem:v4+s15+$0x0], $0xffff;
	v5 =	vadd.f32 $0.0e+00, v5;
	v6 =	vmul.f32 v6, v7;
	v7 =	vcvt.s32.f32 v10  }
0x4a: {  	v48 =	vld.idx.msk [tilespmem:v15+s15+$0x0], $0xffff;
	v49 =	vadd.s32 $0xFFFFFFFF, v47  }
0x4b: {  	v9 =	vadd.f32 $0.0e+00, v9;
	v5 =	vadd.f32 v6, v5;
	v6 =	vmul.f32 v7, v11  }
0x4c: {  	v50 =	vld.idx.msk [tilespmem:v16+s15+$0x0], $0xffff;
	v7 =	vcvt.s32.f32 v49  }
0x4d: {  	s30 =	simm.s32 $0x10D80;
	v8 =	vadd.f32 v8, v9;
	v5 =	vadd.f32 v6, v5  }
0x4e: {  	v4 =	vmul.f32 v7, v4;
	v6 =	vld [tilespmem:s30+$0x0]  }
0x4f: {  	v7 =	vadd.f32 v48, v8  }
0x50: {  	v4 =	vadd.f32 v4, v5  }
0x51: {  	v7 =	vadd.f32 v50, v7;
	v5 =	vpop (erf)  }
0x52: {  	v4 =	vmul.f32 v4, v5  }
0x53: {  	vm0 =	veq.s32 v6, $0x0;
	v5 =	vmul.f32 $2.500000000e-01, v7  }
0x54: {  	s31 =	simm.s32 $0x10;
	v4 =	vnsel vm0, $0x0, v4  }
0x55: {  	v6 =	vmov s31;
	v4 =	vadd.f32 v4, v5  }
0x56: {  	s21 =	simm.s32 $0x12600;
	v6 =	vshll.u32 v6, $0x3  }
0x57: {  	s23 =	simm.s32 $0x1890;
	v5 =	vor.u32 v0, v6;
	[tilespmem:s21+$0x0] =	vst v4  }
0x58: {  	s22 =	simm.s32 $0x119D0;
	v4 =	vld [tilespmem:s23+$0xFFFFE780]  }
0x59: {  	v7 =	vadd.s32 v3, v6;
	v8 =	vld [tilespmem:s22+$0x0]  }
0x5a: {  	v51 =	vor.u32 $0x1, v5;
	v52 =	vld [tilespmem:s23+$0xFFFFF3C0]  }
0x5b: {  	v53 =	vadd.s32 v2, v6;
	v55 =	vld [tilespmem:s23+$0x0]  }
0x5c: {  	v6 =	vadd.s32 v1, v6;
	v5 =	vld.idx.msk [tilespmem:v5+s15+$0x0], $0xffff  }
0x5d: {  	v54 =	vor.u32 $0x1, v7;
	v56 =	vld [tilespmem:s23+$0xC40];
	v4 =	vand.u32 $0x3, v4  }
0x5e: {  	v7 =	vld.idx.msk [tilespmem:v7+s15+$0x0], $0xffff;
	v4 =	vadd.s32 $0xFFFFFFFF, v4  }
0x5f: {  	v57 =	vor.u32 $0x1, v53;
	v9 =	vld.idx.msk [tilespmem:v51+s15+$0x0], $0xffff;
	v10 =	vand.u32 $0x3, v52;
	v4 =	vcvt.s32.f32 v4  }
0x60: {  	v58 =	vor.u32 $0x1, v6;
	v11 =	vld.idx.msk [tilespmem:v53+s15+$0x0], $0xffff;
	v10 =	vadd.s32 $0xFFFFFFFF, v10  }
0x61: {  	v6 =	vld.idx.msk [tilespmem:v6+s15+$0x0], $0xffff;
	v59 =	vand.u32 $0x3, v55;
	v4 =	vmul.f32 v4, v5;
	v5 =	vcvt.s32.f32 v10  }
0x62: {  	(erf) = vrcp.f32 v8;
	v8 =	vld.idx.msk [tilespmem:v54+s15+$0x0], $0xffff;
	v60 =	vand.u32 $0x3, v56;
	v10 =	vadd.s32 $0xFFFFFFFF, v59  }
0x63: {  	v4 =	vadd.f32 $0.0e+00, v4;
	v5 =	vmul.f32 v5, v7;
	v7 =	vcvt.s32.f32 v10  }
0x64: {  	v61 =	vld.idx.msk [tilespmem:v57+s15+$0x0], $0xffff;
	v62 =	vadd.s32 $0xFFFFFFFF, v60;
	v9 =	vadd.f32 $0.0e+00, v9  }
0x65: {  	v4 =	vadd.f32 v5, v4;
	v5 =	vmul.f32 v7, v11;
	v7 =	vcvt.s32.f32 v62  }
0x66: {  	v63 =	vld.idx.msk [tilespmem:v58+s15+$0x0], $0xffff  }
0x67: {  	s24 =	simm.s32 $0x10D90;
	v8 =	vadd.f32 v8, v9;
	v4 =	vadd.f32 v5, v4;
	v5 =	vmul.f32 v7, v6  }
0x68: {  	v6 =	vld [tilespmem:s24+$0x0]  }
0x69: {  	v7 =	vadd.f32 v61, v8  }
0x6a: {  	v4 =	vadd.f32 v5, v4  }
0x6b: {  	v7 =	vadd.f32 v63, v7;
	v5 =	vpop (erf)  }
0x6c: {  	s25 =	simm.s32 $0x20;
	v5 =	vmul.f32 v4, v5  }
0x6d: {  	v4 =	vmov s25;
	vm15 =	veq.s32 v6, $0x0;
	v6 =	vmul.f32 $2.500000000e-01, v7  }
0x6e: {  	v4 =	vshll.u32 v4, $0x3;
	v7 =	vnsel vm15, $0x0, v5  }
0x6f: {  	s25 =	simm.s32 $0x30;
	v5 =	vadd.s32 v3, v4;
	v6 =	vadd.f32 v7, v6  }
.LBB2_6:
0x70: {  	p1 =	sne.s32 s25, $0x300;
	s21 =	sadd.s32 $0x10, s21  }
0x71: {  	v7 =	vor.u32 v0, v4;
	s22 =	sadd.s32 $0x10, s22;
	[tilespmem:s21+$0x0] =	vst v6  }
0x72: {  	s23 =	sadd.s32 $0x10, s23;
	v6 =	vld [tilespmem:s22+$0x0]  }
0x73: {  	v8 =	vld [tilespmem:s23+$0xFFFFE780]  }
0x74: {  	v9 =	vor.u32 $0x1, v7;
	v10 =	vld.idx.msk [tilespmem:v5+s15+$0x0], $0xffff  }
0x75: {  	v12 =	vadd.s32 v2, v4;
	v11 =	vld [tilespmem:s23+$0xFFFFF3C0]  }
0x76: {  	v5 =	vor.u32 $0x1, v5;
	v7 =	vld.idx.msk [tilespmem:v7+s15+$0x0], $0xffff  }
0x77: {  	v4 =	vadd.s32 v1, v4;
	v13 =	vld [tilespmem:s23+$0x0]  }
0x78: {  	v14 =	vor.u32 $0x1, v12;
	v8 =	vand.u32 $0x3, v8;
	v15 =	vld [tilespmem:s23+$0xC40]  }
0x79: {  	v9 =	vld.idx.msk [tilespmem:v9+s15+$0x0], $0xffff;
	v8 =	vadd.s32 $0xFFFFFFFF, v8  }
0x7a: {  	v16 =	vor.u32 $0x1, v4;
	v8 =	vcvt.s32.f32 v8;
	v11 =	vand.u32 $0x3, v11;
	v12 =	vld.idx.msk [tilespmem:v12+s15+$0x0], $0xffff  }
0x7b: {  	v5 =	vld.idx.msk [tilespmem:v5+s15+$0x0], $0xffff;
	v11 =	vadd.s32 $0xFFFFFFFF, v11;
	(erf) = vrcp.f32 v6  }
0x7c: {  	v6 =	vmul.f32 v8, v7;
	v7 =	vcvt.s32.f32 v11;
	v8 =	vand.u32 $0x3, v13;
	v4 =	vld.idx.msk [tilespmem:v4+s15+$0x0], $0xffff  }
0x7d: {  	v11 =	vld.idx.msk [tilespmem:v14+s15+$0x0], $0xffff;
	v8 =	vadd.s32 $0xFFFFFFFF, v8;
	v13 =	vand.u32 $0x3, v15  }
0x7e: {  	v6 =	vadd.f32 $0.0e+00, v6;
	v7 =	vmul.f32 v7, v10;
	v8 =	vcvt.s32.f32 v8  }
0x7f: {  	v9 =	vadd.f32 $0.0e+00, v9;
	v13 =	vadd.s32 $0xFFFFFFFF, v13;
	v10 =	vld.idx.msk [tilespmem:v16+s15+$0x0], $0xffff  }
0x80: {  	v6 =	vadd.f32 v7, v6;
	v7 =	vmul.f32 v8, v12;
	v8 =	vcvt.s32.f32 v13  }
0x81: {  	s24 =	sadd.s32 $0x10, s24;
	v5 =	vadd.f32 v5, v9  }
0x82: {  	v9 =	vadd.f32 v7, v6;
	v4 =	vmul.f32 v8, v4;
	v7 =	vld [tilespmem:s24+$0x0]  }
0x83: {  	v5 =	vadd.f32 v11, v5  }
0x84: {  	v4 =	vadd.f32 v4, v9;
	v6 =	vpop (erf)  }
.Ltmp2:
0x85: {  	v5 =	vadd.f32 v10, v5;
	(pc) =	sbr.rel @p1 .LBB2_6-.Ltmp2, $4  }
0x86: {  	v6 =	vmul.f32 v4, v6  }
0x87: {  	v4 =	vmov s25;
	vm0 =	veq.s32 v7, $0x0;
	v7 =	vmul.f32 $2.500000000e-01, v5  }
0x88: {  	v4 =	vshll.u32 v4, $0x3;
	v6 =	vnsel vm0, $0x0, v6  }
0x89: {  	s25 =	sadd.s32 $0x10, s25;
	v5 =	vadd.s32 v3, v4;
	v6 =	vadd.f32 v6, v7  }
0x8a: {  	s21 =	sadd.s32 $0x10, s21  }
0x8b: {  	v7 =	vor.u32 v0, v4;
	s23 =	sadd.s32 $0x10, s23;
	[tilespmem:s21+$0x0] =	vst v6  }
0x8c: {  	s22 =	sadd.s32 $0x10, s22;
	v6 =	vld [tilespmem:s23+$0xFFFFE780]  }
0x8d: {  	v8 =	vld [tilespmem:s22+$0x0]  }
0x8e: {  	v11 =	vadd.s32 v2, v4;
	v10 =	vld [tilespmem:s23+$0xFFFFF3C0]  }
0x8f: {  	v9 =	vor.u32 $0x1, v7;
	v13 =	vld [tilespmem:s23+$0x0]  }
0x90: {  	v7 =	vld.idx.msk [tilespmem:v7+s15+$0x0], $0xffff  }
0x91: {  	v12 =	vor.u32 $0x1, v5;
	v14 =	vld [tilespmem:s23+$0xC40];
	v6 =	vand.u32 $0x3, v6  }
0x92: {  	v4 =	vadd.s32 v1, v4;
	v5 =	vld.idx.msk [tilespmem:v5+s15+$0x0], $0xffff;
	v6 =	vadd.s32 $0xFFFFFFFF, v6  }
0x93: {  	v15 =	vor.u32 $0x1, v11;
	v11 =	vld.idx.msk [tilespmem:v11+s15+$0x0], $0xffff;
	v10 =	vand.u32 $0x3, v10;
	v6 =	vcvt.s32.f32 v6  }
0x94: {  	v16 =	vor.u32 $0x1, v4;
	v9 =	vld.idx.msk [tilespmem:v9+s15+$0x0], $0xffff;
	v10 =	vadd.s32 $0xFFFFFFFF, v10  }
0x95: {  	v59 =	vand.u32 $0x3, v13;
	v6 =	vmul.f32 v6, v7;
	v7 =	vcvt.s32.f32 v10  }
0x96: {  	(erf) = vrcp.f32 v8;
	v8 =	vld.idx.msk [tilespmem:v12+s15+$0x0], $0xffff;
	v60 =	vand.u32 $0x3, v14;
	v10 =	vadd.s32 $0xFFFFFFFF, v59  }
0x97: {  	v4 =	vld.idx.msk [tilespmem:v4+s15+$0x0], $0xffff;
	v6 =	vadd.f32 $0.0e+00, v6;
	v5 =	vmul.f32 v7, v5;
	v7 =	vcvt.s32.f32 v10  }
0x98: {  	v61 =	vld.idx.msk [tilespmem:v15+s15+$0x0], $0xffff;
	v62 =	vadd.s32 $0xFFFFFFFF, v60  }
0x99: {  	v9 =	vadd.f32 $0.0e+00, v9;
	v5 =	vadd.f32 v5, v6;
	v6 =	vmul.f32 v7, v11  }
0x9a: {  	v63 =	vld.idx.msk [tilespmem:v16+s15+$0x0], $0xffff;
	v7 =	vcvt.s32.f32 v62  }
0x9b: {  	s31 =	sadd.s32 $0x10, s24;
	v8 =	vadd.f32 v8, v9;
	v5 =	vadd.f32 v6, v5  }
0x9c: {  	v4 =	vmul.f32 v7, v4;
	v6 =	vld [tilespmem:s31+$0x0]  }
0x9d: {  	v7 =	vadd.f32 v61, v8  }
0x9e: {  	v4 =	vadd.f32 v4, v5  }
0x9f: {  	v7 =	vadd.f32 v63, v7;
	v5 =	vpop (erf)  }
0xa0: {  	v4 =	vmul.f32 v4, v5  }
0xa1: {  	vm0 =	veq.s32 v6, $0x0;
	v5 =	vmul.f32 $2.500000000e-01, v7  }
0xa2: {  	v4 =	vnsel vm0, $0x0, v4  }
0xa3: {  	v4 =	vadd.f32 v4, v5  }
0xa4: {  	s21 =	sadd.s32 $0x10, s21  }
0xa5: {  	[tilespmem:s21+$0x0] =	vst v4;
	s21 =	simm.s32 $0x0  }
0xa6: {  	v6 =	vld [tilespmem:s21+$0x2AE0]  }
0xa7: {  	v7 =	vld [tilespmem:s21+$0x620]  }
0xa8: {  	v4 =	vld [tilespmem:s21+$0x1260]  }
0xa9: {  	s22 =	simm.s32 $0x40;
	v5 =	vld [tilespmem:s21+$0x1EA0]  }
.LBB2_8:
0xaa: {  	p1 =	sne.s32 s22, $0xC00  }
.Ltmp3:
0xab: {  	s23 =	sshra.s32 s22, $0x2;
	s22 =	sadd.s32 $0x40, s22;
	v8 =	vshra.s32 v6, $0x2;
	(pc) =	sbr.rel @p1 .LBB2_8-.Ltmp3, $4  }
0xac: {  	v6 =	vld [tilespmem:s23+$0x2AE0];
	v9 =	vshra.s32 v7, $0x2;
	[tilespmem:s21+$0x3A30] =	vst v8  }
0xad: {  	v7 =	vld [tilespmem:s23+$0x620];
	[tilespmem:s21+$0x3100] =	vst v9;
	v8 =	vshra.s32 v4, $0x2  }
0xae: {  	v4 =	vld [tilespmem:s23+$0x1260];
	[tilespmem:s21+$0x3410] =	vst v8;
	v8 =	vshra.s32 v5, $0x2  }
0xaf: {  	v5 =	vld [tilespmem:s23+$0x1EA0];
	[tilespmem:s21+$0x3720] =	vst v8;
	s21 =	smov.u32 s23  }
0xb0: {  	_ = 	snop  }
0xb1: {  	v6 =	vshra.s32 v6, $0x2  }
0xb2: {  	v7 =	vshra.s32 v7, $0x2;
	[tilespmem:s21+$0x3A30] =	vst v6  }
0xb3: {  	[tilespmem:s21+$0x3100] =	vst v7;
	v4 =	vshra.s32 v4, $0x2  }
0xb4: {  	[tilespmem:s21+$0x3410] =	vst v4;
	v4 =	vshra.s32 v5, $0x2  }
0xb5: {  	s28 =	simm.s32 $0x0;
	[tilespmem:s21+$0x3720] =	vst v4  }
0xb6: {  	[tilespmem:s15], [sflag:$0x1] =	stream.indirect.gather [hbm4b:s3+s9], $0x8, s14, s9, $0xb8;
	[tilespmem:$0x13240] =	vst v63  }
0xb7: {  	v4 =	vmov s28;
	_ =	swait.ge [sflag:s19], $0x6200  }
0xb8: {  	v4 =	vshll.u32 v4, $0x3;
	[sflag:s19] =	ssyncset.done $0x0  }
0xb9: {  	s29 =	simm.s32 $0x1B90;
	v5 =	vor.u32 v0, v4;
	[sflag:s19] =	ssyncadd.s32 $0xFFFF9E00  }
0xba: {  	s22 =	simm.s32 $0x11CD0;
	v6 =	vld [tilespmem:s29+$0xFFFFE780]  }
0xbb: {  	v7 =	vadd.s32 v3, v4;
	v8 =	vld [tilespmem:s22+$0x0]  }
0xbc: {  	v11 =	vadd.s32 v2, v4;
	v10 =	vld [tilespmem:s29+$0xFFFFF3C0]  }
0xbd: {  	v9 =	vor.u32 $0x1, v5;
	v13 =	vld [tilespmem:s29+$0x0]  }
0xbe: {  	v5 =	vld.idx.msk [tilespmem:v5+s17+$0x0], $0xffff  }
0xbf: {  	v12 =	vor.u32 $0x1, v7;
	v14 =	vld [tilespmem:s29+$0xC40];
	v6 =	vand.u32 $0x3, v6  }
0xc0: {  	v4 =	vadd.s32 v1, v4;
	v7 =	vld.idx.msk [tilespmem:v7+s17+$0x0], $0xffff;
	v6 =	vadd.s32 $0xFFFFFFFF, v6  }
0xc1: {  	v15 =	vor.u32 $0x1, v11;
	v11 =	vld.idx.msk [tilespmem:v11+s17+$0x0], $0xffff;
	v10 =	vand.u32 $0x3, v10;
	v6 =	vcvt.s32.f32 v6  }
0xc2: {  	v16 =	vor.u32 $0x1, v4;
	v9 =	vld.idx.msk [tilespmem:v9+s17+$0x0], $0xffff;
	v10 =	vadd.s32 $0xFFFFFFFF, v10  }
0xc3: {  	v46 =	vand.u32 $0x3, v13;
	v5 =	vmul.f32 v6, v5;
	v6 =	vcvt.s32.f32 v10  }
0xc4: {  	(erf) = vrcp.f32 v8;
	v8 =	vld.idx.msk [tilespmem:v12+s17+$0x0], $0xffff;
	v47 =	vand.u32 $0x3, v14;
	v10 =	vadd.s32 $0xFFFFFFFF, v46  }
0xc5: {  	v4 =	vld.idx.msk [tilespmem:v4+s17+$0x0], $0xffff;
	v5 =	vadd.f32 $0.0e+00, v5;
	v6 =	vmul.f32 v6, v7;
	v7 =	vcvt.s32.f32 v10  }
0xc6: {  	v48 =	vld.idx.msk [tilespmem:v15+s17+$0x0], $0xffff;
	v49 =	vadd.s32 $0xFFFFFFFF, v47  }
0xc7: {  	v9 =	vadd.f32 $0.0e+00, v9;
	v5 =	vadd.f32 v6, v5;
	v6 =	vmul.f32 v7, v11  }
0xc8: {  	v50 =	vld.idx.msk [tilespmem:v16+s17+$0x0], $0xffff;
	v7 =	vcvt.s32.f32 v49  }
0xc9: {  	s30 =	simm.s32 $0x11090;
	v8 =	vadd.f32 v8, v9;
	v5 =	vadd.f32 v6, v5  }
0xca: {  	v4 =	vmul.f32 v7, v4;
	v6 =	vld [tilespmem:s30+$0x0]  }
0xcb: {  	v7 =	vadd.f32 v48, v8  }
0xcc: {  	v4 =	vadd.f32 v4, v5  }
0xcd: {  	v7 =	vadd.f32 v50, v7;
	v5 =	vpop (erf)  }
0xce: {  	v4 =	vmul.f32 v4, v5  }
0xcf: {  	vm0 =	veq.s32 v6, $0x0;
	v5 =	vmul.f32 $2.500000000e-01, v7  }
0xd0: {  	s31 =	simm.s32 $0x10;
	v4 =	vnsel vm0, $0x0, v4  }
0xd1: {  	v6 =	vmov s31;
	v4 =	vadd.f32 v4, v5  }
0xd2: {  	s21 =	simm.s32 $0x12910;
	v6 =	vshll.u32 v6, $0x3  }
0xd3: {  	s23 =	simm.s32 $0x1BA0;
	v5 =	vor.u32 v0, v6;
	[tilespmem:s21+$0x0] =	vst v4  }
0xd4: {  	s22 =	simm.s32 $0x11CE0;
	v4 =	vld [tilespmem:s23+$0xFFFFE780]  }
0xd5: {  	v7 =	vadd.s32 v3, v6;
	v8 =	vld [tilespmem:s22+$0x0]  }
0xd6: {  	v51 =	vor.u32 $0x1, v5;
	v52 =	vld [tilespmem:s23+$0xFFFFF3C0]  }
0xd7: {  	v53 =	vadd.s32 v2, v6;
	v55 =	vld [tilespmem:s23+$0x0]  }
0xd8: {  	v6 =	vadd.s32 v1, v6;
	v5 =	vld.idx.msk [tilespmem:v5+s17+$0x0], $0xffff  }
0xd9: {  	v54 =	vor.u32 $0x1, v7;
	v56 =	vld [tilespmem:s23+$0xC40];
	v4 =	vand.u32 $0x3, v4  }
0xda: {  	v7 =	vld.idx.msk [tilespmem:v7+s17+$0x0], $0xffff;
	v4 =	vadd.s32 $0xFFFFFFFF, v4  }
0xdb: {  	v57 =	vor.u32 $0x1, v53;
	v9 =	vld.idx.msk [tilespmem:v51+s17+$0x0], $0xffff;
	v10 =	vand.u32 $0x3, v52;
	v4 =	vcvt.s32.f32 v4  }
0xdc: {  	v58 =	vor.u32 $0x1, v6;
	v11 =	vld.idx.msk [tilespmem:v53+s17+$0x0], $0xffff;
	v10 =	vadd.s32 $0xFFFFFFFF, v10  }
0xdd: {  	v6 =	vld.idx.msk [tilespmem:v6+s17+$0x0], $0xffff;
	v59 =	vand.u32 $0x3, v55;
	v4 =	vmul.f32 v4, v5;
	v5 =	vcvt.s32.f32 v10  }
0xde: {  	(erf) = vrcp.f32 v8;
	v8 =	vld.idx.msk [tilespmem:v54+s17+$0x0], $0xffff;
	v60 =	vand.u32 $0x3, v56;
	v10 =	vadd.s32 $0xFFFFFFFF, v59  }
0xdf: {  	v4 =	vadd.f32 $0.0e+00, v4;
	v5 =	vmul.f32 v5, v7;
	v7 =	vcvt.s32.f32 v10  }
0xe0: {  	v61 =	vld.idx.msk [tilespmem:v57+s17+$0x0], $0xffff;
	v62 =	vadd.s32 $0xFFFFFFFF, v60;
	v9 =	vadd.f32 $0.0e+00, v9  }
0xe1: {  	v4 =	vadd.f32 v5, v4;
	v5 =	vmul.f32 v7, v11;
	v7 =	vcvt.s32.f32 v62  }
0xe2: {  	v63 =	vld.idx.msk [tilespmem:v58+s17+$0x0], $0xffff  }
0xe3: {  	s24 =	simm.s32 $0x110A0;
	v8 =	vadd.f32 v8, v9;
	v4 =	vadd.f32 v5, v4;
	v5 =	vmul.f32 v7, v6  }
0xe4: {  	v6 =	vld [tilespmem:s24+$0x0]  }
0xe5: {  	v7 =	vadd.f32 v61, v8  }
0xe6: {  	v4 =	vadd.f32 v5, v4  }
0xe7: {  	v7 =	vadd.f32 v63, v7;
	v5 =	vpop (erf)  }
0xe8: {  	s25 =	simm.s32 $0x20;
	v5 =	vmul.f32 v4, v5  }
0xe9: {  	v4 =	vmov s25;
	vm15 =	veq.s32 v6, $0x0;
	v6 =	vmul.f32 $2.500000000e-01, v7  }
0xea: {  	v4 =	vshll.u32 v4, $0x3;
	v7 =	vnsel vm15, $0x0, v5  }
0xeb: {  	s25 =	simm.s32 $0x30;
	v5 =	vadd.s32 v3, v4;
	v6 =	vadd.f32 v7, v6  }
.LBB2_10:
0xec: {  	p1 =	sne.s32 s25, $0x300;
	s21 =	sadd.s32 $0x10, s21  }
0xed: {  	v7 =	vor.u32 v0, v4;
	s22 =	sadd.s32 $0x10, s22;
	[tilespmem:s21+$0x0] =	vst v6  }
0xee: {  	s23 =	sadd.s32 $0x10, s23;
	v6 =	vld [tilespmem:s22+$0x0]  }
0xef: {  	v8 =	vld [tilespmem:s23+$0xFFFFE780]  }
0xf0: {  	v9 =	vor.u32 $0x1, v7;
	v10 =	vld.idx.msk [tilespmem:v5+s17+$0x0], $0xffff  }
0xf1: {  	v12 =	vadd.s32 v2, v4;
	v11 =	vld [tilespmem:s23+$0xFFFFF3C0]  }
0xf2: {  	v5 =	vor.u32 $0x1, v5;
	v7 =	vld.idx.msk [tilespmem:v7+s17+$0x0], $0xffff  }
0xf3: {  	v4 =	vadd.s32 v1, v4;
	v13 =	vld [tilespmem:s23+$0x0]  }
0xf4: {  	v14 =	vor.u32 $0x1, v12;
	v8 =	vand.u32 $0x3, v8;
	v15 =	vld [tilespmem:s23+$0xC40]  }
0xf5: {  	v9 =	vld.idx.msk [tilespmem:v9+s17+$0x0], $0xffff;
	v8 =	vadd.s32 $0xFFFFFFFF, v8  }
0xf6: {  	v16 =	vor.u32 $0x1, v4;
	v8 =	vcvt.s32.f32 v8;
	v11 =	vand.u32 $0x3, v11;
	v12 =	vld.idx.msk [tilespmem:v12+s17+$0x0], $0xffff  }
0xf7: {  	v5 =	vld.idx.msk [tilespmem:v5+s17+$0x0], $0xffff;
	v11 =	vadd.s32 $0xFFFFFFFF, v11;
	(erf) = vrcp.f32 v6  }
0xf8: {  	v6 =	vmul.f32 v8, v7;
	v7 =	vcvt.s32.f32 v11;
	v8 =	vand.u32 $0x3, v13;
	v4 =	vld.idx.msk [tilespmem:v4+s17+$0x0], $0xffff  }
0xf9: {  	v11 =	vld.idx.msk [tilespmem:v14+s17+$0x0], $0xffff;
	v8 =	vadd.s32 $0xFFFFFFFF, v8;
	v13 =	vand.u32 $0x3, v15  }
0xfa: {  	v6 =	vadd.f32 $0.0e+00, v6;
	v7 =	vmul.f32 v7, v10;
	v8 =	vcvt.s32.f32 v8  }
0xfb: {  	v9 =	vadd.f32 $0.0e+00, v9;
	v13 =	vadd.s32 $0xFFFFFFFF, v13;
	v10 =	vld.idx.msk [tilespmem:v16+s17+$0x0], $0xffff  }
0xfc: {  	v6 =	vadd.f32 v7, v6;
	v7 =	vmul.f32 v8, v12;
	v8 =	vcvt.s32.f32 v13  }
0xfd: {  	s24 =	sadd.s32 $0x10, s24;
	v5 =	vadd.f32 v5, v9  }
0xfe: {  	v9 =	vadd.f32 v7, v6;
	v4 =	vmul.f32 v8, v4;
	v7 =	vld [tilespmem:s24+$0x0]  }
0xff: {  	v5 =	vadd.f32 v11, v5  }
0x100: {  	v4 =	vadd.f32 v4, v9;
	v6 =	vpop (erf)  }
.Ltmp4:
0x101: {  	v5 =	vadd.f32 v10, v5;
	(pc) =	sbr.rel @p1 .LBB2_10-.Ltmp4, $4  }
0x102: {  	v6 =	vmul.f32 v4, v6  }
0x103: {  	v4 =	vmov s25;
	vm0 =	veq.s32 v7, $0x0;
	v7 =	vmul.f32 $2.500000000e-01, v5  }
0x104: {  	v4 =	vshll.u32 v4, $0x3;
	v6 =	vnsel vm0, $0x0, v6  }
0x105: {  	s25 =	sadd.s32 $0x10, s25;
	v5 =	vadd.s32 v3, v4;
	v6 =	vadd.f32 v6, v7  }
0x106: {  	s21 =	sadd.s32 $0x10, s21  }
0x107: {  	v7 =	vor.u32 v0, v4;
	s23 =	sadd.s32 $0x10, s23;
	[tilespmem:s21+$0x0] =	vst v6  }
0x108: {  	s22 =	sadd.s32 $0x10, s22;
	v6 =	vld [tilespmem:s23+$0xFFFFE780]  }
0x109: {  	v8 =	vld [tilespmem:s22+$0x0]  }
0x10a: {  	v11 =	vadd.s32 v2, v4;
	v10 =	vld [tilespmem:s23+$0xFFFFF3C0]  }
0x10b: {  	v9 =	vor.u32 $0x1, v7;
	v13 =	vld [tilespmem:s23+$0x0]  }
0x10c: {  	v7 =	vld.idx.msk [tilespmem:v7+s17+$0x0], $0xffff  }
0x10d: {  	v12 =	vor.u32 $0x1, v5;
	v14 =	vld [tilespmem:s23+$0xC40];
	v6 =	vand.u32 $0x3, v6  }
0x10e: {  	v4 =	vadd.s32 v1, v4;
	v5 =	vld.idx.msk [tilespmem:v5+s17+$0x0], $0xffff;
	v6 =	vadd.s32 $0xFFFFFFFF, v6  }
0x10f: {  	v15 =	vor.u32 $0x1, v11;
	v11 =	vld.idx.msk [tilespmem:v11+s17+$0x0], $0xffff;
	v10 =	vand.u32 $0x3, v10;
	v6 =	vcvt.s32.f32 v6  }
0x110: {  	v16 =	vor.u32 $0x1, v4;
	v9 =	vld.idx.msk [tilespmem:v9+s17+$0x0], $0xffff;
	v10 =	vadd.s32 $0xFFFFFFFF, v10  }
0x111: {  	v59 =	vand.u32 $0x3, v13;
	v6 =	vmul.f32 v6, v7;
	v7 =	vcvt.s32.f32 v10  }
0x112: {  	(erf) = vrcp.f32 v8;
	v8 =	vld.idx.msk [tilespmem:v12+s17+$0x0], $0xffff;
	v60 =	vand.u32 $0x3, v14;
	v10 =	vadd.s32 $0xFFFFFFFF, v59  }
0x113: {  	v4 =	vld.idx.msk [tilespmem:v4+s17+$0x0], $0xffff;
	v6 =	vadd.f32 $0.0e+00, v6;
	v5 =	vmul.f32 v7, v5;
	v7 =	vcvt.s32.f32 v10  }
0x114: {  	v61 =	vld.idx.msk [tilespmem:v15+s17+$0x0], $0xffff;
	v62 =	vadd.s32 $0xFFFFFFFF, v60  }
0x115: {  	v9 =	vadd.f32 $0.0e+00, v9;
	v5 =	vadd.f32 v5, v6;
	v6 =	vmul.f32 v7, v11  }
0x116: {  	v63 =	vld.idx.msk [tilespmem:v16+s17+$0x0], $0xffff;
	v7 =	vcvt.s32.f32 v62  }
0x117: {  	s31 =	sadd.s32 $0x10, s24;
	v8 =	vadd.f32 v8, v9;
	v5 =	vadd.f32 v6, v5  }
0x118: {  	v4 =	vmul.f32 v7, v4;
	v6 =	vld [tilespmem:s31+$0x0]  }
0x119: {  	v7 =	vadd.f32 v61, v8  }
0x11a: {  	v4 =	vadd.f32 v4, v5  }
0x11b: {  	v7 =	vadd.f32 v63, v7;
	v5 =	vpop (erf)  }
0x11c: {  	v4 =	vmul.f32 v4, v5  }
0x11d: {  	vm0 =	veq.s32 v6, $0x0;
	v5 =	vmul.f32 $2.500000000e-01, v7  }
0x11e: {  	v4 =	vnsel vm0, $0x0, v4  }
0x11f: {  	v4 =	vadd.f32 v4, v5  }
0x120: {  	s21 =	sadd.s32 $0x10, s21  }
0x121: {  	[tilespmem:s21+$0x0] =	vst v4;
	s21 =	simm.s32 $0x0  }
0x122: {  	v6 =	vld [tilespmem:s21+$0x2DF0]  }
0x123: {  	v7 =	vld [tilespmem:s21+$0x930]  }
0x124: {  	v4 =	vld [tilespmem:s21+$0x1570]  }
0x125: {  	s22 =	simm.s32 $0x40;
	v5 =	vld [tilespmem:s21+$0x21B0]  }
.LBB2_12:
0x126: {  	p1 =	sne.s32 s22, $0xC00  }
.Ltmp5:
0x127: {  	s23 =	sshra.s32 s22, $0x2;
	s22 =	sadd.s32 $0x40, s22;
	v8 =	vshra.s32 v6, $0x2;
	(pc) =	sbr.rel @p1 .LBB2_12-.Ltmp5, $4  }
0x128: {  	v6 =	vld [tilespmem:s23+$0x2DF0];
	v9 =	vshra.s32 v7, $0x2;
	[tilespmem:s21+$0x4670] =	vst v8  }
0x129: {  	v7 =	vld [tilespmem:s23+$0x930];
	[tilespmem:s21+$0x3D40] =	vst v9;
	v8 =	vshra.s32 v4, $0x2  }
0x12a: {  	v4 =	vld [tilespmem:s23+$0x1570];
	[tilespmem:s21+$0x4050] =	vst v8;
	v8 =	vshra.s32 v5, $0x2  }
0x12b: {  	v5 =	vld [tilespmem:s23+$0x21B0];
	[tilespmem:s21+$0x4360] =	vst v8;
	s21 =	smov.u32 s23  }
0x12c: {  	_ = 	snop  }
0x12d: {  	v6 =	vshra.s32 v6, $0x2  }
0x12e: {  	v7 =	vshra.s32 v7, $0x2;
	[tilespmem:s21+$0x4670] =	vst v6  }
0x12f: {  	[tilespmem:s21+$0x3D40] =	vst v7;
	v4 =	vshra.s32 v4, $0x2  }
0x130: {  	[tilespmem:s21+$0x4050] =	vst v4;
	v4 =	vshra.s32 v5, $0x2  }
0x131: {  	s28 =	simm.s32 $0x0;
	[tilespmem:s21+$0x4360] =	vst v4  }
0x132: {  	[tilespmem:s17], [sflag:$0x2] =	stream.indirect.gather [hbm4b:s3+s9], $0x8, s16, s9, $0xb8;
	[tilespmem:$0x13240] =	vst v63  }
0x133: {  	v4 =	vmov s28;
	_ =	swait.ge [sflag:s18], $0x6200  }
0x134: {  	v4 =	vshll.u32 v4, $0x3;
	[sflag:s18] =	ssyncset.done $0x0  }
0x135: {  	s29 =	simm.s32 $0x1EA0;
	v5 =	vor.u32 v0, v4;
	[sflag:s18] =	ssyncadd.s32 $0xFFFF9E00  }
0x136: {  	s22 =	simm.s32 $0x11FE0;
	v6 =	vld [tilespmem:s29+$0xFFFFE780]  }
0x137: {  	v7 =	vadd.s32 v3, v4;
	v8 =	vld [tilespmem:s22+$0x0]  }
0x138: {  	v11 =	vadd.s32 v2, v4;
	v10 =	vld [tilespmem:s29+$0xFFFFF3C0]  }
0x139: {  	v9 =	vor.u32 $0x1, v5;
	v13 =	vld [tilespmem:s29+$0x0]  }
0x13a: {  	v5 =	vld.idx.msk [tilespmem:v5+s15+$0x0], $0xffff  }
0x13b: {  	v12 =	vor.u32 $0x1, v7;
	v14 =	vld [tilespmem:s29+$0xC40];
	v6 =	vand.u32 $0x3, v6  }
0x13c: {  	v4 =	vadd.s32 v1, v4;
	v7 =	vld.idx.msk [tilespmem:v7+s15+$0x0], $0xffff;
	v6 =	vadd.s32 $0xFFFFFFFF, v6  }
0x13d: {  	v15 =	vor.u32 $0x1, v11;
	v11 =	vld.idx.msk [tilespmem:v11+s15+$0x0], $0xffff;
	v10 =	vand.u32 $0x3, v10;
	v6 =	vcvt.s32.f32 v6  }
0x13e: {  	v16 =	vor.u32 $0x1, v4;
	v9 =	vld.idx.msk [tilespmem:v9+s15+$0x0], $0xffff;
	v10 =	vadd.s32 $0xFFFFFFFF, v10  }
0x13f: {  	v46 =	vand.u32 $0x3, v13;
	v5 =	vmul.f32 v6, v5;
	v6 =	vcvt.s32.f32 v10  }
0x140: {  	(erf) = vrcp.f32 v8;
	v8 =	vld.idx.msk [tilespmem:v12+s15+$0x0], $0xffff;
	v47 =	vand.u32 $0x3, v14;
	v10 =	vadd.s32 $0xFFFFFFFF, v46  }
0x141: {  	v4 =	vld.idx.msk [tilespmem:v4+s15+$0x0], $0xffff;
	v5 =	vadd.f32 $0.0e+00, v5;
	v6 =	vmul.f32 v6, v7;
	v7 =	vcvt.s32.f32 v10  }
0x142: {  	v48 =	vld.idx.msk [tilespmem:v15+s15+$0x0], $0xffff;
	v49 =	vadd.s32 $0xFFFFFFFF, v47  }
0x143: {  	v9 =	vadd.f32 $0.0e+00, v9;
	v5 =	vadd.f32 v6, v5;
	v6 =	vmul.f32 v7, v11  }
0x144: {  	v50 =	vld.idx.msk [tilespmem:v16+s15+$0x0], $0xffff;
	v7 =	vcvt.s32.f32 v49  }
0x145: {  	s30 =	simm.s32 $0x113A0;
	v8 =	vadd.f32 v8, v9;
	v5 =	vadd.f32 v6, v5  }
0x146: {  	v4 =	vmul.f32 v7, v4;
	v6 =	vld [tilespmem:s30+$0x0]  }
0x147: {  	v7 =	vadd.f32 v48, v8  }
0x148: {  	v4 =	vadd.f32 v4, v5  }
0x149: {  	v7 =	vadd.f32 v50, v7;
	v5 =	vpop (erf)  }
0x14a: {  	v4 =	vmul.f32 v4, v5  }
0x14b: {  	vm0 =	veq.s32 v6, $0x0;
	v5 =	vmul.f32 $2.500000000e-01, v7  }
0x14c: {  	s31 =	simm.s32 $0x10;
	v4 =	vnsel vm0, $0x0, v4  }
0x14d: {  	v6 =	vmov s31;
	v4 =	vadd.f32 v4, v5  }
0x14e: {  	s21 =	simm.s32 $0x12C20;
	v6 =	vshll.u32 v6, $0x3  }
0x14f: {  	s23 =	simm.s32 $0x1EB0;
	v5 =	vor.u32 v0, v6;
	[tilespmem:s21+$0x0] =	vst v4  }
0x150: {  	s22 =	simm.s32 $0x11FF0;
	v4 =	vld [tilespmem:s23+$0xFFFFE780]  }
0x151: {  	v7 =	vadd.s32 v3, v6;
	v8 =	vld [tilespmem:s22+$0x0]  }
0x152: {  	v51 =	vor.u32 $0x1, v5;
	v52 =	vld [tilespmem:s23+$0xFFFFF3C0]  }
0x153: {  	v53 =	vadd.s32 v2, v6;
	v55 =	vld [tilespmem:s23+$0x0]  }
0x154: {  	v6 =	vadd.s32 v1, v6;
	v5 =	vld.idx.msk [tilespmem:v5+s15+$0x0], $0xffff  }
0x155: {  	v54 =	vor.u32 $0x1, v7;
	v56 =	vld [tilespmem:s23+$0xC40];
	v4 =	vand.u32 $0x3, v4  }
0x156: {  	v7 =	vld.idx.msk [tilespmem:v7+s15+$0x0], $0xffff;
	v4 =	vadd.s32 $0xFFFFFFFF, v4  }
0x157: {  	v57 =	vor.u32 $0x1, v53;
	v9 =	vld.idx.msk [tilespmem:v51+s15+$0x0], $0xffff;
	v10 =	vand.u32 $0x3, v52;
	v4 =	vcvt.s32.f32 v4  }
0x158: {  	v58 =	vor.u32 $0x1, v6;
	v11 =	vld.idx.msk [tilespmem:v53+s15+$0x0], $0xffff;
	v10 =	vadd.s32 $0xFFFFFFFF, v10  }
0x159: {  	v6 =	vld.idx.msk [tilespmem:v6+s15+$0x0], $0xffff;
	v59 =	vand.u32 $0x3, v55;
	v4 =	vmul.f32 v4, v5;
	v5 =	vcvt.s32.f32 v10  }
0x15a: {  	(erf) = vrcp.f32 v8;
	v8 =	vld.idx.msk [tilespmem:v54+s15+$0x0], $0xffff;
	v60 =	vand.u32 $0x3, v56;
	v10 =	vadd.s32 $0xFFFFFFFF, v59  }
0x15b: {  	v4 =	vadd.f32 $0.0e+00, v4;
	v5 =	vmul.f32 v5, v7;
	v7 =	vcvt.s32.f32 v10  }
0x15c: {  	v61 =	vld.idx.msk [tilespmem:v57+s15+$0x0], $0xffff;
	v62 =	vadd.s32 $0xFFFFFFFF, v60;
	v9 =	vadd.f32 $0.0e+00, v9  }
0x15d: {  	v4 =	vadd.f32 v5, v4;
	v5 =	vmul.f32 v7, v11;
	v7 =	vcvt.s32.f32 v62  }
0x15e: {  	v63 =	vld.idx.msk [tilespmem:v58+s15+$0x0], $0xffff  }
0x15f: {  	s24 =	simm.s32 $0x113B0;
	v8 =	vadd.f32 v8, v9;
	v4 =	vadd.f32 v5, v4;
	v5 =	vmul.f32 v7, v6  }
0x160: {  	v6 =	vld [tilespmem:s24+$0x0]  }
0x161: {  	v7 =	vadd.f32 v61, v8  }
0x162: {  	v4 =	vadd.f32 v5, v4  }
0x163: {  	v7 =	vadd.f32 v63, v7;
	v5 =	vpop (erf)  }
0x164: {  	s25 =	simm.s32 $0x20;
	v5 =	vmul.f32 v4, v5  }
0x165: {  	v4 =	vmov s25;
	vm15 =	veq.s32 v6, $0x0;
	v6 =	vmul.f32 $2.500000000e-01, v7  }
0x166: {  	v4 =	vshll.u32 v4, $0x3;
	v7 =	vnsel vm15, $0x0, v5  }
0x167: {  	s25 =	simm.s32 $0x30;
	v5 =	vadd.s32 v3, v4;
	v6 =	vadd.f32 v7, v6  }
.LBB2_14:
0x168: {  	p1 =	sne.s32 s25, $0x300;
	s21 =	sadd.s32 $0x10, s21  }
0x169: {  	v7 =	vor.u32 v0, v4;
	s22 =	sadd.s32 $0x10, s22;
	[tilespmem:s21+$0x0] =	vst v6  }
0x16a: {  	s23 =	sadd.s32 $0x10, s23;
	v6 =	vld [tilespmem:s22+$0x0]  }
0x16b: {  	v8 =	vld [tilespmem:s23+$0xFFFFE780]  }
0x16c: {  	v9 =	vor.u32 $0x1, v7;
	v10 =	vld.idx.msk [tilespmem:v5+s15+$0x0], $0xffff  }
0x16d: {  	v12 =	vadd.s32 v2, v4;
	v11 =	vld [tilespmem:s23+$0xFFFFF3C0]  }
0x16e: {  	v5 =	vor.u32 $0x1, v5;
	v7 =	vld.idx.msk [tilespmem:v7+s15+$0x0], $0xffff  }
0x16f: {  	v4 =	vadd.s32 v1, v4;
	v13 =	vld [tilespmem:s23+$0x0]  }
0x170: {  	v14 =	vor.u32 $0x1, v12;
	v8 =	vand.u32 $0x3, v8;
	v15 =	vld [tilespmem:s23+$0xC40]  }
0x171: {  	v9 =	vld.idx.msk [tilespmem:v9+s15+$0x0], $0xffff;
	v8 =	vadd.s32 $0xFFFFFFFF, v8  }
0x172: {  	v16 =	vor.u32 $0x1, v4;
	v8 =	vcvt.s32.f32 v8;
	v11 =	vand.u32 $0x3, v11;
	v12 =	vld.idx.msk [tilespmem:v12+s15+$0x0], $0xffff  }
0x173: {  	v5 =	vld.idx.msk [tilespmem:v5+s15+$0x0], $0xffff;
	v11 =	vadd.s32 $0xFFFFFFFF, v11;
	(erf) = vrcp.f32 v6  }
0x174: {  	v6 =	vmul.f32 v8, v7;
	v7 =	vcvt.s32.f32 v11;
	v8 =	vand.u32 $0x3, v13;
	v4 =	vld.idx.msk [tilespmem:v4+s15+$0x0], $0xffff  }
0x175: {  	v11 =	vld.idx.msk [tilespmem:v14+s15+$0x0], $0xffff;
	v8 =	vadd.s32 $0xFFFFFFFF, v8;
	v13 =	vand.u32 $0x3, v15  }
0x176: {  	v6 =	vadd.f32 $0.0e+00, v6;
	v7 =	vmul.f32 v7, v10;
	v8 =	vcvt.s32.f32 v8  }
0x177: {  	v9 =	vadd.f32 $0.0e+00, v9;
	v13 =	vadd.s32 $0xFFFFFFFF, v13;
	v10 =	vld.idx.msk [tilespmem:v16+s15+$0x0], $0xffff  }
0x178: {  	v6 =	vadd.f32 v7, v6;
	v7 =	vmul.f32 v8, v12;
	v8 =	vcvt.s32.f32 v13  }
0x179: {  	s24 =	sadd.s32 $0x10, s24;
	v5 =	vadd.f32 v5, v9  }
0x17a: {  	v9 =	vadd.f32 v7, v6;
	v4 =	vmul.f32 v8, v4;
	v7 =	vld [tilespmem:s24+$0x0]  }
0x17b: {  	v5 =	vadd.f32 v11, v5  }
0x17c: {  	v4 =	vadd.f32 v4, v9;
	v6 =	vpop (erf)  }
.Ltmp6:
0x17d: {  	v5 =	vadd.f32 v10, v5;
	(pc) =	sbr.rel @p1 .LBB2_14-.Ltmp6, $4  }
0x17e: {  	v6 =	vmul.f32 v4, v6  }
0x17f: {  	v4 =	vmov s25;
	vm0 =	veq.s32 v7, $0x0;
	v7 =	vmul.f32 $2.500000000e-01, v5  }
0x180: {  	v4 =	vshll.u32 v4, $0x3;
	v6 =	vnsel vm0, $0x0, v6  }
0x181: {  	s25 =	sadd.s32 $0x10, s25;
	v5 =	vadd.s32 v3, v4;
	v6 =	vadd.f32 v6, v7  }
0x182: {  	s21 =	sadd.s32 $0x10, s21  }
0x183: {  	v7 =	vor.u32 v0, v4;
	s23 =	sadd.s32 $0x10, s23;
	[tilespmem:s21+$0x0] =	vst v6  }
0x184: {  	s22 =	sadd.s32 $0x10, s22;
	v6 =	vld [tilespmem:s23+$0xFFFFE780]  }
0x185: {  	v8 =	vld [tilespmem:s22+$0x0]  }
0x186: {  	v11 =	vadd.s32 v2, v4;
	v10 =	vld [tilespmem:s23+$0xFFFFF3C0]  }
0x187: {  	v9 =	vor.u32 $0x1, v7;
	v13 =	vld [tilespmem:s23+$0x0]  }
0x188: {  	v7 =	vld.idx.msk [tilespmem:v7+s15+$0x0], $0xffff  }
0x189: {  	v12 =	vor.u32 $0x1, v5;
	v14 =	vld [tilespmem:s23+$0xC40];
	v6 =	vand.u32 $0x3, v6  }
0x18a: {  	v4 =	vadd.s32 v1, v4;
	v5 =	vld.idx.msk [tilespmem:v5+s15+$0x0], $0xffff;
	v6 =	vadd.s32 $0xFFFFFFFF, v6  }
0x18b: {  	v15 =	vor.u32 $0x1, v11;
	v11 =	vld.idx.msk [tilespmem:v11+s15+$0x0], $0xffff;
	v10 =	vand.u32 $0x3, v10;
	v6 =	vcvt.s32.f32 v6  }
0x18c: {  	v16 =	vor.u32 $0x1, v4;
	v9 =	vld.idx.msk [tilespmem:v9+s15+$0x0], $0xffff;
	v10 =	vadd.s32 $0xFFFFFFFF, v10  }
0x18d: {  	v33 =	vand.u32 $0x3, v13;
	v6 =	vmul.f32 v6, v7;
	v7 =	vcvt.s32.f32 v10  }
0x18e: {  	(erf) = vrcp.f32 v8;
	v8 =	vld.idx.msk [tilespmem:v12+s15+$0x0], $0xffff;
	v34 =	vand.u32 $0x3, v14;
	v10 =	vadd.s32 $0xFFFFFFFF, v33  }
0x18f: {  	v4 =	vld.idx.msk [tilespmem:v4+s15+$0x0], $0xffff;
	v6 =	vadd.f32 $0.0e+00, v6;
	v5 =	vmul.f32 v7, v5;
	v7 =	vcvt.s32.f32 v10  }
0x190: {  	v35 =	vld.idx.msk [tilespmem:v15+s15+$0x0], $0xffff;
	v36 =	vadd.s32 $0xFFFFFFFF, v34  }
0x191: {  	v9 =	vadd.f32 $0.0e+00, v9;
	v5 =	vadd.f32 v5, v6;
	v6 =	vmul.f32 v7, v11  }
0x192: {  	v37 =	vld.idx.msk [tilespmem:v16+s15+$0x0], $0xffff;
	v7 =	vcvt.s32.f32 v36  }
0x193: {  	s25 =	sadd.s32 $0x10, s24;
	v8 =	vadd.f32 v8, v9;
	v5 =	vadd.f32 v6, v5  }
0x194: {  	v4 =	vmul.f32 v7, v4;
	v6 =	vld [tilespmem:s25+$0x0]  }
0x195: {  	v7 =	vadd.f32 v35, v8  }
0x196: {  	v4 =	vadd.f32 v4, v5  }
0x197: {  	v7 =	vadd.f32 v37, v7;
	v5 =	vpop (erf)  }
0x198: {  	v4 =	vmul.f32 v4, v5  }
0x199: {  	vm0 =	veq.s32 v6, $0x0;
	v5 =	vmul.f32 $2.500000000e-01, v7  }
0x19a: {  	v4 =	vnsel vm0, $0x0, v4  }
0x19b: {  	v4 =	vadd.f32 v4, v5  }
0x19c: {  	s21 =	sadd.s32 $0x10, s21  }
0x19d: {  	s26 =	simm.s32 $0x0;
	[tilespmem:s21+$0x0] =	vst v4  }
0x19e: {  	v4 =	vmov s26;
	_ =	swait.ge [sflag:s19], $0x6200  }
0x19f: {  	v4 =	vshll.u32 v4, $0x3;
	[sflag:s19] =	ssyncset.done $0x0  }
0x1a0: {  	s28 =	simm.s32 $0x21B0;
	v5 =	vor.u32 v0, v4;
	[sflag:s19] =	ssyncadd.s32 $0xFFFF9E00  }
0x1a1: {  	s29 =	simm.s32 $0x122F0;
	v6 =	vld [tilespmem:s28+$0xFFFFE780]  }
0x1a2: {  	v7 =	vadd.s32 v3, v4;
	v8 =	vld [tilespmem:s29+$0x0]  }
0x1a3: {  	v40 =	vadd.s32 v2, v4;
	v39 =	vld [tilespmem:s28+$0xFFFFF3C0]  }
0x1a4: {  	v38 =	vor.u32 $0x1, v5;
	v42 =	vld [tilespmem:s28+$0x0]  }
0x1a5: {  	v5 =	vld.idx.msk [tilespmem:v5+s17+$0x0], $0xffff  }
0x1a6: {  	v41 =	vor.u32 $0x1, v7;
	v43 =	vld [tilespmem:s28+$0xC40];
	v6 =	vand.u32 $0x3, v6  }
0x1a7: {  	v4 =	vadd.s32 v1, v4;
	v7 =	vld.idx.msk [tilespmem:v7+s17+$0x0], $0xffff;
	v6 =	vadd.s32 $0xFFFFFFFF, v6  }
0x1a8: {  	v44 =	vor.u32 $0x1, v40;
	v11 =	vld.idx.msk [tilespmem:v40+s17+$0x0], $0xffff;
	v10 =	vand.u32 $0x3, v39;
	v6 =	vcvt.s32.f32 v6  }
0x1a9: {  	v45 =	vor.u32 $0x1, v4;
	v9 =	vld.idx.msk [tilespmem:v38+s17+$0x0], $0xffff;
	v10 =	vadd.s32 $0xFFFFFFFF, v10  }
0x1aa: {  	v46 =	vand.u32 $0x3, v42;
	v5 =	vmul.f32 v6, v5;
	v6 =	vcvt.s32.f32 v10  }
0x1ab: {  	(erf) = vrcp.f32 v8;
	v8 =	vld.idx.msk [tilespmem:v41+s17+$0x0], $0xffff;
	v47 =	vand.u32 $0x3, v43;
	v10 =	vadd.s32 $0xFFFFFFFF, v46  }
0x1ac: {  	v4 =	vld.idx.msk [tilespmem:v4+s17+$0x0], $0xffff;
	v5 =	vadd.f32 $0.0e+00, v5;
	v6 =	vmul.f32 v6, v7;
	v7 =	vcvt.s32.f32 v10  }
0x1ad: {  	v48 =	vld.idx.msk [tilespmem:v44+s17+$0x0], $0xffff;
	v49 =	vadd.s32 $0xFFFFFFFF, v47  }
0x1ae: {  	v9 =	vadd.f32 $0.0e+00, v9;
	v5 =	vadd.f32 v6, v5;
	v6 =	vmul.f32 v7, v11  }
0x1af: {  	v50 =	vld.idx.msk [tilespmem:v45+s17+$0x0], $0xffff;
	v7 =	vcvt.s32.f32 v49  }
0x1b0: {  	s30 =	simm.s32 $0x116B0;
	v8 =	vadd.f32 v8, v9;
	v5 =	vadd.f32 v6, v5  }
0x1b1: {  	v4 =	vmul.f32 v7, v4;
	v6 =	vld [tilespmem:s30+$0x0]  }
0x1b2: {  	v7 =	vadd.f32 v48, v8  }
0x1b3: {  	v4 =	vadd.f32 v4, v5  }
0x1b4: {  	v7 =	vadd.f32 v50, v7;
	v5 =	vpop (erf)  }
0x1b5: {  	v4 =	vmul.f32 v4, v5  }
0x1b6: {  	vm14 =	veq.s32 v6, $0x0;
	v5 =	vmul.f32 $2.500000000e-01, v7  }
0x1b7: {  	s31 =	simm.s32 $0x10;
	v4 =	vnsel vm14, $0x0, v4  }
0x1b8: {  	v6 =	vmov s31;
	v4 =	vadd.f32 v4, v5  }
0x1b9: {  	s21 =	simm.s32 $0x12F30;
	v6 =	vshll.u32 v6, $0x3  }
0x1ba: {  	s23 =	simm.s32 $0x21C0;
	v5 =	vor.u32 v0, v6;
	[tilespmem:s21+$0x0] =	vst v4  }
0x1bb: {  	s22 =	simm.s32 $0x12300;
	v4 =	vld [tilespmem:s23+$0xFFFFE780]  }
0x1bc: {  	v7 =	vadd.s32 v3, v6;
	v8 =	vld [tilespmem:s22+$0x0]  }
0x1bd: {  	v51 =	vor.u32 $0x1, v5;
	v52 =	vld [tilespmem:s23+$0xFFFFF3C0]  }
0x1be: {  	v53 =	vadd.s32 v2, v6;
	v55 =	vld [tilespmem:s23+$0x0]  }
0x1bf: {  	v6 =	vadd.s32 v1, v6;
	v5 =	vld.idx.msk [tilespmem:v5+s17+$0x0], $0xffff  }
0x1c0: {  	v54 =	vor.u32 $0x1, v7;
	v56 =	vld [tilespmem:s23+$0xC40];
	v4 =	vand.u32 $0x3, v4  }
0x1c1: {  	v7 =	vld.idx.msk [tilespmem:v7+s17+$0x0], $0xffff;
	v4 =	vadd.s32 $0xFFFFFFFF, v4  }
0x1c2: {  	v57 =	vor.u32 $0x1, v53;
	v9 =	vld.idx.msk [tilespmem:v51+s17+$0x0], $0xffff;
	v10 =	vand.u32 $0x3, v52;
	v4 =	vcvt.s32.f32 v4  }
0x1c3: {  	v58 =	vor.u32 $0x1, v6;
	v11 =	vld.idx.msk [tilespmem:v53+s17+$0x0], $0xffff;
	v10 =	vadd.s32 $0xFFFFFFFF, v10  }
0x1c4: {  	v6 =	vld.idx.msk [tilespmem:v6+s17+$0x0], $0xffff;
	v59 =	vand.u32 $0x3, v55;
	v4 =	vmul.f32 v4, v5;
	v5 =	vcvt.s32.f32 v10  }
0x1c5: {  	(erf) = vrcp.f32 v8;
	v8 =	vld.idx.msk [tilespmem:v54+s17+$0x0], $0xffff;
	v60 =	vand.u32 $0x3, v56;
	v10 =	vadd.s32 $0xFFFFFFFF, v59  }
0x1c6: {  	v4 =	vadd.f32 $0.0e+00, v4;
	v5 =	vmul.f32 v5, v7;
	v7 =	vcvt.s32.f32 v10  }
0x1c7: {  	v61 =	vld.idx.msk [tilespmem:v57+s17+$0x0], $0xffff;
	v62 =	vadd.s32 $0xFFFFFFFF, v60;
	v9 =	vadd.f32 $0.0e+00, v9  }
0x1c8: {  	v4 =	vadd.f32 v5, v4;
	v5 =	vmul.f32 v7, v11;
	v7 =	vcvt.s32.f32 v62  }
0x1c9: {  	v63 =	vld.idx.msk [tilespmem:v58+s17+$0x0], $0xffff  }
0x1ca: {  	s24 =	simm.s32 $0x116C0;
	v8 =	vadd.f32 v8, v9;
	v4 =	vadd.f32 v5, v4;
	v5 =	vmul.f32 v7, v6  }
0x1cb: {  	v6 =	vld [tilespmem:s24+$0x0]  }
0x1cc: {  	v7 =	vadd.f32 v61, v8  }
0x1cd: {  	v4 =	vadd.f32 v5, v4  }
0x1ce: {  	v7 =	vadd.f32 v63, v7;
	v5 =	vpop (erf)  }
0x1cf: {  	s25 =	simm.s32 $0x20;
	v5 =	vmul.f32 v4, v5  }
0x1d0: {  	v4 =	vmov s25;
	vm15 =	veq.s32 v6, $0x0;
	v6 =	vmul.f32 $2.500000000e-01, v7  }
0x1d1: {  	v4 =	vshll.u32 v4, $0x3;
	v7 =	vnsel vm15, $0x0, v5  }
0x1d2: {  	s25 =	simm.s32 $0x30;
	v5 =	vadd.s32 v3, v4;
	v6 =	vadd.f32 v7, v6  }
.LBB2_16:
0x1d3: {  	p1 =	sne.s32 s25, $0x300;
	s21 =	sadd.s32 $0x10, s21  }
0x1d4: {  	v7 =	vor.u32 v0, v4;
	s22 =	sadd.s32 $0x10, s22;
	[tilespmem:s21+$0x0] =	vst v6  }
0x1d5: {  	s23 =	sadd.s32 $0x10, s23;
	v6 =	vld [tilespmem:s22+$0x0]  }
0x1d6: {  	v8 =	vld [tilespmem:s23+$0xFFFFE780]  }
0x1d7: {  	v9 =	vor.u32 $0x1, v7;
	v10 =	vld.idx.msk [tilespmem:v5+s17+$0x0], $0xffff  }
0x1d8: {  	v12 =	vadd.s32 v2, v4;
	v11 =	vld [tilespmem:s23+$0xFFFFF3C0]  }
0x1d9: {  	v5 =	vor.u32 $0x1, v5;
	v7 =	vld.idx.msk [tilespmem:v7+s17+$0x0], $0xffff  }
0x1da: {  	v4 =	vadd.s32 v1, v4;
	v13 =	vld [tilespmem:s23+$0x0]  }
0x1db: {  	v14 =	vor.u32 $0x1, v12;
	v8 =	vand.u32 $0x3, v8;
	v15 =	vld [tilespmem:s23+$0xC40]  }
0x1dc: {  	v9 =	vld.idx.msk [tilespmem:v9+s17+$0x0], $0xffff;
	v8 =	vadd.s32 $0xFFFFFFFF, v8  }
0x1dd: {  	v16 =	vor.u32 $0x1, v4;
	v8 =	vcvt.s32.f32 v8;
	v11 =	vand.u32 $0x3, v11;
	v12 =	vld.idx.msk [tilespmem:v12+s17+$0x0], $0xffff  }
0x1de: {  	v5 =	vld.idx.msk [tilespmem:v5+s17+$0x0], $0xffff;
	v11 =	vadd.s32 $0xFFFFFFFF, v11;
	(erf) = vrcp.f32 v6  }
0x1df: {  	v6 =	vmul.f32 v8, v7;
	v7 =	vcvt.s32.f32 v11;
	v8 =	vand.u32 $0x3, v13;
	v4 =	vld.idx.msk [tilespmem:v4+s17+$0x0], $0xffff  }
0x1e0: {  	v11 =	vld.idx.msk [tilespmem:v14+s17+$0x0], $0xffff;
	v8 =	vadd.s32 $0xFFFFFFFF, v8;
	v13 =	vand.u32 $0x3, v15  }
0x1e1: {  	v6 =	vadd.f32 $0.0e+00, v6;
	v7 =	vmul.f32 v7, v10;
	v8 =	vcvt.s32.f32 v8  }
0x1e2: {  	v9 =	vadd.f32 $0.0e+00, v9;
	v13 =	vadd.s32 $0xFFFFFFFF, v13;
	v10 =	vld.idx.msk [tilespmem:v16+s17+$0x0], $0xffff  }
0x1e3: {  	v6 =	vadd.f32 v7, v6;
	v7 =	vmul.f32 v8, v12;
	v8 =	vcvt.s32.f32 v13  }
0x1e4: {  	s24 =	sadd.s32 $0x10, s24;
	v5 =	vadd.f32 v5, v9  }
0x1e5: {  	v9 =	vadd.f32 v7, v6;
	v4 =	vmul.f32 v8, v4;
	v7 =	vld [tilespmem:s24+$0x0]  }
0x1e6: {  	v5 =	vadd.f32 v11, v5  }
0x1e7: {  	v4 =	vadd.f32 v4, v9;
	v6 =	vpop (erf)  }
.Ltmp7:
0x1e8: {  	v5 =	vadd.f32 v10, v5;
	(pc) =	sbr.rel @p1 .LBB2_16-.Ltmp7, $4  }
0x1e9: {  	v6 =	vmul.f32 v4, v6  }
0x1ea: {  	v4 =	vmov s25;
	vm0 =	veq.s32 v7, $0x0;
	v7 =	vmul.f32 $2.500000000e-01, v5  }
0x1eb: {  	v4 =	vshll.u32 v4, $0x3;
	v6 =	vnsel vm0, $0x0, v6  }
0x1ec: {  	s25 =	sadd.s32 $0x10, s25;
	v5 =	vadd.s32 v3, v4;
	v6 =	vadd.f32 v6, v7  }
0x1ed: {  	s21 =	sadd.s32 $0x10, s21  }
0x1ee: {  	v7 =	vor.u32 v0, v4;
	s23 =	sadd.s32 $0x10, s23;
	[tilespmem:s21+$0x0] =	vst v6  }
0x1ef: {  	s22 =	sadd.s32 $0x10, s22;
	v6 =	vld [tilespmem:s23+$0xFFFFE780]  }
0x1f0: {  	v8 =	vld [tilespmem:s22+$0x0]  }
0x1f1: {  	v11 =	vadd.s32 v2, v4;
	v10 =	vld [tilespmem:s23+$0xFFFFF3C0]  }
0x1f2: {  	v9 =	vor.u32 $0x1, v7;
	v13 =	vld [tilespmem:s23+$0x0]  }
0x1f3: {  	v7 =	vld.idx.msk [tilespmem:v7+s17+$0x0], $0xffff  }
0x1f4: {  	v12 =	vor.u32 $0x1, v5;
	v14 =	vld [tilespmem:s23+$0xC40];
	v6 =	vand.u32 $0x3, v6  }
0x1f5: {  	v4 =	vadd.s32 v1, v4;
	v5 =	vld.idx.msk [tilespmem:v5+s17+$0x0], $0xffff;
	v6 =	vadd.s32 $0xFFFFFFFF, v6  }
0x1f6: {  	v15 =	vor.u32 $0x1, v11;
	v11 =	vld.idx.msk [tilespmem:v11+s17+$0x0], $0xffff;
	v10 =	vand.u32 $0x3, v10;
	v6 =	vcvt.s32.f32 v6  }
0x1f7: {  	v16 =	vor.u32 $0x1, v4;
	v9 =	vld.idx.msk [tilespmem:v9+s17+$0x0], $0xffff;
	v10 =	vadd.s32 $0xFFFFFFFF, v10  }
0x1f8: {  	v54 =	vand.u32 $0x3, v13;
	v53 =	vcvt.s32.f32 v10;
	v6 =	vmul.f32 v6, v7  }
0x1f9: {  	v52 =	vld.idx.msk [tilespmem:v12+s17+$0x0], $0xffff;
	(erf) = vrcp.f32 v8;
	v55 =	vand.u32 $0x3, v14;
	v10 =	vadd.s32 $0xFFFFFFFF, v54  }
0x1fa: {  	v4 =	vld.idx.msk [tilespmem:v4+s17+$0x0], $0xffff;
	v57 =	vcvt.s32.f32 v10;
	v5 =	vmul.f32 v53, v5;
	v6 =	vadd.f32 $0.0e+00, v6  }
0x1fb: {  	v56 =	vld.idx.msk [tilespmem:v15+s17+$0x0], $0xffff;
	v58 =	vadd.s32 $0xFFFFFFFF, v55  }
0x1fc: {  	v9 =	vadd.f32 $0.0e+00, v9;
	v60 =	vmul.f32 v57, v11;
	v5 =	vadd.f32 v5, v6  }
0x1fd: {  	v59 =	vld.idx.msk [tilespmem:v16+s17+$0x0], $0xffff;
	v61 =	vcvt.s32.f32 v58  }
0x1fe: {  	s31 =	sadd.s32 $0x10, s24;
	v8 =	vadd.f32 v52, v9;
	v5 =	vadd.f32 v60, v5  }
0x1ff: {  	v62 =	vld [tilespmem:s31+$0x0];
	v4 =	vmul.f32 v61, v4  }
0x200: {  	v63 =	vadd.f32 v56, v8  }
0x201: {  	v4 =	vadd.f32 v4, v5  }
0x202: {  	v7 =	vadd.f32 v59, v63;
	v5 =	vpop (erf)  }
0x203: {  	v4 =	vmul.f32 v4, v5  }
0x204: {  	vm0 =	veq.s32 v62, $0x0;
	v5 =	vmul.f32 $2.500000000e-01, v7  }
0x205: {  	v4 =	vnsel vm0, $0x0, v4  }
0x206: {  	v4 =	vadd.f32 v4, v5  }
0x207: {  	s21 =	sadd.s32 $0x10, s21  }
0x208: {  	s22 =	simm.s32 @p0 $0x12600;
	[tilespmem:s21+$0x0] =	vst v4;
	s21 =	simm.s32 @p0 $0x0  }
0x209: {  	[hbm4b:s7+s21] =	stream.linear.scatter @p0 [tilespmem:s22], [sflag:$0x3], $0xAE0, $0x38;
	[tilespmem:$0x13240] =	vst v63  }
0x20a: {  	s21 =	simm.s32 @p0 $0x3  }
0x20b: {  	s20 =	sadd.s32 $0x1, s20;
	_ =	swait.ge @p0 [sflag:s21], $0xAE0  }
0x20c: {  	p1 =	sne.s32 s20, s8;
	[sflag:s21] =	ssyncset.done @p0 $0x0  }
0x20d: {  	s22 =	simm.s32 @!p0 $0x12600;
	[sflag:s21] =	ssyncadd.s32 @p0 $0xFFFFF520;
	s21 =	simm.s32 @!p0 $0x0  }
0x20e: {  	[hbm4b:s7+s21] =	stream.linear.scatter @!p0 [tilespmem:s22], [sflag:$0x3], $0xC40, $0x38;
	[tilespmem:$0x13240] =	vst v63  }
.Ltmp8:
0x20f: {  	_ = 	snop;
	(pc) =	sbr.rel @p1 .LBB2_1-.Ltmp8, $4  }
0x210: {  	s21 =	simm.s32 @!p0 $0x3  }
0x211: {  	_ =	swait.ge @!p0 [sflag:s21], $0xC40  }
0x212: {  	[sflag:s21] =	ssyncset.done @!p0 $0x0  }
0x213: {  	[sflag:s21] =	ssyncadd.s32 @!p0 $0xFFFFF3C0  }
0x214: {  	_ =	sfence.sel $0x180000  }
0x215: {  	[bflag:$0x0] =	sbarrier.arrive $0xFFFF  }
0x216: {  	p0 =	sne.s32 s0, $0x0;
	_ =	strace $0x9000004D  }
0x217: {  	s0 =	sadd.s32 @!p0 $0x100000, s1;
	[bflag:$0x2] =	sbarrier.arrive $0xFFFF  }
0x218: {  	[sflag:s0] =	ssyncadd.tile.s32 @!p0 $0x1;
	_ =	shalt  }
.Lfunc_end2:
_tile_overlayer_lowered:
.L_overlay_start_2:
0x219: {  	(tag) =	ssettag $0x2  }
0x21a: {  	s0 =	rddreg [dreg:$0x0];
	s2 =	stileid.u32  }
0x21b: {  	s1 =	rddreg [dreg:$0x1];
	p0 =	sne.s32 s2, $0x0  }
0x21c: {  	s3 =	rddreg [dreg:$0x2];
	[bflag:$0x3] =	sbarrier.arrive $0xFFFF;
	s2 =	simm.s32 @!p0 $0x1C03  }
0x21d: {  	[timem:s3], [sflag:s2] =	dma.local @!p0 [hbm:s0], s1  }
0x21e: {  	s0 =	simm.s32 @!p0 $0x3  }
0x21f: {  	_ =	swait.ge @!p0 [sflag:s0], s1  }
0x220: {  	s1 =	ssub.s32 @!p0 $0x0, s1;
	[sflag:s0] =	ssyncset.done @!p0 $0x0  }
0x221: {  	[sflag:s0] =	ssyncadd.s32 @!p0 s1  }
0x222: {  	[bflag:$0x3] =	sbarrier.arrive $0xFFFF  }
0x223: {  	_ =	shalt  }

// kernel: kernel.6.cloned.1.call-start
scs
__scs_entry_jumppad:
0x0: {  	(pc) =	sbr.rel $0x88, $3  }
0x1: {  	(tag) =	ssettag $0x0;
	lr =	simm.s32 $0x1  }
0x2: {  	[smem:$0x3F95] =	sst lr;
	_ =	strace $0xD0000000  }
0x3: {  	_ = 	snop  }
0x4: {  	_ = 	snop  }
0x5: {  	_ = 	snop  }
0x6: {  	_ = 	snop  }
0x7: {  	_ = 	snop  }
__scs_overlays_trampoline_lowered:
0x8: {  	[smem:$0x3FA4] =	sst s0  }
0x9: {  	[smem:$0x3FA5] =	sst s1  }
0xa: {  	[smem:$0x3FA6] =	sst s2  }
0xb: {  	[smem:$0x3FA7] =	sst s3  }
0xc: {  	[smem:$0x3FA8] =	sst s4  }
0xd: {  	[smem:$0x3FA9] =	sst s5  }
0xe: {  	[smem:$0x3FAA] =	sst s6  }
0xf: {  	[smem:$0x3FAB] =	sst s7  }
0x10: {  	[smem:$0x3FAC] =	sst s8  }
0x11: {  	[smem:$0x3FAD] =	sst s9;
	s0 =	simm.s32 @!p0 $0x0  }
0x12: {  	s1 =	sld [smem:$0x3F93];
	s0 =	simm.s32 @p0 $0x1  }
0x13: {  	[smem:$0x3FAE] =	sst s0;
	s0 =	simm.s32 @!p1 $0x0  }
0x14: {  	s2 =	sld [smem:$0x3F92];
	s0 =	simm.s32 @p1 $0x1  }
0x15: {  	[smem:$0x3FAF] =	sst s0;
	s0 =	simm.s32 @!p2 $0x0  }
0x16: {  	s3 =	sld [smem:$0x3FDB];
	s0 =	simm.s32 @p2 $0x1  }
0x17: {  	s4 =	simm.s32 $0x1BF5;
	[smem:$0x3FB1] =	sst s0  }
0x18: {  	s0 =	sld [smem:$0x3F94];
	_ =	swait.ge [sflag:s4], $0x0  }
0x19: {  	s7 =	sld [smem:$0x3F95]  }
0x1a: {  	s8 =	sadd.s32 $0xFFFFE003, lr  }
0x1b: {  	s9 =	sadd.s32 $0xFFFFFEF7, lr;
	s5 =	simm.s32 $0xFFFFFFFF;
	p2 =	slt.u32 s8, $0xFFFFF086  }
0x1c: {  	p1 =	slt.u32 s9, $0xF7A;
	s5 =	simm.s32 @!p2 $0x0  }
0x1d: {  	s5 =	simm.s32 @p1 $0x1;
	p0 =	seq.s32 s7, s2  }
0x1e: {  	s7 =	smul.u32 @!p0 $0xF7A, s2;
	p2 =	seq.s32 @!p0 s5, $0x0  }
0x1f: {  	s9 =	smul.u32 $0xF7A, s1;
	s8 =	simm.s32 @!p0 $0x1BF5;
	p2 =	por !p2, p0  }
0x20: {  	[sflag:s8] =	ssyncset.s32 @!p0 $0xFFFFF086;
	s6 =	sadd.s32 @!p0 s3, s7;
	s7 =	simm.s32 @!p0 $0x108  }
0x21: {  	s3 =	sadd.s32 s3, s9;
	s6 =	sadd.s32 @!p0 $0x88, s6;
	s7 =	simm.s32 @p2 $0x1082  }
0x22: {  	[simem:s7], [sflag:s8] =	dma.local @!p0 [hbm:s6], $0xF7A  }
0x23: {  	s9 =	sor.u32 $0xD0000000, s2;
	s6 =	simm.s32 $0x108;
	_ =	swait.ge @!p0 [sflag:s8], $0x0  }
0x24: {  	s3 =	sadd.s32 $0x88, s3;
	s6 =	simm.s32 @!p1 $0x1082;
	[sflag:s4] =	ssyncset.s32 $0xFFFFF086  }
0x25: {  	[simem:s6], [sflag:s4] =	dma.local [hbm:s3], $0xF7A  }
0x26: {  	[smem:$0x3F95] =	sst s1;
	(tag) =	ssettag s2;
	_ =	strace s9  }
0x27: {  	s1 =	sld [smem:$0x3FA5]  }
0x28: {  	s2 =	sld [smem:$0x3FA6]  }
0x29: {  	s4 =	sld [smem:$0x3FA8]  }
0x2a: {  	p0 =	seq.s32 s5, $0x0;
	s5 =	sld [smem:$0x3FA9]  }
0x2b: {  	s6 =	sld [smem:$0x3FAA]  }
0x2c: {  	s7 =	sld [smem:$0x3FAB]  }
0x2d: {  	s3 =	simm.s32 $0x108;
	s8 =	sld [smem:$0x3FAC]  }
0x2e: {  	s3 =	simm.s32 @!p0 $0x1082;
	s9 =	sld [smem:$0x3FAD]  }
0x2f: {  	lr =	sadd.s32 s0, s3;
	s0 =	sld [smem:$0x3FA4]  }
0x30: {  	s3 =	sld [smem:$0x3FA7]  }
0x31: {  	[smem:$0x3FB0] =	sst s10  }
0x32: {  	s10 =	sld [smem:$0x3FAE];
	_ =	sdelay $0x3  }
0x33: {  	p0 =	seq.s32 s10, $0x1;
	s10 =	sld [smem:$0x3FB0];
	_ =	sdelay $0x3  }
0x34: {  	[smem:$0x3FB0] =	sst s10  }
0x35: {  	s10 =	sld [smem:$0x3FAF];
	_ =	sdelay $0x3  }
0x36: {  	p1 =	seq.s32 s10, $0x1;
	s10 =	sld [smem:$0x3FB0];
	_ =	sdelay $0x3  }
0x37: {  	[smem:$0x3FB0] =	sst s10  }
0x38: {  	s10 =	sld [smem:$0x3FB1]  }
0x39: {  	_ = 	snop;
	(pc) =	sbr.ind lr, $3  }
0x3a: {  	_ = 	snop  }
0x3b: {  	_ = 	snop  }
0x3c: {  	p2 =	seq.s32 s10, $0x1;
	s10 =	sld [smem:$0x3FB0]  }
0x3d: {  	_ =	shalt  }
0x3e: {  	_ =	shalt  }
0x3f: {  	_ =	shalt  }
0x40: {  	_ =	shalt  }
0x41: {  	_ =	shalt  }
0x42: {  	_ =	shalt  }
0x43: {  	_ =	shalt  }
0x44: {  	_ =	shalt  }
0x45: {  	_ =	shalt  }
0x46: {  	_ =	shalt  }
0x47: {  	_ =	shalt  }
0x48: {  	_ =	shalt  }
0x49: {  	_ =	shalt  }
0x4a: {  	_ =	shalt  }
0x4b: {  	_ =	shalt  }
0x4c: {  	_ =	shalt  }
0x4d: {  	_ =	shalt  }
0x4e: {  	_ =	shalt  }
0x4f: {  	_ =	shalt  }
0x50: {  	_ =	shalt  }
0x51: {  	_ =	shalt  }
0x52: {  	_ =	shalt  }
0x53: {  	_ =	shalt  }
0x54: {  	_ =	shalt  }
0x55: {  	_ =	shalt  }
0x56: {  	_ =	shalt  }
0x57: {  	_ =	shalt  }
0x58: {  	_ =	shalt  }
0x59: {  	_ =	shalt  }
0x5a: {  	_ =	shalt  }
0x5b: {  	_ =	shalt  }
0x5c: {  	_ =	shalt  }
0x5d: {  	_ =	shalt  }
0x5e: {  	_ =	shalt  }
0x5f: {  	_ =	shalt  }
0x60: {  	_ =	shalt  }
0x61: {  	_ =	shalt  }
0x62: {  	_ =	shalt  }
0x63: {  	_ =	shalt  }
0x64: {  	_ =	shalt  }
0x65: {  	_ =	shalt  }
0x66: {  	_ =	shalt  }
0x67: {  	_ =	shalt  }
0x68: {  	_ =	shalt  }
0x69: {  	_ =	shalt  }
0x6a: {  	_ =	shalt  }
0x6b: {  	_ =	shalt  }
0x6c: {  	_ =	shalt  }
0x6d: {  	_ =	shalt  }
0x6e: {  	_ =	shalt  }
0x6f: {  	_ =	shalt  }
0x70: {  	_ =	shalt  }
0x71: {  	_ =	shalt  }
0x72: {  	_ =	shalt  }
0x73: {  	_ =	shalt  }
0x74: {  	_ =	shalt  }
0x75: {  	_ =	shalt  }
0x76: {  	_ =	shalt  }
0x77: {  	_ =	shalt  }
0x78: {  	_ =	shalt  }
0x79: {  	_ =	shalt  }
0x7a: {  	_ =	shalt  }
0x7b: {  	_ =	shalt  }
0x7c: {  	_ =	shalt  }
0x7d: {  	_ =	shalt  }
0x7e: {  	_ =	shalt  }
0x7f: {  	_ =	shalt  }
0x80: {  	_ =	shalt  }
0x81: {  	_ =	shalt  }
0x82: {  	_ =	shalt  }
0x83: {  	_ =	shalt  }
0x84: {  	_ =	shalt  }
0x85: {  	_ =	shalt  }
0x86: {  	_ =	shalt  }
0x87: {  	_ =	shalt  }
.Lfunc_end0:
.L_simem_size_0:
called_computation_lowered:
.L_overlay_start_0:
0x88: {  	s2 =	sld [smem:$0x3FD9]  }
0x89: {  	s3 =	sld [smem:$0x3FFE];
	_ =	sdelay $0x1  }
0x8a: {  	s1 =	srdreg.scid  }
0x8b: {  	s0 =	sand.u32 $0x1, s1  }
0x8c: {  	s17 =	sshll.u32 s0, $0xA;
	s2 =	sadd.s32 s3, s2  }
0x8d: {  	s2 =	sadd.s32 s2, s17  }
0x8e: {  	[smem:$0x3FBC] =	sst s2  }
0x8f: {  	_ = 	snop  }
0x90: {  	s2 =	sld [smem:$0x3FC9]  }
0x91: {  	s18 =	sld [smem:$0x3FC8]  }
0x92: {  	s4 =	sld [smem:$0x3FC7]  }
0x93: {  	s5 =	sld [smem:$0x3FC6];
	(tm) =	ssettm $0x1  }
0x94: {  	s6 =	sld [smem:$0x3FFB];
	_ =	sdelay $0x3  }
0x95: {  	_ =	strace s6  }
0x96: {  	s6 =	sld [smem:$0x3FFC];
	_ =	sdelay $0x3  }
0x97: {  	_ =	strace s6  }
0x98: {  	s6 =	sld [smem:$0x3FFD];
	_ =	sdelay $0x3  }
0x99: {  	_ =	strace s6  }
0x9a: {  	_ =	strace $0x8FFFFFFF  }
0x9b: {  	s19 =	sld [smem:$0x3FDB];
	_ =	sdelay $0x1  }
0x9c: {  	s7 =	simm.s32 $_scs_section_size  }
0x9d: {  	s8 =	simm.s32 $_size__tile_overlayer_lowered;
	s9 =	simm.s32 $_tile_overlayer_lowered  }
0x9e: {  	s22 =	simm.s32 $0x1BFF;
	s21 =	sshll.u32 s9, $0x1;
	s6 =	sadd.s32 s7, s19  }
0x9f: {  	s10 =	simm.s32 $0x0;
	s20 =	sshll.u32 s8, $0x1;
	s8 =	sadd.s32 s21, s6  }
0xa0: {  	[timem:s10], [sflag:s22] =	dma.local [hbm:s8], s20  }
0xa1: {  	_ =	swait.ge [sflag:s22], s20  }
0xa2: {  	s7 =	ssub.s32 $0x0, s20;
	[sflag:s22] =	ssyncset.done $0x0  }
0xa3: {  	[sflag:s22] =	ssyncadd.s32 s7;
	_ =	sdelay $0x1  }
0xa4: {  	s23 =	simm.s32 $0x1B8B  }
0xa5: {  	_ =	swait.ge [sflag:s23], $0x1  }
0xa6: {  	[sflag:s23] =	ssyncset.done $0x0  }
0xa7: {  	s25 =	simm.s32 $0x1B8E;
	s24 =	sld [smem:$0x3FFE];
	[sflag:s23] =	ssyncadd.s32 $0xFFFFFFFF  }
0xa8: {  	s26 =	simm.s32 $execute0_lowered;
	[smem:$0x3FD2] =	sst s25  }
0xa9: {  	s8 =	sshll.u32 s26, $0x1;
	_ =	strace $0x80000046;
	[dreg:$0x1] =	wrdreg $0xFFFFFFFF  }
0xaa: {  	s28 =	simm.s32 $_size_execute0_lowered;
	s6 =	sadd.s32 s6, s8;
	[dreg:$0x0] =	wrdreg $0x0  }
0xab: {  	s8 =	sshll.u32 s28, $0x1;
	[dreg:$0x2] =	wrdreg s6  }
0xac: {  	[dreg:$0x3] =	wrdreg s8  }
0xad: {  	[dreg:$0x4] =	wrdreg $0xC0  }
0xae: {  	_ =	task [dreg:s10], $0x5FFFF  }
0xaf: {  	[dreg:$0x1] =	wrdreg $0xFFFFFFFF  }
0xb0: {  	[dreg:$0x0] =	wrdreg $0x60  }
0xb1: {  	[dreg:$0x2] =	wrdreg s2  }
0xb2: {  	[dreg:$0x3] =	wrdreg s18  }
0xb3: {  	[dreg:$0x4] =	wrdreg s4  }
0xb4: {  	[dreg:$0x5] =	wrdreg s5  }
0xb5: {  	[dreg:$0x6] =	wrdreg s24  }
0xb6: {  	[dreg:$0x7] =	wrdreg $0x9  }
0xb7: {  	_ =	task.clear_ibuf [dreg:s10], $0x8FFFF;
	_ =	strace $0x90000046  }
0xb8: {  	s29 =	simm.s32 $0x9;
	_ =	strace $0x80000048  }
0xb9: {  	_ =	swait.ge [sflag:s29], $0x1  }
0xba: {  	[sflag:s29] =	ssyncadd.s32 $0xFFFFFFFF  }
0xbb: {  	_ =	strace $0x90000048  }
0xbc: {  	_ =	sfence  }
0xbd: {  	s30 =	sld [smem:$0x0];
	_ =	sdelay $0x2  }
0xbe: {  	s31 =	sshll.u32 s1, $0xD;
	s1 =	sshrl.u32 s1, $0x2  }
0xbf: {  	s3 =	sand.u32 $0x4000, s31;
	s1 =	sadd.s32 s1, s30  }
0xc0: {  	s0 =	sor.u32 s3, s0;
	s1 =	sshll.u32 s1, $0x11  }
0xc1: {  	s0 =	sor.u32 s1, s0  }
0xc2: {  	s0 =	sadd.s32 $0x8F2B, s0  }
0xc3: {  	[sflag:s0] =	ssyncadd.remote.s32 $0x1  }
0xc4: {  	_ =	sfence.sel $0xFFFF  }
0xc5: {  	[dreg:$0x0] =	wrdreg $0xFFFFFFFF;
	(pc) =	sbr.abs _section_cstart, $3  }
0xc6: {  	[dreg:$0x1] =	wrdreg $0xFFFFFFFF  }
0xc7: {  	_ =	task.clear_ibuf [dreg:s10], $0x2FFFF;
	_ =	strace $0x9FFFFFFF  }
0xc8: {  	(tm) =	ssettm $0x7FFFFFFF  }
0xc9: {  	_ =	shalt  }
tec
execute0_lowered:
.L_overlay_start_1:
0x0: {  	(tag) =	ssettag $0x1  }
0x1: {  	s7 =	rddreg [dreg:$0x0]  }
0x2: {  	s8 =	rddreg [dreg:$0x1]  }
0x3: {  	s9 =	rddreg [dreg:$0x2]  }
0x4: {  	s1 =	srdreg.scid;
	s10 =	rddreg [dreg:$0x3]  }
0x5: {  	s0 =	stileid.u32;
	s4 =	rddreg [dreg:$0x4]  }
0x6: {  	s2 =	simm.s32 $0x0;
	s3 =	sand.u32 $0x1, s1;
	s30 =	sshll.u32 s0, $0x1  }
0x7: {  	s14 =	simm.s32 $0x1;
	s1 =	rddreg [dreg:$0x5];
	s13 =	sor.u32 s3, s30  }
0x8: {  	s15 =	simm.s32 $0x0;
	[smem:$0x7FF] =	sst s2;
	s5 =	smul.u32 $0xC40, s13  }
0x9: {  	s3 =	ssub.s32 $0x2, s3;
	_ =	strace $0x80000047;
	s6 =	smul.u32 $0x188, s13  }
0xa: {  	s31 =	sshrl.u32 s3, $0x1;
	p0 =	seq.s32 s13, $0x1F;
	s13 =	simm.s32 $0x3100  }
0xb: {  	s12 =	ssub.s32 s3, s31;
	s11 =	sadd.s32 s5, s4;
	s3 =	sadd.s32 s7, s6  }
0xc: {  	s4 =	sadd.s32 s8, s6;
	s5 =	sadd.s32 s9, s6;
	s6 =	sadd.s32 s10, s6  }
0xd: {  	v0 =	vlaneseq.u32;
	s7 =	sadd.s32 $0x2F78, s7;
	s8 =	sadd.s32 $0x2F78, s8;
	s9 =	sadd.s32 $0x2F78, s9  }
0xe: {  	v0 =	vmul.u32 $0x8, v0;
	s10 =	sadd.s32 $0x2F78, s10;
	s12 =	smax.u32 s12, $0x1;
	s11 =	sadd.s32 $0x2200, s11  }
.LBB2_1:
0xf: {  	s16 =	simm.s32 @p0 $0x0;
	s17 =	simm.s32 @p0 $0x1  }
0x10: {  	[tilespmem:s16], [sflag:$0x1] =	stream.linear.gather @p0 [hbm4b:s7+s16], $0xAE0, $0x38;
	[tilespmem:$0x9300] =	vst v63  }
0x11: {  	_ =	swait.ge @p0 [sflag:s17], $0xAE0  }
0x12: {  	[sflag:s17] =	ssyncset.done @p0 $0x0  }
0x13: {  	s18 =	simm.s32 @p0 $0xC40;
	[sflag:s17] =	ssyncadd.s32 @p0 $0xFFFFF520  }
0x14: {  	[tilespmem:s18], [sflag:$0x1] =	stream.linear.gather @p0 [hbm4b:s8+s16], $0xAE0, $0x38;
	[tilespmem:$0x9300] =	vst v63  }
0x15: {  	_ =	swait.ge @p0 [sflag:s17], $0xAE0  }
0x16: {  	[sflag:s17] =	ssyncset.done @p0 $0x0  }
0x17: {  	s18 =	simm.s32 @p0 $0x1880;
	[sflag:s17] =	ssyncadd.s32 @p0 $0xFFFFF520  }
0x18: {  	[tilespmem:s18], [sflag:$0x1] =	stream.linear.gather @p0 [hbm4b:s9+s16], $0xAE0, $0x38;
	[tilespmem:$0x9300] =	vst v63  }
0x19: {  	_ =	swait.ge @p0 [sflag:s17], $0xAE0  }
0x1a: {  	[sflag:s17] =	ssyncset.done @p0 $0x0  }
0x1b: {  	s18 =	simm.s32 @p0 $0x24C0;
	[sflag:s17] =	ssyncadd.s32 @p0 $0xFFFFF520  }
0x1c: {  	[tilespmem:s18], [sflag:$0x1] =	stream.linear.gather @p0 [hbm4b:s10+s16], $0xAE0, $0x38;
	[tilespmem:$0x9300] =	vst v63  }
0x1d: {  	_ =	swait.ge @p0 [sflag:s17], $0xAE0  }
0x1e: {  	[sflag:s17] =	ssyncset.done @p0 $0x0  }
0x1f: {  	s16 =	simm.s32 @!p0 $0x0;
	[sflag:s17] =	ssyncadd.s32 @p0 $0xFFFFF520;
	s17 =	simm.s32 @!p0 $0x1  }
0x20: {  	[tilespmem:s16], [sflag:$0x1] =	stream.linear.gather @!p0 [hbm4b:s3+s16], $0xC40, $0x38;
	[tilespmem:$0x9300] =	vst v63  }
0x21: {  	_ =	swait.ge @!p0 [sflag:s17], $0xC40  }
0x22: {  	[sflag:s17] =	ssyncset.done @!p0 $0x0  }
0x23: {  	s18 =	simm.s32 @!p0 $0xC40;
	[sflag:s17] =	ssyncadd.s32 @!p0 $0xFFFFF3C0  }
0x24: {  	[tilespmem:s18], [sflag:$0x1] =	stream.linear.gather @!p0 [hbm4b:s4+s16], $0xC40, $0x38;
	[tilespmem:$0x9300] =	vst v63  }
0x25: {  	_ =	swait.ge @!p0 [sflag:s17], $0xC40  }
0x26: {  	[sflag:s17] =	ssyncset.done @!p0 $0x0  }
0x27: {  	s18 =	simm.s32 @!p0 $0x1880;
	[sflag:s17] =	ssyncadd.s32 @!p0 $0xFFFFF3C0  }
0x28: {  	[tilespmem:s18], [sflag:$0x1] =	stream.linear.gather @!p0 [hbm4b:s5+s16], $0xC40, $0x38;
	[tilespmem:$0x9300] =	vst v63  }
0x29: {  	_ =	swait.ge @!p0 [sflag:s17], $0xC40  }
0x2a: {  	[sflag:s17] =	ssyncset.done @!p0 $0x0  }
0x2b: {  	s18 =	simm.s32 @!p0 $0x24C0;
	[sflag:s17] =	ssyncadd.s32 @!p0 $0xFFFFF3C0  }
0x2c: {  	[tilespmem:s18], [sflag:$0x1] =	stream.linear.gather @!p0 [hbm4b:s6+s16], $0xC40, $0x38;
	[tilespmem:$0x9300] =	vst v63  }
0x2d: {  	_ =	swait.ge @!p0 [sflag:s17], $0xC40  }
0x2e: {  	v1 =	vmov s2;
	[sflag:s17] =	ssyncset.done @!p0 $0x0  }
0x2f: {  	v1 =	vshll.u32 v1, $0x3;
	[sflag:s17] =	ssyncadd.s32 @!p0 $0xFFFFF3C0  }
0x30: {  	v3 =	vor.u32 v0, v1;
	v2 =	vld [tilespmem:s2+$0x0];
	_ =	sdelay $0x4  }
0x31: {  	s16 =	simm.s32 $0xC40;
	[tilespmem:v3+s13+$0x0] =	vst.idx.msk $0xffff, v2  }
0x32: {  	v2 =	vor.u32 $0x1, v3;
	v1 =	vld [tilespmem:s16+$0x0];
	_ =	sdelay $0x4  }
0x33: {  	s17 =	simm.s32 $0x1880;
	[tilespmem:v2+s13+$0x0] =	vst.idx.msk $0xffff, v1  }
0x34: {  	v2 =	vor.u32 $0x2, v3;
	v1 =	vld [tilespmem:s17+$0x0];
	_ =	sdelay $0x4  }
0x35: {  	s18 =	simm.s32 $0x24C0;
	[tilespmem:v2+s13+$0x0] =	vst.idx.msk $0xffff, v1  }
0x36: {  	v2 =	vor.u32 $0x3, v3;
	v1 =	vld [tilespmem:s18+$0x0];
	_ =	sdelay $0x2  }
0x37: {  	s19 =	simm.s32 $0x10  }
0x38: {  	s20 =	simm.s32 $0x20;
	v3 =	vmov s19;
	s19 =	simm.s32 $0x0  }
.LBB2_2:
0x39: {  	p1 =	sne.s32 s20, $0xC30;
	v3 =	vshll.u32 v3, $0x3;
	[tilespmem:v2+s13+$0x0] =	vst.idx.msk $0xffff, v1;
	s19 =	sadd.s32 $0x10, s19  }
0x3a: {  	v1 =	vld [tilespmem:s19+$0x0];
	v2 =	vor.u32 v0, v3;
	_ =	sdelay $0x4  }
0x3b: {  	s16 =	sadd.s32 $0x10, s16;
	[tilespmem:v2+s13+$0x0] =	vst.idx.msk $0xffff, v1  }
0x3c: {  	v3 =	vor.u32 $0x1, v2;
	v1 =	vld [tilespmem:s16+$0x0];
	_ =	sdelay $0x4  }
0x3d: {  	s17 =	sadd.s32 $0x10, s17;
	[tilespmem:v3+s13+$0x0] =	vst.idx.msk $0xffff, v1  }
0x3e: {  	v3 =	vor.u32 $0x2, v2;
	v1 =	vld [tilespmem:s17+$0x0];
	_ =	sdelay $0x4  }
0x3f: {  	s18 =	sadd.s32 $0x10, s18;
	[tilespmem:v3+s13+$0x0] =	vst.idx.msk $0xffff, v1  }
.Ltmp0:
0x40: {  	v2 =	vor.u32 $0x3, v2;
	v1 =	vld [tilespmem:s18+$0x0];
	(pc) =	sbr.rel @p1 .LBB2_2-.Ltmp0, $2  }
0x41: {  	_ =	sdelay $0x2  }
0x42: {  	v3 =	vmov s20;
	s20 =	sadd.s32 $0x10, s20  }
0x43: {  	_ =	sdelay $0x3  }
0x44: {  	v3 =	vshll.u32 v3, $0x3;
	[tilespmem:v2+s13+$0x0] =	vst.idx.msk $0xffff, v1;
	s19 =	sadd.s32 $0x10, s19  }
0x45: {  	v1 =	vld [tilespmem:s19+$0x0];
	v2 =	vor.u32 v0, v3;
	_ =	sdelay $0x4  }
0x46: {  	s16 =	sadd.s32 $0x10, s16;
	[tilespmem:v2+s13+$0x0] =	vst.idx.msk $0xffff, v1  }
0x47: {  	v3 =	vor.u32 $0x1, v2;
	v1 =	vld [tilespmem:s16+$0x0];
	_ =	sdelay $0x4  }
0x48: {  	s30 =	sadd.s32 $0x10, s17;
	[tilespmem:v3+s13+$0x0] =	vst.idx.msk $0xffff, v1  }
0x49: {  	v3 =	vor.u32 $0x2, v2;
	v1 =	vld [tilespmem:s30+$0x0];
	_ =	sdelay $0x4  }
0x4a: {  	s31 =	sadd.s32 $0x10, s18;
	[tilespmem:v3+s13+$0x0] =	vst.idx.msk $0xffff, v1  }
0x4b: {  	v2 =	vor.u32 $0x3, v2;
	v1 =	vld [tilespmem:s31+$0x0];
	_ =	sdelay $0x2  }
0x4c: {  	s15 =	sadd.s32 $0x1, s15  }
0x4d: {  	p1 =	sne.s32 s15, s12  }
.Ltmp1:
0x4e: {  	[tilespmem:v2+s13+$0x0] =	vst.idx.msk $0xffff, v1;
	(pc) =	sbr.rel @p1 .LBB2_1-.Ltmp1, $4  }
0x4f: {  	[hbm4b:s11+s2] =	stream.linear.scatter [tilespmem:s13], [sflag:$0x1], $0x6200, $0x38;
	[tilespmem:$0x9300] =	vst v63  }
0x50: {  	_ =	swait.ge [sflag:s14], $0x6200  }
0x51: {  	[sflag:s14] =	ssyncset.done $0x0  }
0x52: {  	[sflag:s14] =	ssyncadd.s32 $0xFFFF9E00  }
0x53: {  	_ =	sfence.sel $0x180000  }
0x54: {  	[bflag:$0x0] =	sbarrier.arrive $0xFFFF  }
0x55: {  	p0 =	sne.s32 s0, $0x0;
	_ =	strace $0x90000047  }
0x56: {  	s0 =	sadd.s32 @!p0 $0x100000, s1;
	[bflag:$0x2] =	sbarrier.arrive $0xFFFF  }
0x57: {  	[sflag:s0] =	ssyncadd.tile.s32 @!p0 $0x1;
	_ =	shalt  }
.Lfunc_end2:
_tile_overlayer_lowered:
.L_overlay_start_2:
0x58: {  	(tag) =	ssettag $0x2  }
0x59: {  	s0 =	rddreg [dreg:$0x0];
	s2 =	stileid.u32  }
0x5a: {  	s1 =	rddreg [dreg:$0x1];
	p0 =	sne.s32 s2, $0x0  }
0x5b: {  	s3 =	rddreg [dreg:$0x2];
	[bflag:$0x3] =	sbarrier.arrive $0xFFFF;
	s2 =	simm.s32 @!p0 $0x1C01  }
0x5c: {  	[timem:s3], [sflag:s2] =	dma.local @!p0 [hbm:s0], s1  }
0x5d: {  	s0 =	simm.s32 @!p0 $0x1  }
0x5e: {  	_ =	swait.ge @!p0 [sflag:s0], s1  }
0x5f: {  	s1 =	ssub.s32 @!p0 $0x0, s1;
	[sflag:s0] =	ssyncset.done @!p0 $0x0  }
0x60: {  	[sflag:s0] =	ssyncadd.s32 @!p0 s1  }
0x61: {  	[bflag:$0x3] =	sbarrier.arrive $0xFFFF  }
0x62: {  	_ =	shalt  }

// kernel: kernel.9.cloned.1.call-start
scs
__scs_entry_jumppad:
0x0: {  	(pc) =	sbr.rel $0x88, $3  }
0x1: {  	(tag) =	ssettag $0x0;
	lr =	simm.s32 $0x1  }
0x2: {  	[smem:$0x3F95] =	sst lr;
	_ =	strace $0xD0000000  }
0x3: {  	_ = 	snop  }
0x4: {  	_ = 	snop  }
0x5: {  	_ = 	snop  }
0x6: {  	_ = 	snop  }
0x7: {  	_ = 	snop  }
__scs_overlays_trampoline_lowered:
0x8: {  	[smem:$0x3FA4] =	sst s0  }
0x9: {  	[smem:$0x3FA5] =	sst s1  }
0xa: {  	[smem:$0x3FA6] =	sst s2  }
0xb: {  	[smem:$0x3FA7] =	sst s3  }
0xc: {  	[smem:$0x3FA8] =	sst s4  }
0xd: {  	[smem:$0x3FA9] =	sst s5  }
0xe: {  	[smem:$0x3FAA] =	sst s6  }
0xf: {  	[smem:$0x3FAB] =	sst s7  }
0x10: {  	[smem:$0x3FAC] =	sst s8  }
0x11: {  	[smem:$0x3FAD] =	sst s9;
	s0 =	simm.s32 @!p0 $0x0  }
0x12: {  	s1 =	sld [smem:$0x3F93];
	s0 =	simm.s32 @p0 $0x1  }
0x13: {  	[smem:$0x3FAE] =	sst s0;
	s0 =	simm.s32 @!p1 $0x0  }
0x14: {  	s2 =	sld [smem:$0x3F92];
	s0 =	simm.s32 @p1 $0x1  }
0x15: {  	[smem:$0x3FAF] =	sst s0;
	s0 =	simm.s32 @!p2 $0x0  }
0x16: {  	s3 =	sld [smem:$0x3FDB];
	s0 =	simm.s32 @p2 $0x1  }
0x17: {  	s4 =	simm.s32 $0x1BF5;
	[smem:$0x3FB1] =	sst s0  }
0x18: {  	s0 =	sld [smem:$0x3F94];
	_ =	swait.ge [sflag:s4], $0x0  }
0x19: {  	s7 =	sld [smem:$0x3F95]  }
0x1a: {  	s8 =	sadd.s32 $0xFFFFE003, lr  }
0x1b: {  	s9 =	sadd.s32 $0xFFFFFEF7, lr;
	s5 =	simm.s32 $0xFFFFFFFF;
	p2 =	slt.u32 s8, $0xFFFFF086  }
0x1c: {  	p1 =	slt.u32 s9, $0xF7A;
	s5 =	simm.s32 @!p2 $0x0  }
0x1d: {  	s5 =	simm.s32 @p1 $0x1;
	p0 =	seq.s32 s7, s2  }
0x1e: {  	s7 =	smul.u32 @!p0 $0xF7A, s2;
	p2 =	seq.s32 @!p0 s5, $0x0  }
0x1f: {  	s9 =	smul.u32 $0xF7A, s1;
	s8 =	simm.s32 @!p0 $0x1BF5;
	p2 =	por !p2, p0  }
0x20: {  	[sflag:s8] =	ssyncset.s32 @!p0 $0xFFFFF086;
	s6 =	sadd.s32 @!p0 s3, s7;
	s7 =	simm.s32 @!p0 $0x108  }
0x21: {  	s3 =	sadd.s32 s3, s9;
	s6 =	sadd.s32 @!p0 $0x88, s6;
	s7 =	simm.s32 @p2 $0x1082  }
0x22: {  	[simem:s7], [sflag:s8] =	dma.local @!p0 [hbm:s6], $0xF7A  }
0x23: {  	s9 =	sor.u32 $0xD0000000, s2;
	s6 =	simm.s32 $0x108;
	_ =	swait.ge @!p0 [sflag:s8], $0x0  }
0x24: {  	s3 =	sadd.s32 $0x88, s3;
	s6 =	simm.s32 @!p1 $0x1082;
	[sflag:s4] =	ssyncset.s32 $0xFFFFF086  }
0x25: {  	[simem:s6], [sflag:s4] =	dma.local [hbm:s3], $0xF7A  }
0x26: {  	[smem:$0x3F95] =	sst s1;
	(tag) =	ssettag s2;
	_ =	strace s9  }
0x27: {  	s1 =	sld [smem:$0x3FA5]  }
0x28: {  	s2 =	sld [smem:$0x3FA6]  }
0x29: {  	s4 =	sld [smem:$0x3FA8]  }
0x2a: {  	p0 =	seq.s32 s5, $0x0;
	s5 =	sld [smem:$0x3FA9]  }
0x2b: {  	s6 =	sld [smem:$0x3FAA]  }
0x2c: {  	s7 =	sld [smem:$0x3FAB]  }
0x2d: {  	s3 =	simm.s32 $0x108;
	s8 =	sld [smem:$0x3FAC]  }
0x2e: {  	s3 =	simm.s32 @!p0 $0x1082;
	s9 =	sld [smem:$0x3FAD]  }
0x2f: {  	lr =	sadd.s32 s0, s3;
	s0 =	sld [smem:$0x3FA4]  }
0x30: {  	s3 =	sld [smem:$0x3FA7]  }
0x31: {  	[smem:$0x3FB0] =	sst s10  }
0x32: {  	s10 =	sld [smem:$0x3FAE];
	_ =	sdelay $0x3  }
0x33: {  	p0 =	seq.s32 s10, $0x1;
	s10 =	sld [smem:$0x3FB0];
	_ =	sdelay $0x3  }
0x34: {  	[smem:$0x3FB0] =	sst s10  }
0x35: {  	s10 =	sld [smem:$0x3FAF];
	_ =	sdelay $0x3  }
0x36: {  	p1 =	seq.s32 s10, $0x1;
	s10 =	sld [smem:$0x3FB0];
	_ =	sdelay $0x3  }
0x37: {  	[smem:$0x3FB0] =	sst s10  }
0x38: {  	s10 =	sld [smem:$0x3FB1]  }
0x39: {  	_ = 	snop;
	(pc) =	sbr.ind lr, $3  }
0x3a: {  	_ = 	snop  }
0x3b: {  	_ = 	snop  }
0x3c: {  	p2 =	seq.s32 s10, $0x1;
	s10 =	sld [smem:$0x3FB0]  }
0x3d: {  	_ =	shalt  }
0x3e: {  	_ =	shalt  }
0x3f: {  	_ =	shalt  }
0x40: {  	_ =	shalt  }
0x41: {  	_ =	shalt  }
0x42: {  	_ =	shalt  }
0x43: {  	_ =	shalt  }
0x44: {  	_ =	shalt  }
0x45: {  	_ =	shalt  }
0x46: {  	_ =	shalt  }
0x47: {  	_ =	shalt  }
0x48: {  	_ =	shalt  }
0x49: {  	_ =	shalt  }
0x4a: {  	_ =	shalt  }
0x4b: {  	_ =	shalt  }
0x4c: {  	_ =	shalt  }
0x4d: {  	_ =	shalt  }
0x4e: {  	_ =	shalt  }
0x4f: {  	_ =	shalt  }
0x50: {  	_ =	shalt  }
0x51: {  	_ =	shalt  }
0x52: {  	_ =	shalt  }
0x53: {  	_ =	shalt  }
0x54: {  	_ =	shalt  }
0x55: {  	_ =	shalt  }
0x56: {  	_ =	shalt  }
0x57: {  	_ =	shalt  }
0x58: {  	_ =	shalt  }
0x59: {  	_ =	shalt  }
0x5a: {  	_ =	shalt  }
0x5b: {  	_ =	shalt  }
0x5c: {  	_ =	shalt  }
0x5d: {  	_ =	shalt  }
0x5e: {  	_ =	shalt  }
0x5f: {  	_ =	shalt  }
0x60: {  	_ =	shalt  }
0x61: {  	_ =	shalt  }
0x62: {  	_ =	shalt  }
0x63: {  	_ =	shalt  }
0x64: {  	_ =	shalt  }
0x65: {  	_ =	shalt  }
0x66: {  	_ =	shalt  }
0x67: {  	_ =	shalt  }
0x68: {  	_ =	shalt  }
0x69: {  	_ =	shalt  }
0x6a: {  	_ =	shalt  }
0x6b: {  	_ =	shalt  }
0x6c: {  	_ =	shalt  }
0x6d: {  	_ =	shalt  }
0x6e: {  	_ =	shalt  }
0x6f: {  	_ =	shalt  }
0x70: {  	_ =	shalt  }
0x71: {  	_ =	shalt  }
0x72: {  	_ =	shalt  }
0x73: {  	_ =	shalt  }
0x74: {  	_ =	shalt  }
0x75: {  	_ =	shalt  }
0x76: {  	_ =	shalt  }
0x77: {  	_ =	shalt  }
0x78: {  	_ =	shalt  }
0x79: {  	_ =	shalt  }
0x7a: {  	_ =	shalt  }
0x7b: {  	_ =	shalt  }
0x7c: {  	_ =	shalt  }
0x7d: {  	_ =	shalt  }
0x7e: {  	_ =	shalt  }
0x7f: {  	_ =	shalt  }
0x80: {  	_ =	shalt  }
0x81: {  	_ =	shalt  }
0x82: {  	_ =	shalt  }
0x83: {  	_ =	shalt  }
0x84: {  	_ =	shalt  }
0x85: {  	_ =	shalt  }
0x86: {  	_ =	shalt  }
0x87: {  	_ =	shalt  }
.Lfunc_end0:
.L_simem_size_0:
called_computation.1_lowered:
.L_overlay_start_0:
0x88: {  	s2 =	sld [smem:$0x3FD9]  }
0x89: {  	s3 =	sld [smem:$0x3FFE];
	_ =	sdelay $0x1  }
0x8a: {  	s1 =	srdreg.scid  }
0x8b: {  	s0 =	sand.u32 $0x1, s1  }
0x8c: {  	s16 =	sshll.u32 s0, $0xA;
	s2 =	sadd.s32 s3, s2  }
0x8d: {  	s2 =	sadd.s32 s2, s16  }
0x8e: {  	[smem:$0x3FBC] =	sst s2  }
0x8f: {  	_ = 	snop  }
0x90: {  	(tm) =	ssettm $0x1  }
0x91: {  	s17 =	sld [smem:$0x3FFB];
	_ =	sdelay $0x3  }
0x92: {  	_ =	strace s17  }
0x93: {  	s2 =	sld [smem:$0x3FFC];
	_ =	sdelay $0x3  }
0x94: {  	_ =	strace s2  }
0x95: {  	s2 =	sld [smem:$0x3FFD];
	_ =	sdelay $0x3  }
0x96: {  	_ =	strace s2  }
0x97: {  	_ =	strace $0x8FFFFFFF  }
0x98: {  	s18 =	sld [smem:$0x3FDB];
	_ =	sdelay $0x1  }
0x99: {  	s19 =	simm.s32 $_scs_section_size  }
0x9a: {  	s4 =	simm.s32 $_size__tile_overlayer_lowered;
	s5 =	simm.s32 $_tile_overlayer_lowered  }
0x9b: {  	s22 =	simm.s32 $0x1BFF;
	s21 =	sshll.u32 s5, $0x1;
	s2 =	sadd.s32 s19, s18  }
0x9c: {  	s6 =	simm.s32 $0x0;
	s20 =	sshll.u32 s4, $0x1;
	s4 =	sadd.s32 s21, s2  }
0x9d: {  	[timem:s6], [sflag:s22] =	dma.local [hbm:s4], s20  }
0x9e: {  	_ =	swait.ge [sflag:s22], s20  }
0x9f: {  	s3 =	ssub.s32 $0x0, s20;
	[sflag:s22] =	ssyncset.done $0x0  }
0xa0: {  	[sflag:s22] =	ssyncadd.s32 s3;
	_ =	sdelay $0x1  }
0xa1: {  	s23 =	simm.s32 $0x1B8B  }
0xa2: {  	_ =	swait.ge [sflag:s23], $0x1  }
0xa3: {  	[sflag:s23] =	ssyncset.done $0x0  }
0xa4: {  	s25 =	simm.s32 $0x1B8E;
	s24 =	sld [smem:$0x3FFE];
	[sflag:s23] =	ssyncadd.s32 $0xFFFFFFFF  }
0xa5: {  	s26 =	simm.s32 $execute0_lowered;
	[smem:$0x3FD2] =	sst s25  }
0xa6: {  	s4 =	sshll.u32 s26, $0x1;
	_ =	strace $0x80000049;
	[dreg:$0x1] =	wrdreg $0xFFFFFFFF  }
0xa7: {  	s28 =	simm.s32 $_size_execute0_lowered;
	s2 =	sadd.s32 s2, s4;
	[dreg:$0x0] =	wrdreg $0x0  }
0xa8: {  	s4 =	sshll.u32 s28, $0x1;
	[dreg:$0x2] =	wrdreg s2  }
0xa9: {  	[dreg:$0x3] =	wrdreg s4  }
0xaa: {  	[dreg:$0x4] =	wrdreg $0xC0  }
0xab: {  	_ =	task [dreg:s6], $0x5FFFF  }
0xac: {  	[dreg:$0x1] =	wrdreg $0xFFFFFFFF  }
0xad: {  	[dreg:$0x0] =	wrdreg $0x60  }
0xae: {  	[dreg:$0x2] =	wrdreg s24  }
0xaf: {  	[dreg:$0x3] =	wrdreg $0x9  }
0xb0: {  	_ =	task.clear_ibuf [dreg:s6], $0x4FFFF;
	_ =	strace $0x90000049  }
0xb1: {  	s29 =	simm.s32 $0x9;
	_ =	strace $0x8000004B  }
0xb2: {  	_ =	swait.ge [sflag:s29], $0x1  }
0xb3: {  	[sflag:s29] =	ssyncadd.s32 $0xFFFFFFFF  }
0xb4: {  	_ =	strace $0x9000004B  }
0xb5: {  	_ =	sfence  }
0xb6: {  	s30 =	sld [smem:$0x0];
	_ =	sdelay $0x2  }
0xb7: {  	s31 =	sshll.u32 s1, $0xD;
	s1 =	sshrl.u32 s1, $0x2  }
0xb8: {  	s3 =	sand.u32 $0x4000, s31;
	s1 =	sadd.s32 s1, s30  }
0xb9: {  	s0 =	sor.u32 s3, s0;
	s1 =	sshll.u32 s1, $0x11  }
0xba: {  	s0 =	sor.u32 s1, s0  }
0xbb: {  	s0 =	sadd.s32 $0x8F2B, s0  }
0xbc: {  	[sflag:s0] =	ssyncadd.remote.s32 $0x1  }
0xbd: {  	_ =	sfence.sel $0xFFFF  }
0xbe: {  	[dreg:$0x0] =	wrdreg $0xFFFFFFFF;
	(pc) =	sbr.abs _section_cstart, $3  }
0xbf: {  	[dreg:$0x1] =	wrdreg $0xFFFFFFFF  }
0xc0: {  	_ =	task.clear_ibuf [dreg:s6], $0x2FFFF;
	_ =	strace $0x9FFFFFFF  }
0xc1: {  	(tm) =	ssettm $0x7FFFFFFF  }
tec
execute0_lowered:
.L_overlay_start_1:
0x0: {  	(tag) =	ssettag $0x1  }
0x1: {  	s0 =	rddreg [dreg:$0x0];
	s2 =	simm.s32 $0x0  }
0x2: {  	s1 =	srdreg.scid;
	s3 =	stileid.u32;
	s28 =	simm.s32 $0xA280  }
0x3: {  	s29 =	simm.s32 $0x1860;
	s30 =	simm.s32 $0x6180;
	s31 =	simm.s32 $0xE380  }
0x4: {  	[smem:$0x7FF] =	sst s2;
	s1 =	sand.u32 $0x1, s1;
	s4 =	sshll.u32 s3, $0x1  }
0x5: {  	s3 =	sadd.s32 $0x2200, s0;
	s5 =	sadd.s32 $0x2D000, s0;
	s6 =	sadd.s32 $0x26E00, s0  }
0x6: {  	s7 =	sadd.s32 $0x1AA00, s0;
	s8 =	sadd.s32 $0x20C00, s0;
	s4 =	sor.u32 s1, s4  }
0x7: {  	s9 =	sadd.s32 $0x33200, s0;
	s1 =	ssub.s32 $0x2, s1;
	s4 =	smul.u32 $0x1860, s4  }
0x8: {  	s0 =	sadd.s32 $0x39400, s0;
	_ =	strace $0x8000004A;
	s10 =	sshrl.u32 s1, $0x1  }
0x9: {  	s1 =	ssub.s32 s1, s10;
	s17 =	sadd.s32 $0x820, s4;
	s20 =	sshrl.u32 s4, $0x3  }
0xa: {  	s21 =	sadd.s32 $0x1040, s4;
	s16 =	sshrl.u32 s17, $0x3;
	s11 =	sadd.s32 s5, s20  }
0xb: {  	s22 =	sadd.s32 s6, s20;
	s25 =	sadd.s32 s7, s20;
	s26 =	sadd.s32 s8, s20  }
0xc: {  	s10 =	sadd.s32 s9, s20;
	s20 =	sshrl.u32 s21, $0x3;
	[dreg:$0x2] =	wrdreg s11  }
0xd: {  	s17 =	sadd.s32 s0, s17;
	s21 =	sadd.s32 s0, s21;
	[dreg:$0x3] =	wrdreg s22  }
0xe: {  	s23 =	sadd.s32 s5, s16;
	s24 =	sadd.s32 s6, s16;
	[dreg:$0x6] =	wrdreg s25  }
0xf: {  	[dreg:$0x7] =	wrdreg s26;
	s11 =	sadd.s32 s0, s4;
	s12 =	sadd.s32 s5, s20  }
0x10: {  	s13 =	sadd.s32 s6, s20;
	s14 =	sadd.s32 s7, s16;
	s15 =	sadd.s32 s8, s16  }
0x11: {  	s16 =	sadd.s32 s9, s16;
	s18 =	sadd.s32 s7, s20;
	s19 =	sadd.s32 s8, s20  }
0x12: {  	s20 =	sadd.s32 s9, s20;
	s22 =	smax.u32 s1, $0x1;
	s25 =	simm.s32 $0x820  }
0x13: {  	s26 =	simm.s32 $0x2080;
	s0 =	simm.s32 $0x1;
	s1 =	simm.s32 $0x13CE0  }
0x14: {  	v0 =	vlaneseq.u32;
	s4 =	simm.s32 $0x2;
	s5 =	simm.s32 $0x0;
	[dreg:$0x4] =	wrdreg s23  }
0x15: {  	v0 =	vmul.u32 $0x8, v0;
	[dreg:$0x5] =	wrdreg s24;
	s23 =	simm.s32 $0x3;
	s24 =	simm.s32 $0x1040  }
.LBB2_1:
0x16: {  	s6 =	rddreg [dreg:$0x2]  }
0x17: {  	[tilespmem:s2], [sflag:$0x3] =	stream.linear.gather [hbm4b:s6+s2], $0x820, $0x38;
	[tilespmem:$0x17DE0] =	vst v63  }
0x18: {  	_ =	swait.ge [sflag:s23], $0x820  }
0x19: {  	[sflag:s23] =	ssyncset.done $0x0  }
0x1a: {  	s9 =	rddreg [dreg:$0x3];
	[sflag:s23] =	ssyncadd.s32 $0xFFFFF7E0  }
0x1b: {  	[tilespmem:s24], [sflag:$0x3] =	stream.linear.gather [hbm4b:s9+s2], $0x820, $0x38;
	[tilespmem:$0x17DE0] =	vst v63  }
0x1c: {  	_ =	swait.ge [sflag:s23], $0x820  }
0x1d: {  	[sflag:s23] =	ssyncset.done $0x0  }
0x1e: {  	[sflag:s23] =	ssyncadd.s32 $0xFFFFF7E0  }
0x1f: {  	[tilespmem:s26], [sflag:$0x1] =	stream.indirect.gather [hbm4b:s3+s25], $0x8, s2, s25, $0xb8;
	[tilespmem:$0x17DE0] =	vst v63  }
0x20: {  	_ = 	snop  }
0x21: {  	[tilespmem:s28], [sflag:$0x1] =	stream.indirect.gather [hbm4b:s3+s25], $0x8, s24, s25, $0xb8;
	[tilespmem:$0x17DE0] =	vst v63  }
0x22: {  	s7 =	rddreg [dreg:$0x4]  }
0x23: {  	[tilespmem:s25], [sflag:$0x3] =	stream.linear.gather [hbm4b:s7+s2], $0x820, $0x38;
	[tilespmem:$0x17DE0] =	vst v63  }
0x24: {  	_ =	swait.ge [sflag:s23], $0x820  }
0x25: {  	[sflag:s23] =	ssyncset.done $0x0  }
0x26: {  	s8 =	rddreg [dreg:$0x5];
	[sflag:s23] =	ssyncadd.s32 $0xFFFFF7E0  }
0x27: {  	[tilespmem:s29], [sflag:$0x3] =	stream.linear.gather [hbm4b:s8+s2], $0x820, $0x38;
	[tilespmem:$0x17DE0] =	vst v63  }
0x28: {  	_ =	swait.ge [sflag:s23], $0x820  }
0x29: {  	[sflag:s23] =	ssyncset.done $0x0  }
0x2a: {  	[sflag:s23] =	ssyncadd.s32 $0xFFFFF7E0  }
0x2b: {  	[tilespmem:s30], [sflag:$0x2] =	stream.indirect.gather [hbm4b:s3+s25], $0x8, s25, s25, $0xb8;
	[tilespmem:$0x17DE0] =	vst v63  }
0x2c: {  	_ = 	snop  }
0x2d: {  	[tilespmem:s31], [sflag:$0x2] =	stream.indirect.gather [hbm4b:s3+s25], $0x8, s29, s25, $0xb8;
	[tilespmem:$0x17DE0] =	vst v63  }
0x2e: {  	s7 =	simm.s32 $0x12480;
	s9 =	rddreg [dreg:$0x6]  }
0x2f: {  	[tilespmem:s7], [sflag:$0x3] =	stream.linear.gather [hbm4b:s9+s2], $0x820, $0x38;
	[tilespmem:$0x17DE0] =	vst v63  }
0x30: {  	_ =	swait.ge [sflag:s23], $0x820  }
0x31: {  	[sflag:s23] =	ssyncset.done $0x0  }
0x32: {  	s6 =	simm.s32 $0x12CA0;
	s8 =	rddreg [dreg:$0x7];
	[sflag:s23] =	ssyncadd.s32 $0xFFFFF7E0  }
0x33: {  	[tilespmem:s6], [sflag:$0x3] =	stream.linear.gather [hbm4b:s8+s2], $0x820, $0x38;
	[tilespmem:$0x17DE0] =	vst v63  }
0x34: {  	_ =	swait.ge [sflag:s23], $0x820  }
0x35: {  	[sflag:s23] =	ssyncset.done $0x0  }
0x36: {  	s8 =	simm.s32 $0x134C0;
	[sflag:s23] =	ssyncadd.s32 $0xFFFFF7E0  }
0x37: {  	[tilespmem:s8], [sflag:$0x3] =	stream.linear.gather [hbm4b:s10+s2], $0x820, $0x38;
	[tilespmem:$0x17DE0] =	vst v63  }
0x38: {  	_ =	swait.ge [sflag:s23], $0x820  }
0x39: {  	[sflag:s23] =	ssyncset.done $0x0  }
0x3a: {  	[sflag:s23] =	ssyncadd.s32 $0xFFFFF7E0  }
0x3b: {  	v1 =	vmov s2;
	_ =	swait.ge [sflag:s0], $0x4100  }
0x3c: {  	v1 =	vshll.u32 v1, $0x3;
	[sflag:s0] =	ssyncset.done $0x0  }
0x3d: {  	v5 =	vor.u32 v0, v1;
	[sflag:s0] =	ssyncadd.s32 $0xFFFFBF00  }
0x3e: {  	v1 =	vor.u32 $0x2, v5;
	_ =	swait.ge [sflag:s0], $0x4100  }
0x3f: {  	[sflag:s0] =	ssyncset.done $0x0  }
0x40: {  	v3 =	vor.u32 $0x3, v5;
	[sflag:s0] =	ssyncadd.s32 $0xFFFFBF00  }
0x41: {  	v4 =	vld [tilespmem:s8+$0x0];
	_ =	sdelay $0x1  }
0x42: {  	v7 =	vld.idx.msk [tilespmem:v1+s26+$0x0], $0xffff  }
0x43: {  	v1 =	vld.idx.msk [tilespmem:v1+s28+$0x0], $0xffff  }
0x44: {  	v8 =	vld.idx.msk [tilespmem:v3+s26+$0x0], $0xffff  }
0x45: {  	v2 =	vor.u32 $0x1, v5;
	v3 =	vld.idx.msk [tilespmem:v3+s28+$0x0], $0xffff;
	(erf) = vrcp.f32 v4  }
0x46: {  	v6 =	vld [tilespmem:s7+$0x0]  }
0x47: {  	v9 =	vld.idx.msk [tilespmem:v5+s26+$0x0], $0xffff  }
0x48: {  	v4 =	vld.idx.msk [tilespmem:v5+s28+$0x0], $0xffff  }
0x49: {  	v10 =	vld [tilespmem:s6+$0x0]  }
0x4a: {  	v11 =	vld.idx.msk [tilespmem:v2+s26+$0x0], $0xffff;
	v1 =	vadd.f32 v1, v7;
	v3 =	vadd.f32 v3, v8  }
0x4b: {  	v7 =	vld.idx.msk [tilespmem:v2+s28+$0x0], $0xffff  }
0x4c: {  	v1 =	vmul.f32 $5.000000000e-01, v1  }
0x4d: {  	v12 =	vmul.f32 $5.000000000e-01, v3;
	v63 =	vsub.f32 v9, v4  }
0x4e: {  	v1 =	vmul.f32 v6, v1;
	v3 =	vpop (erf)  }
0x4f: {  	vm0 =	vgt.f32 v4, v9;
	v4 =	vmul.f32 v10, v12;
	v3 =	vmul.f32 v3, v63  }
0x50: {  	s9 =	simm.s32 $0x10;
	v6 =	vsel vm0, v7, v11  }
0x51: {  	v1 =	vadd.f32 v4, v1;
	v4 =	vmul.f32 v3, v6;
	v6 =	vmov s9  }
0x52: {  	v6 =	vshll.u32 v6, $0x3  }
0x53: {  	v7 =	vsub.f32 v1, v4;
	v1 =	vor.u32 v0, v6  }
0x54: {  	v4 =	vor.u32 $0x2, v1  }
0x55: {  	s9 =	simm.s32 $0x20;
	[tilespmem:v5+s1+$0x0] =	vst.idx.msk $0xffff, v7  }
.LBB2_2:
0x56: {  	p0 =	sne.s32 s9, $0x810;
	v5 =	vor.u32 $0x3, v1;
	[tilespmem:v2+s1+$0x0] =	vst.idx.msk $0xffff, v3;
	s8 =	sadd.s32 $0x10, s8  }
0x57: {  	s7 =	sadd.s32 $0x10, s7;
	v3 =	vld [tilespmem:s8+$0x0]  }
0x58: {  	v6 =	vld [tilespmem:s7+$0x0]  }
0x59: {  	v7 =	vld.idx.msk [tilespmem:v4+s26+$0x0], $0xffff  }
0x5a: {  	v4 =	vld.idx.msk [tilespmem:v4+s28+$0x0], $0xffff  }
0x5b: {  	v2 =	vor.u32 $0x1, v1;
	v8 =	vld.idx.msk [tilespmem:v5+s26+$0x0], $0xffff  }
0x5c: {  	v5 =	vld.idx.msk [tilespmem:v5+s28+$0x0], $0xffff;
	(erf) = vrcp.f32 v3  }
0x5d: {  	v9 =	vld.idx.msk [tilespmem:v1+s28+$0x0], $0xffff  }
0x5e: {  	s6 =	sadd.s32 $0x10, s6;
	v10 =	vld.idx.msk [tilespmem:v1+s26+$0x0], $0xffff  }
0x5f: {  	v11 =	vld [tilespmem:s6+$0x0]  }
0x60: {  	v12 =	vld.idx.msk [tilespmem:v2+s26+$0x0], $0xffff  }
0x61: {  	v3 =	vadd.f32 v4, v7;
	v13 =	vld.idx.msk [tilespmem:v2+s28+$0x0], $0xffff  }
0x62: {  	v4 =	vadd.f32 v5, v8  }
0x63: {  	v7 =	vmul.f32 $5.000000000e-01, v3  }
0x64: {  	v5 =	vsub.f32 v10, v9;
	v4 =	vmul.f32 $5.000000000e-01, v4  }
0x65: {  	v6 =	vmul.f32 v6, v7;
	v3 =	vpop (erf)  }
0x66: {  	vm0 =	vgt.f32 v9, v10;
	v4 =	vmul.f32 v11, v4;
	v3 =	vmul.f32 v3, v5  }
0x67: {  	v5 =	vsel vm0, v13, v12  }
.Ltmp0:
0x68: {  	v7 =	vmov s9;
	v4 =	vadd.f32 v4, v6;
	v5 =	vmul.f32 v3, v5;
	(pc) =	sbr.rel @p0 .LBB2_2-.Ltmp0, $4  }
0x69: {  	v6 =	vshll.u32 v7, $0x3  }
0x6a: {  	v6 =	vor.u32 v0, v6;
	v5 =	vsub.f32 v4, v5  }
0x6b: {  	v4 =	vor.u32 $0x2, v6  }
0x6c: {  	s9 =	sadd.s32 $0x10, s9;
	[tilespmem:v1+s1+$0x0] =	vst.idx.msk $0xffff, v5;
	v1 =	vmov v6  }
0x6d: {  	_ =	sdelay $0x3  }
0x6e: {  	[tilespmem:v2+s1+$0x0] =	vst.idx.msk $0xffff, v3;
	s8 =	sadd.s32 $0x10, s8  }
0x6f: {  	v2 =	vor.u32 $0x3, v1;
	v3 =	vld [tilespmem:s8+$0x0]  }
0x70: {  	s7 =	sadd.s32 $0x10, s7  }
0x71: {  	v5 =	vld [tilespmem:s7+$0x0]  }
0x72: {  	v6 =	vld.idx.msk [tilespmem:v4+s26+$0x0], $0xffff  }
0x73: {  	v4 =	vld.idx.msk [tilespmem:v4+s28+$0x0], $0xffff  }
0x74: {  	v7 =	vor.u32 $0x1, v1;
	v8 =	vld.idx.msk [tilespmem:v2+s26+$0x0], $0xffff;
	(erf) = vrcp.f32 v3  }
0x75: {  	v2 =	vld.idx.msk [tilespmem:v2+s28+$0x0], $0xffff  }
0x76: {  	v9 =	vld.idx.msk [tilespmem:v1+s26+$0x0], $0xffff  }
0x77: {  	s6 =	sadd.s32 $0x10, s6;
	v3 =	vld.idx.msk [tilespmem:v1+s28+$0x0], $0xffff  }
0x78: {  	v10 =	vld [tilespmem:s6+$0x0]  }
0x79: {  	v11 =	vld.idx.msk [tilespmem:v7+s26+$0x0], $0xffff;
	v4 =	vadd.f32 v4, v6  }
0x7a: {  	v6 =	vld.idx.msk [tilespmem:v7+s28+$0x0], $0xffff;
	v2 =	vadd.f32 v2, v8  }
0x7b: {  	v4 =	vmul.f32 $5.000000000e-01, v4  }
0x7c: {  	v58 =	vsub.f32 v9, v3;
	v2 =	vmul.f32 $5.000000000e-01, v2  }
0x7d: {  	v4 =	vmul.f32 v5, v4;
	v5 =	vpop (erf)  }
0x7e: {  	vm0 =	vgt.f32 v3, v9;
	v2 =	vmul.f32 v10, v2;
	v5 =	vmul.f32 v5, v58  }
0x7f: {  	v3 =	vsel vm0, v6, v11  }
0x80: {  	v2 =	vadd.f32 v2, v4;
	v3 =	vmul.f32 v5, v3;
	_ =	sdelay $0x1  }
0x81: {  	v2 =	vsub.f32 v2, v3;
	_ =	sdelay $0x1  }
0x82: {  	[tilespmem:v1+s1+$0x0] =	vst.idx.msk $0xffff, v2  }
0x83: {  	s9 =	simm.s32 $0x0;
	[tilespmem:v7+s1+$0x0] =	vst.idx.msk $0xffff, v5  }
0x84: {  	[hbm4b:s11+s9] =	stream.linear.scatter [tilespmem:s1], [sflag:$0x3], $0x4100, $0x38;
	[tilespmem:$0x17DE0] =	vst v63  }
0x85: {  	_ =	swait.ge [sflag:s23], $0x4100  }
0x86: {  	[sflag:s23] =	ssyncset.done $0x0  }
0x87: {  	[sflag:s23] =	ssyncadd.s32 $0xFFFFBF00  }
0x88: {  	[tilespmem:s9], [sflag:$0x3] =	stream.linear.gather [hbm4b:s12+s9], $0x820, $0x38;
	[tilespmem:$0x17DE0] =	vst v63  }
0x89: {  	_ =	swait.ge [sflag:s23], $0x820  }
0x8a: {  	[sflag:s23] =	ssyncset.done $0x0  }
0x8b: {  	[sflag:s23] =	ssyncadd.s32 $0xFFFFF7E0  }
0x8c: {  	[tilespmem:s24], [sflag:$0x3] =	stream.linear.gather [hbm4b:s13+s9], $0x820, $0x38;
	[tilespmem:$0x17DE0] =	vst v63  }
0x8d: {  	_ =	swait.ge [sflag:s23], $0x820  }
0x8e: {  	[sflag:s23] =	ssyncset.done $0x0  }
0x8f: {  	[sflag:s23] =	ssyncadd.s32 $0xFFFFF7E0  }
0x90: {  	[tilespmem:s26], [sflag:$0x1] =	stream.indirect.gather [hbm4b:s3+s25], $0x8, s9, s25, $0xb8;
	[tilespmem:$0x17DE0] =	vst v63  }
0x91: {  	_ = 	snop  }
0x92: {  	[tilespmem:s28], [sflag:$0x1] =	stream.indirect.gather [hbm4b:s3+s25], $0x8, s24, s25, $0xb8;
	[tilespmem:$0x17DE0] =	vst v63  }
0x93: {  	s7 =	simm.s32 $0x12480  }
0x94: {  	[tilespmem:s7], [sflag:$0x3] =	stream.linear.gather [hbm4b:s14+s9], $0x820, $0x38;
	[tilespmem:$0x17DE0] =	vst v63  }
0x95: {  	_ =	swait.ge [sflag:s23], $0x820  }
0x96: {  	[sflag:s23] =	ssyncset.done $0x0  }
0x97: {  	s6 =	simm.s32 $0x12CA0;
	[sflag:s23] =	ssyncadd.s32 $0xFFFFF7E0  }
0x98: {  	[tilespmem:s6], [sflag:$0x3] =	stream.linear.gather [hbm4b:s15+s9], $0x820, $0x38;
	[tilespmem:$0x17DE0] =	vst v63  }
0x99: {  	_ =	swait.ge [sflag:s23], $0x820  }
0x9a: {  	[sflag:s23] =	ssyncset.done $0x0  }
0x9b: {  	s8 =	simm.s32 $0x134C0;
	[sflag:s23] =	ssyncadd.s32 $0xFFFFF7E0  }
0x9c: {  	[tilespmem:s8], [sflag:$0x3] =	stream.linear.gather [hbm4b:s16+s9], $0x820, $0x38;
	[tilespmem:$0x17DE0] =	vst v63  }
0x9d: {  	_ =	swait.ge [sflag:s23], $0x820  }
0x9e: {  	[sflag:s23] =	ssyncset.done $0x0  }
0x9f: {  	[sflag:s23] =	ssyncadd.s32 $0xFFFFF7E0  }
0xa0: {  	v1 =	vmov s9;
	_ =	swait.ge [sflag:s4], $0x4100  }
0xa1: {  	v1 =	vshll.u32 v1, $0x3;
	[sflag:s4] =	ssyncset.done $0x0  }
0xa2: {  	v5 =	vor.u32 v0, v1;
	[sflag:s4] =	ssyncadd.s32 $0xFFFFBF00  }
0xa3: {  	v1 =	vor.u32 $0x2, v5;
	_ =	swait.ge [sflag:s4], $0x4100  }
0xa4: {  	[sflag:s4] =	ssyncset.done $0x0  }
0xa5: {  	v3 =	vor.u32 $0x3, v5;
	[sflag:s4] =	ssyncadd.s32 $0xFFFFBF00  }
0xa6: {  	v4 =	vld [tilespmem:s8+$0x0];
	_ =	sdelay $0x1  }
0xa7: {  	v7 =	vld.idx.msk [tilespmem:v1+s30+$0x0], $0xffff  }
0xa8: {  	v1 =	vld.idx.msk [tilespmem:v1+s31+$0x0], $0xffff  }
0xa9: {  	v59 =	vld.idx.msk [tilespmem:v3+s30+$0x0], $0xffff  }
0xaa: {  	v2 =	vor.u32 $0x1, v5;
	v3 =	vld.idx.msk [tilespmem:v3+s31+$0x0], $0xffff;
	(erf) = vrcp.f32 v4  }
0xab: {  	v6 =	vld [tilespmem:s7+$0x0]  }
0xac: {  	v60 =	vld.idx.msk [tilespmem:v5+s30+$0x0], $0xffff  }
0xad: {  	v4 =	vld.idx.msk [tilespmem:v5+s31+$0x0], $0xffff  }
0xae: {  	v61 =	vld [tilespmem:s6+$0x0]  }
0xaf: {  	v62 =	vld.idx.msk [tilespmem:v2+s30+$0x0], $0xffff;
	v1 =	vadd.f32 v1, v7;
	v3 =	vadd.f32 v3, v59  }
0xb0: {  	v7 =	vld.idx.msk [tilespmem:v2+s31+$0x0], $0xffff  }
0xb1: {  	v1 =	vmul.f32 $5.000000000e-01, v1  }
0xb2: {  	v12 =	vmul.f32 $5.000000000e-01, v3;
	v63 =	vsub.f32 v60, v4  }
0xb3: {  	v1 =	vmul.f32 v6, v1;
	v3 =	vpop (erf)  }
0xb4: {  	vm15 =	vgt.f32 v4, v60;
	v4 =	vmul.f32 v61, v12;
	v3 =	vmul.f32 v3, v63  }
0xb5: {  	s9 =	simm.s32 $0x10;
	v6 =	vsel vm15, v7, v62  }
0xb6: {  	v1 =	vadd.f32 v4, v1;
	v4 =	vmul.f32 v3, v6;
	v6 =	vmov s9  }
0xb7: {  	v6 =	vshll.u32 v6, $0x3  }
0xb8: {  	v7 =	vsub.f32 v1, v4;
	v1 =	vor.u32 v0, v6  }
0xb9: {  	v4 =	vor.u32 $0x2, v1  }
0xba: {  	s9 =	simm.s32 $0x20;
	[tilespmem:v5+s1+$0x0] =	vst.idx.msk $0xffff, v7  }
.LBB2_4:
0xbb: {  	p0 =	sne.s32 s9, $0x810;
	v5 =	vor.u32 $0x3, v1;
	[tilespmem:v2+s1+$0x0] =	vst.idx.msk $0xffff, v3;
	s8 =	sadd.s32 $0x10, s8  }
0xbc: {  	s7 =	sadd.s32 $0x10, s7;
	v3 =	vld [tilespmem:s8+$0x0]  }
0xbd: {  	v6 =	vld [tilespmem:s7+$0x0]  }
0xbe: {  	v7 =	vld.idx.msk [tilespmem:v4+s30+$0x0], $0xffff  }
0xbf: {  	v4 =	vld.idx.msk [tilespmem:v4+s31+$0x0], $0xffff  }
0xc0: {  	v2 =	vor.u32 $0x1, v1;
	v8 =	vld.idx.msk [tilespmem:v5+s30+$0x0], $0xffff  }
0xc1: {  	v5 =	vld.idx.msk [tilespmem:v5+s31+$0x0], $0xffff;
	(erf) = vrcp.f32 v3  }
0xc2: {  	v9 =	vld.idx.msk [tilespmem:v1+s31+$0x0], $0xffff  }
0xc3: {  	s6 =	sadd.s32 $0x10, s6;
	v10 =	vld.idx.msk [tilespmem:v1+s30+$0x0], $0xffff  }
0xc4: {  	v11 =	vld [tilespmem:s6+$0x0]  }
0xc5: {  	v12 =	vld.idx.msk [tilespmem:v2+s30+$0x0], $0xffff  }
0xc6: {  	v3 =	vadd.f32 v4, v7;
	v13 =	vld.idx.msk [tilespmem:v2+s31+$0x0], $0xffff  }
0xc7: {  	v4 =	vadd.f32 v5, v8  }
0xc8: {  	v7 =	vmul.f32 $5.000000000e-01, v3  }
0xc9: {  	v5 =	vsub.f32 v10, v9;
	v4 =	vmul.f32 $5.000000000e-01, v4  }
0xca: {  	v6 =	vmul.f32 v6, v7;
	v3 =	vpop (erf)  }
0xcb: {  	vm0 =	vgt.f32 v9, v10;
	v4 =	vmul.f32 v11, v4;
	v3 =	vmul.f32 v3, v5  }
0xcc: {  	v5 =	vsel vm0, v13, v12  }
.Ltmp1:
0xcd: {  	v7 =	vmov s9;
	v4 =	vadd.f32 v4, v6;
	v5 =	vmul.f32 v3, v5;
	(pc) =	sbr.rel @p0 .LBB2_4-.Ltmp1, $4  }
0xce: {  	v6 =	vshll.u32 v7, $0x3  }
0xcf: {  	v6 =	vor.u32 v0, v6;
	v5 =	vsub.f32 v4, v5  }
0xd0: {  	v4 =	vor.u32 $0x2, v6  }
0xd1: {  	s9 =	sadd.s32 $0x10, s9;
	[tilespmem:v1+s1+$0x0] =	vst.idx.msk $0xffff, v5;
	v1 =	vmov v6  }
0xd2: {  	_ =	sdelay $0x3  }
0xd3: {  	[tilespmem:v2+s1+$0x0] =	vst.idx.msk $0xffff, v3;
	s8 =	sadd.s32 $0x10, s8  }
0xd4: {  	v2 =	vor.u32 $0x3, v1;
	v3 =	vld [tilespmem:s8+$0x0]  }
0xd5: {  	s7 =	sadd.s32 $0x10, s7  }
0xd6: {  	v5 =	vld [tilespmem:s7+$0x0]  }
0xd7: {  	v6 =	vld.idx.msk [tilespmem:v4+s30+$0x0], $0xffff  }
0xd8: {  	v4 =	vld.idx.msk [tilespmem:v4+s31+$0x0], $0xffff  }
0xd9: {  	v7 =	vor.u32 $0x1, v1;
	v8 =	vld.idx.msk [tilespmem:v2+s30+$0x0], $0xffff;
	(erf) = vrcp.f32 v3  }
0xda: {  	v2 =	vld.idx.msk [tilespmem:v2+s31+$0x0], $0xffff  }
0xdb: {  	v9 =	vld.idx.msk [tilespmem:v1+s30+$0x0], $0xffff  }
0xdc: {  	s6 =	sadd.s32 $0x10, s6;
	v3 =	vld.idx.msk [tilespmem:v1+s31+$0x0], $0xffff  }
0xdd: {  	v10 =	vld [tilespmem:s6+$0x0]  }
0xde: {  	v11 =	vld.idx.msk [tilespmem:v7+s30+$0x0], $0xffff;
	v4 =	vadd.f32 v4, v6  }
0xdf: {  	v6 =	vld.idx.msk [tilespmem:v7+s31+$0x0], $0xffff;
	v2 =	vadd.f32 v2, v8  }
0xe0: {  	v4 =	vmul.f32 $5.000000000e-01, v4  }
0xe1: {  	v58 =	vsub.f32 v9, v3;
	v2 =	vmul.f32 $5.000000000e-01, v2  }
0xe2: {  	v4 =	vmul.f32 v5, v4;
	v5 =	vpop (erf)  }
0xe3: {  	vm0 =	vgt.f32 v3, v9;
	v2 =	vmul.f32 v10, v2;
	v5 =	vmul.f32 v5, v58  }
0xe4: {  	v3 =	vsel vm0, v6, v11  }
0xe5: {  	v2 =	vadd.f32 v2, v4;
	v3 =	vmul.f32 v5, v3;
	_ =	sdelay $0x1  }
0xe6: {  	v2 =	vsub.f32 v2, v3;
	_ =	sdelay $0x1  }
0xe7: {  	[tilespmem:v1+s1+$0x0] =	vst.idx.msk $0xffff, v2  }
0xe8: {  	s9 =	simm.s32 $0x0;
	[tilespmem:v7+s1+$0x0] =	vst.idx.msk $0xffff, v5  }
0xe9: {  	[hbm4b:s17+s9] =	stream.linear.scatter [tilespmem:s1], [sflag:$0x3], $0x4100, $0x38;
	[tilespmem:$0x17DE0] =	vst v63  }
0xea: {  	_ =	swait.ge [sflag:s23], $0x4100  }
0xeb: {  	[sflag:s23] =	ssyncset.done $0x0  }
0xec: {  	s7 =	simm.s32 $0x12480;
	[sflag:s23] =	ssyncadd.s32 $0xFFFFBF00  }
0xed: {  	[tilespmem:s7], [sflag:$0x3] =	stream.linear.gather [hbm4b:s18+s9], $0x820, $0x38;
	[tilespmem:$0x17DE0] =	vst v63  }
0xee: {  	_ =	swait.ge [sflag:s23], $0x820  }
0xef: {  	[sflag:s23] =	ssyncset.done $0x0  }
0xf0: {  	s6 =	simm.s32 $0x12CA0;
	[sflag:s23] =	ssyncadd.s32 $0xFFFFF7E0  }
0xf1: {  	[tilespmem:s6], [sflag:$0x3] =	stream.linear.gather [hbm4b:s19+s9], $0x820, $0x38;
	[tilespmem:$0x17DE0] =	vst v63  }
0xf2: {  	_ =	swait.ge [sflag:s23], $0x820  }
0xf3: {  	[sflag:s23] =	ssyncset.done $0x0  }
0xf4: {  	s8 =	simm.s32 $0x134C0;
	[sflag:s23] =	ssyncadd.s32 $0xFFFFF7E0  }
0xf5: {  	[tilespmem:s8], [sflag:$0x3] =	stream.linear.gather [hbm4b:s20+s9], $0x820, $0x38;
	[tilespmem:$0x17DE0] =	vst v63  }
0xf6: {  	_ =	swait.ge [sflag:s23], $0x820  }
0xf7: {  	[sflag:s23] =	ssyncset.done $0x0  }
0xf8: {  	[sflag:s23] =	ssyncadd.s32 $0xFFFFF7E0  }
0xf9: {  	v1 =	vmov s9;
	_ =	swait.ge [sflag:s0], $0x4100  }
0xfa: {  	v1 =	vshll.u32 v1, $0x3;
	[sflag:s0] =	ssyncset.done $0x0  }
0xfb: {  	v5 =	vor.u32 v0, v1;
	[sflag:s0] =	ssyncadd.s32 $0xFFFFBF00  }
0xfc: {  	v1 =	vor.u32 $0x2, v5;
	_ =	swait.ge [sflag:s0], $0x4100  }
0xfd: {  	[sflag:s0] =	ssyncset.done $0x0  }
0xfe: {  	v3 =	vor.u32 $0x3, v5;
	[sflag:s0] =	ssyncadd.s32 $0xFFFFBF00  }
0xff: {  	v4 =	vld [tilespmem:s8+$0x0];
	_ =	sdelay $0x1  }
0x100: {  	v7 =	vld.idx.msk [tilespmem:v1+s26+$0x0], $0xffff  }
0x101: {  	v1 =	vld.idx.msk [tilespmem:v1+s28+$0x0], $0xffff  }
0x102: {  	v59 =	vld.idx.msk [tilespmem:v3+s26+$0x0], $0xffff  }
0x103: {  	v2 =	vor.u32 $0x1, v5;
	v3 =	vld.idx.msk [tilespmem:v3+s28+$0x0], $0xffff;
	(erf) = vrcp.f32 v4  }
0x104: {  	v6 =	vld [tilespmem:s7+$0x0]  }
0x105: {  	v60 =	vld.idx.msk [tilespmem:v5+s26+$0x0], $0xffff  }
0x106: {  	v4 =	vld.idx.msk [tilespmem:v5+s28+$0x0], $0xffff  }
0x107: {  	v61 =	vld [tilespmem:s6+$0x0]  }
0x108: {  	v62 =	vld.idx.msk [tilespmem:v2+s26+$0x0], $0xffff;
	v1 =	vadd.f32 v1, v7;
	v3 =	vadd.f32 v3, v59  }
0x109: {  	v7 =	vld.idx.msk [tilespmem:v2+s28+$0x0], $0xffff  }
0x10a: {  	v1 =	vmul.f32 $5.000000000e-01, v1  }
0x10b: {  	v12 =	vmul.f32 $5.000000000e-01, v3;
	v63 =	vsub.f32 v60, v4  }
0x10c: {  	v1 =	vmul.f32 v6, v1;
	v3 =	vpop (erf)  }
0x10d: {  	vm15 =	vgt.f32 v4, v60;
	v4 =	vmul.f32 v61, v12;
	v3 =	vmul.f32 v3, v63  }
0x10e: {  	s9 =	simm.s32 $0x10;
	v6 =	vsel vm15, v7, v62  }
0x10f: {  	v1 =	vadd.f32 v4, v1;
	v4 =	vmul.f32 v3, v6;
	v6 =	vmov s9  }
0x110: {  	v6 =	vshll.u32 v6, $0x3  }
0x111: {  	v7 =	vsub.f32 v1, v4;
	v1 =	vor.u32 v0, v6  }
0x112: {  	v4 =	vor.u32 $0x2, v1  }
0x113: {  	s9 =	simm.s32 $0x20;
	[tilespmem:v5+s1+$0x0] =	vst.idx.msk $0xffff, v7  }
.LBB2_6:
0x114: {  	p0 =	sne.s32 s9, $0x810;
	v5 =	vor.u32 $0x3, v1;
	[tilespmem:v2+s1+$0x0] =	vst.idx.msk $0xffff, v3;
	s8 =	sadd.s32 $0x10, s8  }
0x115: {  	s7 =	sadd.s32 $0x10, s7;
	v3 =	vld [tilespmem:s8+$0x0]  }
0x116: {  	v6 =	vld [tilespmem:s7+$0x0]  }
0x117: {  	v7 =	vld.idx.msk [tilespmem:v4+s26+$0x0], $0xffff  }
0x118: {  	v4 =	vld.idx.msk [tilespmem:v4+s28+$0x0], $0xffff  }
0x119: {  	v2 =	vor.u32 $0x1, v1;
	v8 =	vld.idx.msk [tilespmem:v5+s26+$0x0], $0xffff  }
0x11a: {  	v5 =	vld.idx.msk [tilespmem:v5+s28+$0x0], $0xffff;
	(erf) = vrcp.f32 v3  }
0x11b: {  	v9 =	vld.idx.msk [tilespmem:v1+s28+$0x0], $0xffff  }
0x11c: {  	s6 =	sadd.s32 $0x10, s6;
	v10 =	vld.idx.msk [tilespmem:v1+s26+$0x0], $0xffff  }
0x11d: {  	v11 =	vld [tilespmem:s6+$0x0]  }
0x11e: {  	v12 =	vld.idx.msk [tilespmem:v2+s26+$0x0], $0xffff  }
0x11f: {  	v3 =	vadd.f32 v4, v7;
	v13 =	vld.idx.msk [tilespmem:v2+s28+$0x0], $0xffff  }
0x120: {  	v4 =	vadd.f32 v5, v8  }
0x121: {  	v7 =	vmul.f32 $5.000000000e-01, v3  }
0x122: {  	v5 =	vsub.f32 v10, v9;
	v4 =	vmul.f32 $5.000000000e-01, v4  }
0x123: {  	v6 =	vmul.f32 v6, v7;
	v3 =	vpop (erf)  }
0x124: {  	vm0 =	vgt.f32 v9, v10;
	v4 =	vmul.f32 v11, v4;
	v3 =	vmul.f32 v3, v5  }
0x125: {  	v5 =	vsel vm0, v13, v12  }
.Ltmp2:
0x126: {  	v7 =	vmov s9;
	v4 =	vadd.f32 v4, v6;
	v5 =	vmul.f32 v3, v5;
	(pc) =	sbr.rel @p0 .LBB2_6-.Ltmp2, $4  }
0x127: {  	v6 =	vshll.u32 v7, $0x3  }
0x128: {  	v6 =	vor.u32 v0, v6;
	v5 =	vsub.f32 v4, v5  }
0x129: {  	v4 =	vor.u32 $0x2, v6  }
0x12a: {  	s9 =	sadd.s32 $0x10, s9;
	[tilespmem:v1+s1+$0x0] =	vst.idx.msk $0xffff, v5;
	v1 =	vmov v6  }
0x12b: {  	_ =	sdelay $0x3  }
0x12c: {  	[tilespmem:v2+s1+$0x0] =	vst.idx.msk $0xffff, v3;
	s8 =	sadd.s32 $0x10, s8  }
0x12d: {  	v2 =	vor.u32 $0x3, v1;
	v3 =	vld [tilespmem:s8+$0x0]  }
0x12e: {  	s7 =	sadd.s32 $0x10, s7  }
0x12f: {  	v5 =	vld [tilespmem:s7+$0x0]  }
0x130: {  	v6 =	vld.idx.msk [tilespmem:v4+s26+$0x0], $0xffff  }
0x131: {  	v60 =	vld.idx.msk [tilespmem:v4+s28+$0x0], $0xffff  }
0x132: {  	v7 =	vor.u32 $0x1, v1;
	v8 =	vld.idx.msk [tilespmem:v2+s26+$0x0], $0xffff;
	(erf) = vrcp.f32 v3  }
0x133: {  	v2 =	vld.idx.msk [tilespmem:v2+s28+$0x0], $0xffff  }
0x134: {  	v9 =	vld.idx.msk [tilespmem:v1+s26+$0x0], $0xffff  }
0x135: {  	s6 =	sadd.s32 $0x10, s6;
	v3 =	vld.idx.msk [tilespmem:v1+s28+$0x0], $0xffff  }
0x136: {  	v10 =	vld [tilespmem:s6+$0x0]  }
0x137: {  	v11 =	vld.idx.msk [tilespmem:v7+s26+$0x0], $0xffff;
	v4 =	vadd.f32 v60, v6  }
0x138: {  	v61 =	vld.idx.msk [tilespmem:v7+s28+$0x0], $0xffff;
	v2 =	vadd.f32 v2, v8  }
0x139: {  	v4 =	vmul.f32 $5.000000000e-01, v4  }
0x13a: {  	v62 =	vsub.f32 v9, v3;
	v2 =	vmul.f32 $5.000000000e-01, v2  }
0x13b: {  	v4 =	vmul.f32 v5, v4;
	v63 =	vpop (erf)  }
0x13c: {  	vm0 =	vgt.f32 v3, v9;
	v2 =	vmul.f32 v10, v2;
	v5 =	vmul.f32 v63, v62  }
0x13d: {  	v3 =	vsel vm0, v61, v11  }
0x13e: {  	v2 =	vadd.f32 v2, v4;
	v3 =	vmul.f32 v5, v3;
	_ =	sdelay $0x1  }
0x13f: {  	v2 =	vsub.f32 v2, v3  }
0x140: {  	s5 =	sadd.s32 $0x1, s5  }
0x141: {  	p0 =	sne.s32 s5, s22;
	[tilespmem:v1+s1+$0x0] =	vst.idx.msk $0xffff, v2  }
.Ltmp3:
0x142: {  	[tilespmem:v7+s1+$0x0] =	vst.idx.msk $0xffff, v5;
	(pc) =	sbr.rel @p0 .LBB2_1-.Ltmp3, $4  }
0x143: {  	[hbm4b:s21+s2] =	stream.linear.scatter [tilespmem:s1], [sflag:$0x3], $0x4100, $0x38;
	[tilespmem:$0x17DE0] =	vst v63  }
0x144: {  	_ =	swait.ge [sflag:s23], $0x4100  }
0x145: {  	[sflag:s23] =	ssyncset.done $0x0  }
0x146: {  	[sflag:s23] =	ssyncadd.s32 $0xFFFFBF00  }
0x147: {  	_ =	sfence.sel $0x180000  }
0x148: {  	[bflag:$0x0] =	sbarrier.arrive $0xFFFF  }
0x149: {  	_ =	strace $0x9000004A  }
0x14a: {  	s0 =	stileid.u32;
	[bflag:$0x2] =	sbarrier.arrive $0xFFFF  }
0x14b: {  	p0 =	sne.s32 s0, $0x0;
	s0 =	rddreg [dreg:$0x1]  }
0x14c: {  	s0 =	sadd.s32 @!p0 $0x100000, s0  }
0x14d: {  	[sflag:s0] =	ssyncadd.tile.s32 @!p0 $0x1;
	_ =	shalt  }
.Lfunc_end2:
_tile_overlayer_lowered:
.L_overlay_start_2:
0x14e: {  	(tag) =	ssettag $0x2  }
0x14f: {  	s0 =	rddreg [dreg:$0x0];
	s2 =	stileid.u32  }
0x150: {  	s1 =	rddreg [dreg:$0x1];
	p0 =	sne.s32 s2, $0x0  }
0x151: {  	s3 =	rddreg [dreg:$0x2];
	[bflag:$0x3] =	sbarrier.arrive $0xFFFF;
	s2 =	simm.s32 @!p0 $0x1C03  }
0x152: {  	[timem:s3], [sflag:s2] =	dma.local @!p0 [hbm:s0], s1  }
0x153: {  	s0 =	simm.s32 @!p0 $0x3  }
0x154: {  	_ =	swait.ge @!p0 [sflag:s0], s1  }
0x155: {  	s1 =	ssub.s32 @!p0 $0x0, s1;
	[sflag:s0] =	ssyncset.done @!p0 $0x0  }
0x156: {  	[sflag:s0] =	ssyncadd.s32 @!p0 s1  }
0x157: {  	[bflag:$0x3] =	sbarrier.arrive $0xFFFF  }
0x158: {  	_ =	shalt  }

</sc_bundles>
